<compile_context>
chip_gen: v7x
topology: tpu7x:2x2x1
jax: 0.10.2.dev20260603
libtpu: 0.0.44.dev20260713+nightly
codegen_flags: <defaults>
</compile_context>

<pallas_src>
import functools

import jax
import jax.numpy as jnp
from jax import lax
from jax.experimental import pallas as pl
from jax.experimental.pallas import tpu as pltpu
from jax.experimental.pallas import tpu_sc as plsc

N = 10000
D = 128
E = 320000
T = 16
B = 128
NCH = (E // T + B - 1) // B
EPT = NCH * B
NPAD = 10240
RPW = NPAD // T

_mesh = plsc.VectorSubcoreMesh(core_axis_name="c", subcore_axis_name="s")



@functools.partial(
    pl.kernel, mesh=_mesh,
    out_type=jax.ShapeDtypeStruct((2 * NPAD, 16), jnp.float32),
    scratch_types=[
        pltpu.VMEM((1, NCH, B), jnp.int32),
        pltpu.VMEM((B, 16), jnp.float32),
        pltpu.VMEM_SHARED((NPAD, 16), jnp.float32),
    ],
    compiler_params=pltpu.CompilerParams(use_tc_tiling_on_sc=False),
)
def _deg_kernel(dst_hbm, ones_hbm, zeros_hbm, out_hbm, dst_v, ones_v, acc):
    c = lax.axis_index("c")
    s = lax.axis_index("s")
    pltpu.sync_copy(dst_hbm.at[pl.ds(c * T + s, 1)], dst_v)
    pltpu.sync_copy(ones_hbm, ones_v)
    pltpu.sync_copy(zeros_hbm, acc.at[pl.ds(s * RPW, RPW)])
    plsc.subcore_barrier()

    def body(j, carry):
        pltpu.sync_copy(ones_v, acc.at[dst_v.at[0, j]], add=True)
        return carry

    lax.fori_loop(0, NCH, body, 0)
    plsc.subcore_barrier()
    pltpu.sync_copy(acc.at[pl.ds(s * RPW, RPW)],
                    out_hbm.at[pl.ds(c * NPAD + s * RPW, RPW)])


FC = 64
NG = 2


@functools.partial(
    pl.kernel, mesh=_mesh,
    out_type=jax.ShapeDtypeStruct((2 * NG * NPAD, FC), jnp.float32),
    scratch_types=[
        pltpu.VMEM((NG, NCH, B), jnp.int32),
        pltpu.VMEM((1, NCH, B), jnp.int32),
        pltpu.VMEM((B, FC), jnp.float32),
        pltpu.VMEM_SHARED((NPAD, FC), jnp.float32),
        pltpu.SemaphoreType.DMA,
    ],
    compiler_params=pltpu.CompilerParams(use_tc_tiling_on_sc=False),
)
def _scatter_kernel(table_hbm, src_hbm, dst_hbm, zeros_hbm, out_hbm,
                    src_v, dst_v, rows_v, acc, sem):
    c = lax.axis_index("c")
    s = lax.axis_index("s")
    for g in range(NG):
        pltpu.sync_copy(src_hbm.at[pl.ds(((2 * g + c) * T + s), 1)],
                        src_v.at[pl.ds(g, 1)])
    pltpu.sync_copy(dst_hbm.at[pl.ds(s, 1)], dst_v)

    for g in range(NG):
        pltpu.sync_copy(zeros_hbm, acc.at[pl.ds(s * RPW, RPW)])
        plsc.subcore_barrier()

        def body(j, carry):
            pltpu.async_copy(table_hbm.at[src_v.at[g, j]], rows_v, sem).wait()
            pltpu.sync_copy(rows_v, acc.at[dst_v.at[0, j]], add=True)
            return carry

        lax.fori_loop(0, NCH, body, 0)
        plsc.subcore_barrier()
        pltpu.sync_copy(acc.at[pl.ds(s * RPW, RPW)],
                        out_hbm.at[pl.ds((2 * g + c) * NPAD + s * RPW, RPW)])


NCH2 = 79
EPW = E // (2 * T)
EPWP = NCH2 * B
EPAD2 = 2 * T * EPWP


@functools.partial(
    pl.kernel, mesh=_mesh,
    out_type=jax.ShapeDtypeStruct((EPAD2, 16), jnp.float32),
    scratch_types=[
        pltpu.VMEM((1, NCH2, B), jnp.int32),
        pltpu.VMEM((1, NCH2, B), jnp.int32),
        pltpu.VMEM((B, 4 * 16), jnp.float32),
        pltpu.VMEM((B, 4 * 16), jnp.float32),
        pltpu.VMEM((B, 16), jnp.float32),
        pltpu.SemaphoreType.DMA,
        pltpu.SemaphoreType.DMA,
    ],
    compiler_params=pltpu.CompilerParams(use_tc_tiling_on_sc=False),
)
def _dot_kernel(ztab_hbm, e0_hbm, e1_hbm, out_hbm,
                e0_v, e1_v, ra, rb, ov, sem_a, sem_b):
    c = lax.axis_index("c")
    s = lax.axis_index("s")
    w = c * T + s
    pltpu.sync_copy(e0_hbm.at[pl.ds(w, 1)], e0_v)
    pltpu.sync_copy(e1_hbm.at[pl.ds(w, 1)], e1_v)

    def chunk(j, carry):
        ha = pltpu.async_copy(ztab_hbm.at[e0_v.at[0, j]], ra, sem_a)
        hb = pltpu.async_copy(ztab_hbm.at[e1_v.at[0, j]], rb, sem_b)
        ha.wait()
        hb.wait()

        def edge(e, carry2):
            p = ra[e, pl.ds(0, 16)] * rb[e, pl.ds(0, 16)]
            for i in range(1, 4):
                p = p + ra[e, pl.ds(i * 16, 16)] * rb[e, pl.ds(i * 16, 16)]
            ov[e] = p
            return carry2

        lax.fori_loop(0, B, edge, 0)
        pltpu.sync_copy(ov, out_hbm.at[pl.ds((w * NCH2 + j) * B, B)])
        return carry

    lax.fori_loop(0, NCH2, chunk, 0)


def _edge_tiles32(idx):
    a = idx.astype(jnp.int32).reshape(2 * T, EPW)
    a = jnp.pad(a, ((0, 0), (0, EPWP - EPW)), constant_values=N)
    return a.reshape(2 * T, NCH2, B)


def _edge_dots(z_pad, ei):
    p = _dot_kernel(z_pad, _edge_tiles32(ei[0]), _edge_tiles32(ei[1]))
    return p.sum(axis=1)


def _edge_tiles(idx):
    pad = jnp.full((T * EPT - E,), N, jnp.int32)
    return jnp.concatenate([idx.astype(jnp.int32), pad]).reshape(T, NCH, B)


def _adj_apply(table, src_t4, dst_t):
    zeros = jnp.zeros((RPW, FC), jnp.float32)
    return _scatter_kernel(table, src_t4, dst_t, zeros)



_R = 640
_NB = NPAD // _R
_KB = 2 * NG


def _mm_scale_body(x_ref, w_ref, dinv_ref, o_ref):
    dinv = dinv_ref[...]
    x = x_ref[...]
    w = w_ref[...]
    o_ref[0] = jnp.dot(x, w[:, :FC], preferred_element_type=jnp.float32) * dinv
    o_ref[1] = jnp.dot(x, w[:, FC:], preferred_element_type=jnp.float32) * dinv


def _mm_scale(x_pad, w, dinv_pad):
    k = x_pad.shape[1]
    out = pl.pallas_call(
        _mm_scale_body,
        grid=(_NB, 2),
        in_specs=[pl.BlockSpec((_R, k), lambda i, c: (i, 0)),
                  pl.BlockSpec((k, 2 * FC), lambda i, c: (0, c)),
                  pl.BlockSpec((_R, 1), lambda i, c: (i, 0))],
        out_specs=pl.BlockSpec((2, _R, FC), lambda i, c: (c, i, 0)),
        out_shape=jax.ShapeDtypeStruct((_KB, NPAD, FC), jnp.float32),
    )(x_pad, w, dinv_pad)
    return out.reshape(_KB * NPAD, FC)


def _layer2_body(s_ref, hp_ref, w_ref, dinv_ref, o_ref):
    dinv = dinv_ref[...]
    h1 = jnp.concatenate(
        [jax.nn.relu(dinv * (s_ref[j] + hp_ref[j])) for j in range(_KB)],
        axis=1)
    w = w_ref[...]
    o_ref[0] = jnp.dot(h1, w[:, :FC], preferred_element_type=jnp.float32) * dinv
    o_ref[1] = jnp.dot(h1, w[:, FC:], preferred_element_type=jnp.float32) * dinv


def _layer2(s1, hp1, w2, dinv_pad):
    out = pl.pallas_call(
        _layer2_body,
        grid=(_NB, 2),
        in_specs=[pl.BlockSpec((_KB, _R, FC), lambda i, c: (0, i, 0)),
                  pl.BlockSpec((_KB, _R, FC), lambda i, c: (0, i, 0)),
                  pl.BlockSpec((_KB * FC, 2 * FC), lambda i, c: (0, c)),
                  pl.BlockSpec((_R, 1), lambda i, c: (i, 0))],
        out_specs=pl.BlockSpec((2, _R, FC), lambda i, c: (c, i, 0)),
        out_shape=jax.ShapeDtypeStruct((_KB, NPAD, FC), jnp.float32),
    )(s1.reshape(_KB, NPAD, FC), hp1.reshape(_KB, NPAD, FC), w2, dinv_pad)
    return out.reshape(_KB * NPAD, FC)


def _finish_body(s_ref, hp_ref, dinv_ref, o_ref):
    dinv = dinv_ref[...]
    o_ref[...] = jnp.concatenate(
        [dinv * (s_ref[j] + hp_ref[j]) for j in range(3)], axis=1)


def _finish(s2, hp2, dinv_pad):
    return pl.pallas_call(
        _finish_body,
        grid=(_NB,),
        in_specs=[pl.BlockSpec((_KB, _R, FC), lambda i: (0, i, 0)),
                  pl.BlockSpec((_KB, _R, FC), lambda i: (0, i, 0)),
                  pl.BlockSpec((_R, 1), lambda i: (i, 0))],
        out_specs=pl.BlockSpec((_R, 3 * FC), lambda i: (i, 0)),
        out_shape=jax.ShapeDtypeStruct((NPAD, 3 * FC), jnp.float32),
    )(s2.reshape(_KB, NPAD, FC), hp2.reshape(_KB, NPAD, FC), dinv_pad)



def _att(views, p):
    hs = jnp.stack(views, axis=1)
    w = jnp.tanh(hs @ p['Wa'] + p['ba']) @ p['qa']
    beta = jax.nn.softmax(w, axis=1)
    return jnp.sum(beta[:, :, None] * hs, axis=1)


def _diff_loss(a, b):
    an = lax.stop_gradient(jnp.linalg.norm(a, axis=1, keepdims=True))
    bn = lax.stop_gradient(jnp.linalg.norm(b, axis=1, keepdims=True))
    a2 = a / (an + 1e-6)
    b2 = b / (bn + 1e-6)
    return jnp.mean((a2.T @ b2) ** 2)


def _bce_logits(x, y):
    return jnp.mean(jnp.maximum(x, 0.0) - x * y + jnp.log1p(jnp.exp(-jnp.abs(x))))


_EDGE_MASK = None


def _recon(z_cat, mu_cat, lv_cat, ei, nei, kld_nodes, n):
    global _EDGE_MASK
    if _EDGE_MASK is None:
        _EDGE_MASK = (jnp.arange(EPAD2) % EPWP) < EPW
    z_pad = jnp.pad(z_cat, ((0, NPAD - N), (0, 0)))
    pos = _edge_dots(z_pad, ei)
    neg = _edge_dots(z_pad, nei)
    f_pos = jnp.maximum(pos, 0.0) - pos + jnp.log1p(jnp.exp(-jnp.abs(pos)))
    f_neg = jnp.maximum(neg, 0.0) + jnp.log1p(jnp.exp(-jnp.abs(neg)))
    tot = (jnp.sum(jnp.where(_EDGE_MASK, f_pos, 0.0))
           + jnp.sum(jnp.where(_EDGE_MASK, f_neg, 0.0)))
    norm = float(n * n) / float((n * n - E) * 2)
    cost = norm * tot / float(2 * E)
    kld = -0.5 / float(kld_nodes) * jnp.mean(
        jnp.sum(1.0 + 2.0 * lv_cat - mu_cat ** 2 - jnp.exp(lv_cat) ** 2, axis=1))
    return cost + kld


def _block_diag2(p_pe_l, p_pe_g, p_sh_l, p_sh_g):
    w = jnp.zeros((256, 256), jnp.float32)
    w = w.at[0:64, 0:32].set(p_pe_l['Wmu'])
    w = w.at[0:64, 32:64].set(p_pe_l['Wlv'])
    w = w.at[64:128, 64:96].set(p_pe_g['Wmu'])
    w = w.at[64:128, 96:128].set(p_pe_g['Wlv'])
    w = w.at[128:192, 128:160].set(p_sh_l['W2'])
    w = w.at[192:256, 160:192].set(p_sh_g['W2'])
    return w


def _encode_graph(x, ei, dinv, wcat1, wbig2):
    src_t = _edge_tiles(ei[0])
    dst_t = _edge_tiles(ei[1])
    src_t4 = jnp.concatenate([src_t + k * NPAD for k in range(_KB)],
                             axis=0)
    x_pad = jnp.pad(x, ((0, NPAD - N), (0, 0)))
    dinv_pad = jnp.pad(dinv[:, None], ((0, NPAD - N), (0, 0)))

    hp1 = _mm_scale(x_pad, wcat1, dinv_pad)
    s1 = _adj_apply(hp1, src_t4, dst_t)
    hp2 = _layer2(s1, hp1, wbig2, dinv_pad)
    s2 = _adj_apply(hp2, src_t4, dst_t)
    return _finish(s2, hp2, dinv_pad)[:N]


def kernel(src_x, tgt_x, src_y, params, src_edge_index, tgt_edge_index,
           src_neg_edge_index, tgt_neg_edge_index):
    p = params

    dst_both = jnp.concatenate([_edge_tiles(src_edge_index[1]),
                                _edge_tiles(tgt_edge_index[1])], axis=0)
    ones = jnp.ones((B, 16), jnp.float32)
    zeros16 = jnp.zeros((RPW, 16), jnp.float32)
    deg_out = _deg_kernel(dst_both, ones, zeros16)
    dinv_s = lax.rsqrt(deg_out[:N, 0] + 1.0)
    dinv_t = lax.rsqrt(deg_out[NPAD:NPAD + N, 0] + 1.0)

    wcat1_s = jnp.concatenate([p['pe_s_l']['W1'], p['pe_s_g']['W1'],
                               p['sh_l']['W1'], p['sh_g']['W1']], axis=1)
    wcat1_t = jnp.concatenate([p['pe_t_l']['W1'], p['pe_t_g']['W1'],
                               p['sh_l']['W1'], p['sh_g']['W1']], axis=1)
    wbig2_s = _block_diag2(p['pe_s_l'], p['pe_s_g'], p['sh_l'], p['sh_g'])
    wbig2_t = _block_diag2(p['pe_t_l'], p['pe_t_g'], p['sh_l'], p['sh_g'])

    ys = _encode_graph(src_x, src_edge_index, dinv_s, wcat1_s, wbig2_s)
    yt = _encode_graph(tgt_x, tgt_edge_index, dinv_t, wcat1_t, wbig2_t)

    mu_s, lv_s = ys[:, 0:32], ys[:, 32:64]
    mu_s_p, lv_s_p = ys[:, 64:96], ys[:, 96:128]
    z_s, z_s_p = ys[:, 128:160], ys[:, 160:192]
    mu_t, lv_t = yt[:, 0:32], yt[:, 32:64]
    mu_t_p, lv_t_p = yt[:, 64:96], yt[:, 96:128]
    z_t, z_t_p = yt[:, 128:160], yt[:, 160:192]
    rec_s, rec_s_p, rec_t, rec_t_p = mu_s, mu_s_p, mu_t, mu_t_p
    se_s1 = se_s2 = z_s
    pp_s1 = pp_s2 = z_s_p
    se_t1 = se_t2 = z_t
    pp_t1 = pp_t2 = z_t_p

    n = N
    x_ds = _att([se_s1, pp_s1], p['att'])
    x_dt = _att([se_t1, pp_t1], p['att'])
    src_logits = x_ds @ p['cls_W'] + p['cls_b']
    labels = jnp.argmax(src_y, axis=1)
    ls = jax.nn.log_softmax(src_logits, axis=-1)
    clf_loss = -jnp.mean(jnp.take_along_axis(ls, labels[:, None], axis=1))
    tgt_logits = x_dt @ p['cls_W'] + p['cls_b']
    tp = jnp.clip(jax.nn.softmax(tgt_logits, axis=-1), 1e-9, 1.0)
    entropy_loss = jnp.mean(jnp.sum(-tp * jnp.log(tp), axis=-1))
    diff_loss = _diff_loss(mu_s, se_s1) + _diff_loss(mu_t, se_t1)
    z_cat_s = jnp.concatenate([_att([rec_s, rec_s_p], p['att_s']),
                               _att([z_s, z_s_p], p['att_s'])], axis=1)
    z_cat_t = jnp.concatenate([_att([rec_t, rec_t_p], p['att_t']),
                               _att([z_t, z_t_p], p['att_t'])], axis=1)
    mu_cat_s = jnp.concatenate([mu_s, mu_s_p, se_s1, pp_s1], axis=1)
    mu_cat_t = jnp.concatenate([mu_t, mu_t_p, se_t1, pp_t1], axis=1)
    lv_cat_s = jnp.concatenate([lv_s, lv_s_p, se_s2, pp_s2], axis=1)
    lv_cat_t = jnp.concatenate([lv_t, lv_t_p, se_t2, pp_t2], axis=1)
    recon_loss = (_recon(z_cat_s, mu_cat_s, lv_cat_s,
                         src_edge_index, src_neg_edge_index, n, n)
                  + _recon(z_cat_t, mu_cat_t, lv_cat_t,
                           tgt_edge_index, tgt_neg_edge_index, 2 * n, n))
    d_s = x_ds @ p['dis_W'] + p['dis_b']
    d_t = x_dt @ p['dis_W'] + p['dis_b']
    domain_loss = (_bce_logits(d_s[:, 0], jnp.zeros((n,), jnp.float32))
                   + _bce_logits(d_t[:, 0], jnp.ones((n,), jnp.float32)))
    return clf_loss + entropy_loss + diff_loss + recon_loss + domain_loss

# --- scband reference (transcript-rebuilt; emitter-appended) ---
"""Pipeline reference for scband-asn-nc-38491496906833 (READ-ONLY COPY).

The authoritative reference and input builder live on the scoring server;
editing this copy changes nothing except your own understanding.
"""

import jax, jax.numpy as jnp
import numpy as np

N = 10000
E = 320000
D = 128
H1 = 64
H2 = 32
C = 16

def _glorot(key, shape):
    lim = float(np.sqrt(6.0 / (shape[0] + shape[1])))
    return jax.random.uniform(key, shape, minval=-lim, maxval=lim, dtype=jnp.float32)

def _vae_params(k):
    k1, k2, k3 = jax.random.split(k, 3)
    return {'W1': _glorot(k1, (D, H1)), 'Wmu': _glorot(k2, (H1, H2)), 'Wlv': _glorot(k3, (H1, H2))}

def _gcn_params(k):
    k1, k2 = jax.random.split(k)
    return {'W1': _glorot(k1, (D, H1)), 'W2': _glorot(k2, (H1, H2))}

def _att_params(k):
    k1, k2 = jax.random.split(k)
    return {'Wa': _glorot(k1, (H2, H2)), 'ba': jnp.zeros((H2,), jnp.float32), 'qa': _glorot(k2, (H2, 1))[:, 0]}

def setup_inputs(seed: int = 0):
    key = jax.random.key(seed)
    ks = jax.random.split(key, 24)
    params = {
        'pe_s_l': _vae_params(ks[0]),
        'pe_t_l': _vae_params(ks[1]),
        'pe_s_g': _vae_params(ks[2]),
        'pe_t_g': _vae_params(ks[3]),
        'sh_l': _gcn_params(ks[4]),
        'sh_g': _gcn_params(ks[5]),
        'cls_W': _glorot(ks[6], (H2, C)),
        'cls_b': jnp.zeros((C,), jnp.float32),
        'dis_W': _glorot(ks[7], (H2, 1)),
        'dis_b': jnp.zeros((1,), jnp.float32),
        'att': _att_params(ks[8]),
        'att_s': _att_params(ks[9]),
        'att_t': _att_params(ks[10]),
    }
    return {
        'src_x': jax.random.normal(ks[11], (N, D), dtype=jnp.float32),
        'tgt_x': jax.random.normal(ks[12], (N, D), dtype=jnp.float32),
        'src_y': jax.random.uniform(ks[13], (N, C), dtype=jnp.float32),
        'params': params,
        'src_edge_index': jax.random.randint(ks[14], (2, E), 0, N, dtype=jnp.int32),
        'tgt_edge_index': jax.random.randint(ks[15], (2, E), 0, N, dtype=jnp.int32),
        'src_neg_edge_index': jax.random.randint(ks[16], (2, E), 0, N, dtype=jnp.int32),
        'tgt_neg_edge_index': jax.random.randint(ks[17], (2, E), 0, N, dtype=jnp.int32),
    }

def _gcn_layer(x, ei, W, n):
    src, dst = ei[0], ei[1]
    h = x @ W
    deg = jnp.zeros((n,), jnp.float32).at[dst].add(1.0) + 1.0
    dinv = jax.lax.rsqrt(deg)
    coef = dinv[src] * dinv[dst]
    agg = jnp.zeros((n, W.shape[1]), jnp.float32).at[dst].add(h[src] * coef[:, None])
    return agg + h * (dinv * dinv)[:, None]

def _vae_enc(x, ei, p, n):
    h1 = jax.nn.relu(_gcn_layer(x, ei, p['W1'], n))
    mu = _gcn_layer(h1, ei, p['Wmu'], n)
    lv = _gcn_layer(h1, ei, p['Wlv'], n)
    return mu, mu, lv

def _gcn_enc(x, ei, p, n):
    h1 = jax.nn.relu(_gcn_layer(x, ei, p['W1'], n))
    z = _gcn_layer(h1, ei, p['W2'], n)
    return z, z, z

def _att(views, p):
    hs = jnp.stack(views, axis=1)
    w = jnp.tanh(hs @ p['Wa'] + p['ba']) @ p['qa']
    beta = jax.nn.softmax(w, axis=1)
    return jnp.sum(beta[:, :, None] * hs, axis=1)

def _diff_loss(a, b):
    an = jax.lax.stop_gradient(jnp.linalg.norm(a, axis=1, keepdims=True))
    bn = jax.lax.stop_gradient(jnp.linalg.norm(b, axis=1, keepdims=True))
    a2 = a / (an + 1e-6)
    b2 = b / (bn + 1e-6)
    return jnp.mean((a2.T @ b2) ** 2)

def _bce_logits(x, y):
    return jnp.mean(jnp.maximum(x, 0.0) - x * y + jnp.log1p(jnp.exp(-jnp.abs(x))))

def _recon(z_cat, mu_cat, lv_cat, ei, nei, kld_nodes, n):
    pos = jnp.sum(z_cat[ei[0]] * z_cat[ei[1]], axis=1)
    neg = jnp.sum(z_cat[nei[0]] * z_cat[nei[1]], axis=1)
    preds = jnp.concatenate([pos, neg])
    labels = jnp.concatenate([jnp.ones_like(pos), jnp.zeros_like(neg)])
    e = pos.shape[0]
    norm = float(n * n) / float((n * n - e) * 2)
    cost = norm * _bce_logits(preds, labels)
    kld = -0.5 / float(kld_nodes) * jnp.mean(jnp.sum(1.0 + 2.0 * lv_cat - mu_cat ** 2 - jnp.exp(lv_cat) ** 2, axis=1))
    return cost + kld

def _forward(src_x, tgt_x, src_y, params, src_ei, tgt_ei, src_nei, tgt_nei):
    n = src_x.shape[0]
    rec_s, mu_s, lv_s = _vae_enc(src_x, src_ei, params['pe_s_l'], n)
    rec_t, mu_t, lv_t = _vae_enc(tgt_x, tgt_ei, params['pe_t_l'], n)
    rec_s_p, mu_s_p, lv_s_p = _vae_enc(src_x, src_ei, params['pe_s_g'], n)
    rec_t_p, mu_t_p, lv_t_p = _vae_enc(tgt_x, tgt_ei, params['pe_t_g'], n)
    z_s, se_s1, se_s2 = _gcn_enc(src_x, src_ei, params['sh_l'], n)
    z_t, se_t1, se_t2 = _gcn_enc(tgt_x, tgt_ei, params['sh_l'], n)
    z_s_p, pp_s1, pp_s2 = _gcn_enc(src_x, src_ei, params['sh_g'], n)
    z_t_p, pp_t1, pp_t2 = _gcn_enc(tgt_x, tgt_ei, params['sh_g'], n)
    x_ds = _att([se_s1, pp_s1], params['att'])
    x_dt = _att([se_t1, pp_t1], params['att'])
    src_logits = x_ds @ params['cls_W'] + params['cls_b']
    labels = jnp.argmax(src_y, axis=1)
    ls = jax.nn.log_softmax(src_logits, axis=-1)
    clf_loss = -jnp.mean(jnp.take_along_axis(ls, labels[:, None], axis=1))
    tgt_logits = x_dt @ params['cls_W'] + params['cls_b']
    tp = jnp.clip(jax.nn.softmax(tgt_logits, axis=-1), 1e-9, 1.0)
    entropy_loss = jnp.mean(jnp.sum(-tp * jnp.log(tp), axis=-1))
    diff_loss = _diff_loss(mu_s, se_s1) + _diff_loss(mu_t, se_t1)
    z_cat_s = jnp.concatenate([_att([rec_s, rec_s_p], params['att_s']), _att([z_s, z_s_p], params['att_s'])], axis=1)
    z_cat_t = jnp.concatenate([_att([rec_t, rec_t_p], params['att_t']), _att([z_t, z_t_p], params['att_t'])], axis=1)
    mu_cat_s = jnp.concatenate([mu_s, mu_s_p, se_s1, pp_s1], axis=1)
    mu_cat_t = jnp.concatenate([mu_t, mu_t_p, se_t1, pp_t1], axis=1)
    lv_cat_s = jnp.concatenate([lv_s, lv_s_p, se_s2, pp_s2], axis=1)
    lv_cat_t = jnp.concatenate([lv_t, lv_t_p, se_t2, pp_t2], axis=1)
    recon_loss = _recon(z_cat_s, mu_cat_s, lv_cat_s, src_ei, src_nei, n, n) + _recon(z_cat_t, mu_cat_t, lv_cat_t, tgt_ei, tgt_nei, 2 * n, n)
    d_s = x_ds @ params['dis_W'] + params['dis_b']
    d_t = x_dt @ params['dis_W'] + params['dis_b']
    domain_loss = _bce_logits(d_s[:, 0], jnp.zeros((n,), jnp.float32)) + _bce_logits(d_t[:, 0], jnp.ones((n,), jnp.float32))
    return clf_loss + entropy_loss + diff_loss + recon_loss + domain_loss

def reference(src_x, tgt_x, src_y, params, src_edge_index, tgt_edge_index, src_neg_edge_index, tgt_neg_edge_index):
    return _forward(src_x, tgt_x, src_y, params, src_edge_index, tgt_edge_index, src_neg_edge_index, tgt_neg_edge_index)

if __name__ == "__main__":
    import jax
    _d = setup_inputs()
    print(jax.jit(kernel)(*tuple(_d.values())))

</pallas_src>

<mosaic_0001>
#map = affine_map<(d0, d1) -> (0, 0)>
#map1 = affine_map<(d0, d1) -> (0, 0, 0)>
module attributes {stable_mosaic.version = 14 : i64} {
  func.func @_scatter_kernel(%arg0: i32, %arg1: i32, %arg2: memref<40960x64xf32, #tpu.memory_space<hbm>>, %arg3: memref<64x157x128xi32, #tpu.memory_space<hbm>>, %arg4: memref<16x157x128xi32, #tpu.memory_space<hbm>>, %arg5: memref<640x64xf32, #tpu.memory_space<hbm>>, %arg6: memref<40960x64xf32, #tpu.memory_space<hbm>>, %arg7: memref<2x157x128xi32, #tpu.memory_space<vmem>>, %arg8: memref<1x157x128xi32, #tpu.memory_space<vmem>>, %arg9: memref<128x64xf32, #tpu.memory_space<vmem>>, %arg10: memref<10240x64xf32, #tpu.memory_space<vmem_shared>>, %arg11: memref<!tpu.dma_semaphore, #tpu.memory_space<semaphore_mem>>) attributes {dimension_semantics = [#tpu.dimension_semantics<core_parallel>, #tpu.dimension_semantics<subcore_parallel>], iteration_bounds = array<i64: 2, 16>, scalar_prefetch = 0 : i64, scratch_operands = 5 : i64, tpu.core_type = #tpu.core_type<sc_vector_subcore>, window_params = [{transform_indices = #map}, {transform_indices = #map1}, {transform_indices = #map1}, {transform_indices = #map}, {transform_indices = #map}]} {
    %add3A = arith.constant 0 : i32
    %add3A_0 = arith.addi %add3A, %arg0 : i32
    %mul3A = arith.constant 16 : i32
    %mul3A_1 = arith.muli %add3A_0, %mul3A : i32
    %add3A_2 = arith.addi %mul3A_1, %arg1 : i32
    "tpu.region"() ({
      %run_scoped3A = tpu.sem_alloc : memref<!tpu.dma_semaphore, #tpu.memory_space<semaphore_mem>>
      %dma_start3A = arith.constant 0 : i32
      %dma_start3A_44 = arith.constant 0 : i32
      %dma_start3A_45 = arith.constant 0 : i32
      %dma_start3A_46 = tpu.memref_slice %arg7[%dma_start3A, %dma_start3A_44, %dma_start3A_45] : memref<2x157x128xi32, #tpu.memory_space<vmem>> -> memref<1x157x128xi32, #tpu.memory_space<vmem>>
      %dma_start3A_47 = arith.constant 0 : i32
      %dma_start3A_48 = arith.constant 0 : i32
      %dma_start3A_49 = tpu.memref_slice %arg3[%add3A_2, %dma_start3A_47, %dma_start3A_48] : memref<64x157x128xi32, #tpu.memory_space<hbm>> -> memref<1x157x128xi32, #tpu.memory_space<hbm>>
      %dma_start3A_50 = arith.constant 0 : i32
      %dma_start3A_51 = arith.constant 0 : i32
      %dma_start3A_52 = arith.constant 0 : i32
      %dma_start3A_53 = tpu.memref_slice %arg7[%dma_start3A_50, %dma_start3A_51, %dma_start3A_52] : memref<2x157x128xi32, #tpu.memory_space<vmem>> -> memref<1x157x128xi32, #tpu.memory_space<vmem>>
      %dma_start3A_54 = arith.constant 0 : i32
      %dma_start3A_55 = arith.constant 0 : i32
      %dma_start3A_56 = tpu.memref_slice %arg3[%add3A_2, %dma_start3A_54, %dma_start3A_55] : memref<64x157x128xi32, #tpu.memory_space<hbm>> -> memref<1x157x128xi32, #tpu.memory_space<hbm>>
      tpu.enqueue_dma source(%dma_start3A_56 : memref<1x157x128xi32, #tpu.memory_space<hbm>>) target(%dma_start3A_53 : memref<1x157x128xi32, #tpu.memory_space<vmem>>) target_semaphore(%run_scoped3A : memref<!tpu.dma_semaphore, #tpu.memory_space<semaphore_mem>>)
      %dma_wait3A = arith.constant 0 : i32
      %dma_wait3A_57 = arith.constant 0 : i32
      %dma_wait3A_58 = arith.constant 0 : i32
      %dma_wait3A_59 = tpu.memref_slice %arg7[%dma_wait3A, %dma_wait3A_57, %dma_wait3A_58] : memref<2x157x128xi32, #tpu.memory_space<vmem>> -> memref<1x157x128xi32, #tpu.memory_space<vmem>>
      %dma_wait3A_60 = arith.constant 0 : i32
      %dma_wait3A_61 = arith.constant 0 : i32
      %dma_wait3A_62 = tpu.memref_slice %arg3[%add3A_2, %dma_wait3A_60, %dma_wait3A_61] : memref<64x157x128xi32, #tpu.memory_space<hbm>> -> memref<1x157x128xi32, #tpu.memory_space<hbm>>
      %dma_wait3A_63 = arith.constant 0 : i32
      %dma_wait3A_64 = arith.constant 0 : i32
      %dma_wait3A_65 = arith.constant 0 : i32
      %dma_wait3A_66 = tpu.memref_slice %arg7[%dma_wait3A_63, %dma_wait3A_64, %dma_wait3A_65] : memref<2x157x128xi32, #tpu.memory_space<vmem>> -> memref<1x157x128xi32, #tpu.memory_space<vmem>>
      %dma_wait3A_67 = arith.constant 0 : i32
      %dma_wait3A_68 = arith.constant 0 : i32
      %dma_wait3A_69 = tpu.memref_slice %arg3[%add3A_2, %dma_wait3A_67, %dma_wait3A_68] : memref<64x157x128xi32, #tpu.memory_space<hbm>> -> memref<1x157x128xi32, #tpu.memory_space<hbm>>
      tpu.wait_dma2 semaphore(%run_scoped3A : memref<!tpu.dma_semaphore, #tpu.memory_space<semaphore_mem>>) src(%dma_wait3A_69 : memref<1x157x128xi32, #tpu.memory_space<hbm>>) dst(%dma_wait3A_66 : memref<1x157x128xi32, #tpu.memory_space<vmem>>)
      tpu.yield
    }) : () -> ()
    %add3A_3 = arith.constant 2 : i32
    %add3A_4 = arith.addi %add3A_3, %arg0 : i32
    %mul3A_5 = arith.constant 16 : i32
    %mul3A_6 = arith.muli %add3A_4, %mul3A_5 : i32
    %add3A_7 = arith.addi %mul3A_6, %arg1 : i32
    "tpu.region"() ({
      %run_scoped3A = tpu.sem_alloc : memref<!tpu.dma_semaphore, #tpu.memory_space<semaphore_mem>>
      %dma_start3A = arith.constant 1 : i32
      %dma_start3A_44 = arith.constant 0 : i32
      %dma_start3A_45 = arith.constant 0 : i32
      %dma_start3A_46 = tpu.memref_slice %arg7[%dma_start3A, %dma_start3A_44, %dma_start3A_45] : memref<2x157x128xi32, #tpu.memory_space<vmem>> -> memref<1x157x128xi32, #tpu.memory_space<vmem>>
      %dma_start3A_47 = arith.constant 0 : i32
      %dma_start3A_48 = arith.constant 0 : i32
      %dma_start3A_49 = tpu.memref_slice %arg3[%add3A_7, %dma_start3A_47, %dma_start3A_48] : memref<64x157x128xi32, #tpu.memory_space<hbm>> -> memref<1x157x128xi32, #tpu.memory_space<hbm>>
      %dma_start3A_50 = arith.constant 1 : i32
      %dma_start3A_51 = arith.constant 0 : i32
      %dma_start3A_52 = arith.constant 0 : i32
      %dma_start3A_53 = tpu.memref_slice %arg7[%dma_start3A_50, %dma_start3A_51, %dma_start3A_52] : memref<2x157x128xi32, #tpu.memory_space<vmem>> -> memref<1x157x128xi32, #tpu.memory_space<vmem>>
      %dma_start3A_54 = arith.constant 0 : i32
      %dma_start3A_55 = arith.constant 0 : i32
      %dma_start3A_56 = tpu.memref_slice %arg3[%add3A_7, %dma_start3A_54, %dma_start3A_55] : memref<64x157x128xi32, #tpu.memory_space<hbm>> -> memref<1x157x128xi32, #tpu.memory_space<hbm>>
      tpu.enqueue_dma source(%dma_start3A_56 : memref<1x157x128xi32, #tpu.memory_space<hbm>>) target(%dma_start3A_53 : memref<1x157x128xi32, #tpu.memory_space<vmem>>) target_semaphore(%run_scoped3A : memref<!tpu.dma_semaphore, #tpu.memory_space<semaphore_mem>>)
      %dma_wait3A = arith.constant 1 : i32
      %dma_wait3A_57 = arith.constant 0 : i32
      %dma_wait3A_58 = arith.constant 0 : i32
      %dma_wait3A_59 = tpu.memref_slice %arg7[%dma_wait3A, %dma_wait3A_57, %dma_wait3A_58] : memref<2x157x128xi32, #tpu.memory_space<vmem>> -> memref<1x157x128xi32, #tpu.memory_space<vmem>>
      %dma_wait3A_60 = arith.constant 0 : i32
      %dma_wait3A_61 = arith.constant 0 : i32
      %dma_wait3A_62 = tpu.memref_slice %arg3[%add3A_7, %dma_wait3A_60, %dma_wait3A_61] : memref<64x157x128xi32, #tpu.memory_space<hbm>> -> memref<1x157x128xi32, #tpu.memory_space<hbm>>
      %dma_wait3A_63 = arith.constant 1 : i32
      %dma_wait3A_64 = arith.constant 0 : i32
      %dma_wait3A_65 = arith.constant 0 : i32
      %dma_wait3A_66 = tpu.memref_slice %arg7[%dma_wait3A_63, %dma_wait3A_64, %dma_wait3A_65] : memref<2x157x128xi32, #tpu.memory_space<vmem>> -> memref<1x157x128xi32, #tpu.memory_space<vmem>>
      %dma_wait3A_67 = arith.constant 0 : i32
      %dma_wait3A_68 = arith.constant 0 : i32
      %dma_wait3A_69 = tpu.memref_slice %arg3[%add3A_7, %dma_wait3A_67, %dma_wait3A_68] : memref<64x157x128xi32, #tpu.memory_space<hbm>> -> memref<1x157x128xi32, #tpu.memory_space<hbm>>
      tpu.wait_dma2 semaphore(%run_scoped3A : memref<!tpu.dma_semaphore, #tpu.memory_space<semaphore_mem>>) src(%dma_wait3A_69 : memref<1x157x128xi32, #tpu.memory_space<hbm>>) dst(%dma_wait3A_66 : memref<1x157x128xi32, #tpu.memory_space<vmem>>)
      tpu.yield
    }) : () -> ()
    "tpu.region"() ({
      %run_scoped3A = tpu.sem_alloc : memref<!tpu.dma_semaphore, #tpu.memory_space<semaphore_mem>>
      %dma_start3A = arith.constant 0 : i32
      %dma_start3A_44 = arith.constant 0 : i32
      %dma_start3A_45 = tpu.memref_slice %arg4[%arg1, %dma_start3A, %dma_start3A_44] : memref<16x157x128xi32, #tpu.memory_space<hbm>> -> memref<1x157x128xi32, #tpu.memory_space<hbm>>
      %dma_start3A_46 = arith.constant 0 : i32
      %dma_start3A_47 = arith.constant 0 : i32
      %dma_start3A_48 = tpu.memref_slice %arg4[%arg1, %dma_start3A_46, %dma_start3A_47] : memref<16x157x128xi32, #tpu.memory_space<hbm>> -> memref<1x157x128xi32, #tpu.memory_space<hbm>>
      tpu.enqueue_dma source(%dma_start3A_48 : memref<1x157x128xi32, #tpu.memory_space<hbm>>) target(%arg8 : memref<1x157x128xi32, #tpu.memory_space<vmem>>) target_semaphore(%run_scoped3A : memref<!tpu.dma_semaphore, #tpu.memory_space<semaphore_mem>>)
      %dma_wait3A = arith.constant 0 : i32
      %dma_wait3A_49 = arith.constant 0 : i32
      %dma_wait3A_50 = tpu.memref_slice %arg4[%arg1, %dma_wait3A, %dma_wait3A_49] : memref<16x157x128xi32, #tpu.memory_space<hbm>> -> memref<1x157x128xi32, #tpu.memory_space<hbm>>
      %dma_wait3A_51 = arith.constant 0 : i32
      %dma_wait3A_52 = arith.constant 0 : i32
      %dma_wait3A_53 = tpu.memref_slice %arg4[%arg1, %dma_wait3A_51, %dma_wait3A_52] : memref<16x157x128xi32, #tpu.memory_space<hbm>> -> memref<1x157x128xi32, #tpu.memory_space<hbm>>
      tpu.wait_dma2 semaphore(%run_scoped3A : memref<!tpu.dma_semaphore, #tpu.memory_space<semaphore_mem>>) src(%dma_wait3A_53 : memref<1x157x128xi32, #tpu.memory_space<hbm>>) dst(%arg8 : memref<1x157x128xi32, #tpu.memory_space<vmem>>)
      tpu.yield
    }) : () -> ()
    %mul3A_8 = arith.constant 640 : i32
    %mul3A_9 = arith.muli %arg1, %mul3A_8 : i32
    "tpu.region"() ({
      %run_scoped3A = tpu.sem_alloc : memref<!tpu.dma_semaphore, #tpu.memory_space<semaphore_mem>>
      %dma_start3A = arith.constant 0 : i32
      %dma_start3A_44 = tpu.memref_slice %arg10[%mul3A_9, %dma_start3A] : memref<10240x64xf32, #tpu.memory_space<vmem_shared>> -> memref<640x64xf32, #tpu.memory_space<vmem_shared>>
      tpu.enqueue_dma source(%arg5 : memref<640x64xf32, #tpu.memory_space<hbm>>) target(%dma_start3A_44 : memref<640x64xf32, #tpu.memory_space<vmem_shared>>) target_semaphore(%run_scoped3A : memref<!tpu.dma_semaphore, #tpu.memory_space<semaphore_mem>>)
      %dma_wait3A = arith.constant 0 : i32
      %dma_wait3A_45 = tpu.memref_slice %arg10[%mul3A_9, %dma_wait3A] : memref<10240x64xf32, #tpu.memory_space<vmem_shared>> -> memref<640x64xf32, #tpu.memory_space<vmem_shared>>
      tpu.wait_dma2 semaphore(%run_scoped3A : memref<!tpu.dma_semaphore, #tpu.memory_space<semaphore_mem>>) src(%arg5 : memref<640x64xf32, #tpu.memory_space<hbm>>) dst(%dma_wait3A_45 : memref<640x64xf32, #tpu.memory_space<vmem_shared>>)
      tpu.yield
    }) : () -> ()
    %barrier3A = arith.constant 0 : index
    tpu.barrier barrier_id(%barrier3A)
    %scan3A = arith.constant 0 : i32
    %scan3A_10 = arith.constant 0 : i32
    %scan3A_11 = arith.constant 157 : i32
    %scan3A_12 = arith.addi %scan3A_10, %scan3A_11 : i32
    %scan3A_13 = arith.constant 1 : i32
    scf.for %scan3A_44 = %scan3A_10 to %scan3A_12 step %scan3A_13  : i32 {
      %dma_start3A = arith.constant 0 : i32
      %dma_start3A_45 = arith.constant 0 : i32
      %dma_start3A_46 = tpu.memref_slice %arg7[%dma_start3A, %scan3A_44, %dma_start3A_45] : memref<2x157x128xi32, #tpu.memory_space<vmem>> -> memref<1x1x128xi32, #tpu.memory_space<vmem>>
      %dma_start3A_47 = tpu.memref_squeeze %dma_start3A_46 : memref<1x1x128xi32, #tpu.memory_space<vmem>> -> memref<128xi32, #tpu.memory_space<vmem>>
      %dma_start3A_48 = arith.constant 0 : i32
      %dma_start3A_49 = arith.constant 0 : i32
      %dma_start3A_50 = tpu.memref_slice %arg2[%dma_start3A_48, %dma_start3A_49] : memref<40960x64xf32, #tpu.memory_space<hbm>> -> memref<40960x64xf32, #tpu.memory_space<hbm>>
      tpu.enqueue_indirect_dma source(%dma_start3A_50 : memref<40960x64xf32, #tpu.memory_space<hbm>>) target(%arg9 : memref<128x64xf32, #tpu.memory_space<vmem>>) offsets(%dma_start3A_47 : memref<128xi32, #tpu.memory_space<vmem>>) semaphore(%arg11 : memref<!tpu.dma_semaphore, #tpu.memory_space<semaphore_mem>>)
      %dma_wait3A = arith.constant 0 : i32
      %dma_wait3A_51 = arith.constant 0 : i32
      %dma_wait3A_52 = tpu.memref_slice %arg7[%dma_wait3A, %scan3A_44, %dma_wait3A_51] : memref<2x157x128xi32, #tpu.memory_space<vmem>> -> memref<1x1x128xi32, #tpu.memory_space<vmem>>
      %dma_wait3A_53 = tpu.memref_squeeze %dma_wait3A_52 : memref<1x1x128xi32, #tpu.memory_space<vmem>> -> memref<128xi32, #tpu.memory_space<vmem>>
      %dma_wait3A_54 = arith.constant 0 : i32
      %dma_wait3A_55 = arith.constant 0 : i32
      %dma_wait3A_56 = tpu.memref_slice %arg2[%dma_wait3A_54, %dma_wait3A_55] : memref<40960x64xf32, #tpu.memory_space<hbm>> -> memref<40960x64xf32, #tpu.memory_space<hbm>>
      tpu.wait_indirect_dma semaphore(%arg11 : memref<!tpu.dma_semaphore, #tpu.memory_space<semaphore_mem>>) src(%dma_wait3A_56 : memref<40960x64xf32, #tpu.memory_space<hbm>>) dst(%arg9 : memref<128x64xf32, #tpu.memory_space<vmem>>)
      %run_scoped3A = arith.constant 0 : i32
      "tpu.region"() ({
        %run_scoped3A_57 = tpu.sem_alloc : memref<!tpu.dma_semaphore, #tpu.memory_space<semaphore_mem>>
        %dma_start3A_58 = arith.constant 0 : i32
        %dma_start3A_59 = tpu.memref_slice %arg8[%run_scoped3A, %scan3A_44, %dma_start3A_58] : memref<1x157x128xi32, #tpu.memory_space<vmem>> -> memref<1x1x128xi32, #tpu.memory_space<vmem>>
        %dma_start3A_60 = tpu.memref_squeeze %dma_start3A_59 : memref<1x1x128xi32, #tpu.memory_space<vmem>> -> memref<128xi32, #tpu.memory_space<vmem>>
        %dma_start3A_61 = arith.constant 0 : i32
        %dma_start3A_62 = arith.constant 0 : i32
        %dma_start3A_63 = tpu.memref_slice %arg10[%dma_start3A_61, %dma_start3A_62] : memref<10240x64xf32, #tpu.memory_space<vmem_shared>> -> memref<10240x64xf32, #tpu.memory_space<vmem_shared>>
        tpu.enqueue_indirect_dma source(%arg9 : memref<128x64xf32, #tpu.memory_space<vmem>>) target(%dma_start3A_63 : memref<10240x64xf32, #tpu.memory_space<vmem_shared>>) offsets(%dma_start3A_60 : memref<128xi32, #tpu.memory_space<vmem>>) semaphore(%run_scoped3A_57 : memref<!tpu.dma_semaphore, #tpu.memory_space<semaphore_mem>>) {add = true}
        %dma_wait3A_64 = arith.constant 0 : i32
        %dma_wait3A_65 = tpu.memref_slice %arg8[%run_scoped3A, %scan3A_44, %dma_wait3A_64] : memref<1x157x128xi32, #tpu.memory_space<vmem>> -> memref<1x1x128xi32, #tpu.memory_space<vmem>>
        %dma_wait3A_66 = tpu.memref_squeeze %dma_wait3A_65 : memref<1x1x128xi32, #tpu.memory_space<vmem>> -> memref<128xi32, #tpu.memory_space<vmem>>
        %dma_wait3A_67 = arith.constant 0 : i32
        %dma_wait3A_68 = arith.constant 0 : i32
        %dma_wait3A_69 = tpu.memref_slice %arg10[%dma_wait3A_67, %dma_wait3A_68] : memref<10240x64xf32, #tpu.memory_space<vmem_shared>> -> memref<10240x64xf32, #tpu.memory_space<vmem_shared>>
        tpu.wait_indirect_dma semaphore(%run_scoped3A_57 : memref<!tpu.dma_semaphore, #tpu.memory_space<semaphore_mem>>) src(%arg9 : memref<128x64xf32, #tpu.memory_space<vmem>>) dst(%dma_wait3A_69 : memref<10240x64xf32, #tpu.memory_space<vmem_shared>>)
        tpu.yield
      }) : () -> ()
    }
    %scan3A_14 = arith.constant 157 : i32
    %barrier3A_15 = arith.constant 0 : index
    tpu.barrier barrier_id(%barrier3A_15)
    %mul3A_16 = arith.constant 640 : i32
    %mul3A_17 = arith.muli %arg1, %mul3A_16 : i32
    %add3A_18 = arith.constant 0 : i32
    %add3A_19 = arith.addi %add3A_18, %arg0 : i32
    %mul3A_20 = arith.constant 10240 : i32
    %mul3A_21 = arith.muli %add3A_19, %mul3A_20 : i32
    %mul3A_22 = arith.constant 640 : i32
    %mul3A_23 = arith.muli %arg1, %mul3A_22 : i32
    %add3A_24 = arith.addi %mul3A_21, %mul3A_23 : i32
    "tpu.region"() ({
      %run_scoped3A = tpu.sem_alloc : memref<!tpu.dma_semaphore, #tpu.memory_space<semaphore_mem>>
      %dma_start3A = arith.constant 0 : i32
      %dma_start3A_44 = tpu.memref_slice %arg6[%add3A_24, %dma_start3A] : memref<40960x64xf32, #tpu.memory_space<hbm>> -> memref<640x64xf32, #tpu.memory_space<hbm>>
      %dma_start3A_45 = arith.constant 0 : i32
      %dma_start3A_46 = tpu.memref_slice %arg10[%mul3A_17, %dma_start3A_45] : memref<10240x64xf32, #tpu.memory_space<vmem_shared>> -> memref<640x64xf32, #tpu.memory_space<vmem_shared>>
      tpu.enqueue_dma source(%dma_start3A_46 : memref<640x64xf32, #tpu.memory_space<vmem_shared>>) target(%dma_start3A_44 : memref<640x64xf32, #tpu.memory_space<hbm>>) target_semaphore(%run_scoped3A : memref<!tpu.dma_semaphore, #tpu.memory_space<semaphore_mem>>)
      %dma_wait3A = arith.constant 0 : i32
      %dma_wait3A_47 = tpu.memref_slice %arg6[%add3A_24, %dma_wait3A] : memref<40960x64xf32, #tpu.memory_space<hbm>> -> memref<640x64xf32, #tpu.memory_space<hbm>>
      %dma_wait3A_48 = arith.constant 0 : i32
      %dma_wait3A_49 = tpu.memref_slice %arg10[%mul3A_17, %dma_wait3A_48] : memref<10240x64xf32, #tpu.memory_space<vmem_shared>> -> memref<640x64xf32, #tpu.memory_space<vmem_shared>>
      tpu.wait_dma2 semaphore(%run_scoped3A : memref<!tpu.dma_semaphore, #tpu.memory_space<semaphore_mem>>) src(%dma_wait3A_49 : memref<640x64xf32, #tpu.memory_space<vmem_shared>>) dst(%dma_wait3A_47 : memref<640x64xf32, #tpu.memory_space<hbm>>)
      tpu.yield
    }) : () -> ()
    %mul3A_25 = arith.constant 640 : i32
    %mul3A_26 = arith.muli %arg1, %mul3A_25 : i32
    "tpu.region"() ({
      %run_scoped3A = tpu.sem_alloc : memref<!tpu.dma_semaphore, #tpu.memory_space<semaphore_mem>>
      %dma_start3A = arith.constant 0 : i32
      %dma_start3A_44 = tpu.memref_slice %arg10[%mul3A_26, %dma_start3A] : memref<10240x64xf32, #tpu.memory_space<vmem_shared>> -> memref<640x64xf32, #tpu.memory_space<vmem_shared>>
      tpu.enqueue_dma source(%arg5 : memref<640x64xf32, #tpu.memory_space<hbm>>) target(%dma_start3A_44 : memref<640x64xf32, #tpu.memory_space<vmem_shared>>) target_semaphore(%run_scoped3A : memref<!tpu.dma_semaphore, #tpu.memory_space<semaphore_mem>>)
      %dma_wait3A = arith.constant 0 : i32
      %dma_wait3A_45 = tpu.memref_slice %arg10[%mul3A_26, %dma_wait3A] : memref<10240x64xf32, #tpu.memory_space<vmem_shared>> -> memref<640x64xf32, #tpu.memory_space<vmem_shared>>
      tpu.wait_dma2 semaphore(%run_scoped3A : memref<!tpu.dma_semaphore, #tpu.memory_space<semaphore_mem>>) src(%arg5 : memref<640x64xf32, #tpu.memory_space<hbm>>) dst(%dma_wait3A_45 : memref<640x64xf32, #tpu.memory_space<vmem_shared>>)
      tpu.yield
    }) : () -> ()
    %barrier3A_27 = arith.constant 0 : index
    tpu.barrier barrier_id(%barrier3A_27)
    %scan3A_28 = arith.constant 0 : i32
    %scan3A_29 = arith.constant 0 : i32
    %scan3A_30 = arith.constant 157 : i32
    %scan3A_31 = arith.addi %scan3A_29, %scan3A_30 : i32
    %scan3A_32 = arith.constant 1 : i32
    scf.for %scan3A_44 = %scan3A_29 to %scan3A_31 step %scan3A_32  : i32 {
      %dma_start3A = arith.constant 1 : i32
      %dma_start3A_45 = arith.constant 0 : i32
      %dma_start3A_46 = tpu.memref_slice %arg7[%dma_start3A, %scan3A_44, %dma_start3A_45] : memref<2x157x128xi32, #tpu.memory_space<vmem>> -> memref<1x1x128xi32, #tpu.memory_space<vmem>>
      %dma_start3A_47 = tpu.memref_squeeze %dma_start3A_46 : memref<1x1x128xi32, #tpu.memory_space<vmem>> -> memref<128xi32, #tpu.memory_space<vmem>>
      %dma_start3A_48 = arith.constant 0 : i32
      %dma_start3A_49 = arith.constant 0 : i32
      %dma_start3A_50 = tpu.memref_slice %arg2[%dma_start3A_48, %dma_start3A_49] : memref<40960x64xf32, #tpu.memory_space<hbm>> -> memref<40960x64xf32, #tpu.memory_space<hbm>>
      tpu.enqueue_indirect_dma source(%dma_start3A_50 : memref<40960x64xf32, #tpu.memory_space<hbm>>) target(%arg9 : memref<128x64xf32, #tpu.memory_space<vmem>>) offsets(%dma_start3A_47 : memref<128xi32, #tpu.memory_space<vmem>>) semaphore(%arg11 : memref<!tpu.dma_semaphore, #tpu.memory_space<semaphore_mem>>)
      %dma_wait3A = arith.constant 1 : i32
      %dma_wait3A_51 = arith.constant 0 : i32
      %dma_wait3A_52 = tpu.memref_slice %arg7[%dma_wait3A, %scan3A_44, %dma_wait3A_51] : memref<2x157x128xi32, #tpu.memory_space<vmem>> -> memref<1x1x128xi32, #tpu.memory_space<vmem>>
      %dma_wait3A_53 = tpu.memref_squeeze %dma_wait3A_52 : memref<1x1x128xi32, #tpu.memory_space<vmem>> -> memref<128xi32, #tpu.memory_space<vmem>>
      %dma_wait3A_54 = arith.constant 0 : i32
      %dma_wait3A_55 = arith.constant 0 : i32
      %dma_wait3A_56 = tpu.memref_slice %arg2[%dma_wait3A_54, %dma_wait3A_55] : memref<40960x64xf32, #tpu.memory_space<hbm>> -> memref<40960x64xf32, #tpu.memory_space<hbm>>
      tpu.wait_indirect_dma semaphore(%arg11 : memref<!tpu.dma_semaphore, #tpu.memory_space<semaphore_mem>>) src(%dma_wait3A_56 : memref<40960x64xf32, #tpu.memory_space<hbm>>) dst(%arg9 : memref<128x64xf32, #tpu.memory_space<vmem>>)
      %run_scoped3A = arith.constant 0 : i32
      "tpu.region"() ({
        %run_scoped3A_57 = tpu.sem_alloc : memref<!tpu.dma_semaphore, #tpu.memory_space<semaphore_mem>>
        %dma_start3A_58 = arith.constant 0 : i32
        %dma_start3A_59 = tpu.memref_slice %arg8[%run_scoped3A, %scan3A_44, %dma_start3A_58] : memref<1x157x128xi32, #tpu.memory_space<vmem>> -> memref<1x1x128xi32, #tpu.memory_space<vmem>>
        %dma_start3A_60 = tpu.memref_squeeze %dma_start3A_59 : memref<1x1x128xi32, #tpu.memory_space<vmem>> -> memref<128xi32, #tpu.memory_space<vmem>>
        %dma_start3A_61 = arith.constant 0 : i32
        %dma_start3A_62 = arith.constant 0 : i32
        %dma_start3A_63 = tpu.memref_slice %arg10[%dma_start3A_61, %dma_start3A_62] : memref<10240x64xf32, #tpu.memory_space<vmem_shared>> -> memref<10240x64xf32, #tpu.memory_space<vmem_shared>>
        tpu.enqueue_indirect_dma source(%arg9 : memref<128x64xf32, #tpu.memory_space<vmem>>) target(%dma_start3A_63 : memref<10240x64xf32, #tpu.memory_space<vmem_shared>>) offsets(%dma_start3A_60 : memref<128xi32, #tpu.memory_space<vmem>>) semaphore(%run_scoped3A_57 : memref<!tpu.dma_semaphore, #tpu.memory_space<semaphore_mem>>) {add = true}
        %dma_wait3A_64 = arith.constant 0 : i32
        %dma_wait3A_65 = tpu.memref_slice %arg8[%run_scoped3A, %scan3A_44, %dma_wait3A_64] : memref<1x157x128xi32, #tpu.memory_space<vmem>> -> memref<1x1x128xi32, #tpu.memory_space<vmem>>
        %dma_wait3A_66 = tpu.memref_squeeze %dma_wait3A_65 : memref<1x1x128xi32, #tpu.memory_space<vmem>> -> memref<128xi32, #tpu.memory_space<vmem>>
        %dma_wait3A_67 = arith.constant 0 : i32
        %dma_wait3A_68 = arith.constant 0 : i32
        %dma_wait3A_69 = tpu.memref_slice %arg10[%dma_wait3A_67, %dma_wait3A_68] : memref<10240x64xf32, #tpu.memory_space<vmem_shared>> -> memref<10240x64xf32, #tpu.memory_space<vmem_shared>>
        tpu.wait_indirect_dma semaphore(%run_scoped3A_57 : memref<!tpu.dma_semaphore, #tpu.memory_space<semaphore_mem>>) src(%arg9 : memref<128x64xf32, #tpu.memory_space<vmem>>) dst(%dma_wait3A_69 : memref<10240x64xf32, #tpu.memory_space<vmem_shared>>)
        tpu.yield
      }) : () -> ()
    }
    %scan3A_33 = arith.constant 157 : i32
    %barrier3A_34 = arith.constant 0 : index
    tpu.barrier barrier_id(%barrier3A_34)
    %mul3A_35 = arith.constant 640 : i32
    %mul3A_36 = arith.muli %arg1, %mul3A_35 : i32
    %add3A_37 = arith.constant 2 : i32
    %add3A_38 = arith.addi %add3A_37, %arg0 : i32
    %mul3A_39 = arith.constant 10240 : i32
    %mul3A_40 = arith.muli %add3A_38, %mul3A_39 : i32
    %mul3A_41 = arith.constant 640 : i32
    %mul3A_42 = arith.muli %arg1, %mul3A_41 : i32
    %add3A_43 = arith.addi %mul3A_40, %mul3A_42 : i32
    "tpu.region"() ({
      %run_scoped3A = tpu.sem_alloc : memref<!tpu.dma_semaphore, #tpu.memory_space<semaphore_mem>>
      %dma_start3A = arith.constant 0 : i32
      %dma_start3A_44 = tpu.memref_slice %arg6[%add3A_43, %dma_start3A] : memref<40960x64xf32, #tpu.memory_space<hbm>> -> memref<640x64xf32, #tpu.memory_space<hbm>>
      %dma_start3A_45 = arith.constant 0 : i32
      %dma_start3A_46 = tpu.memref_slice %arg10[%mul3A_36, %dma_start3A_45] : memref<10240x64xf32, #tpu.memory_space<vmem_shared>> -> memref<640x64xf32, #tpu.memory_space<vmem_shared>>
      tpu.enqueue_dma source(%dma_start3A_46 : memref<640x64xf32, #tpu.memory_space<vmem_shared>>) target(%dma_start3A_44 : memref<640x64xf32, #tpu.memory_space<hbm>>) target_semaphore(%run_scoped3A : memref<!tpu.dma_semaphore, #tpu.memory_space<semaphore_mem>>)
      %dma_wait3A = arith.constant 0 : i32
      %dma_wait3A_47 = tpu.memref_slice %arg6[%add3A_43, %dma_wait3A] : memref<40960x64xf32, #tpu.memory_space<hbm>> -> memref<640x64xf32, #tpu.memory_space<hbm>>
      %dma_wait3A_48 = arith.constant 0 : i32
      %dma_wait3A_49 = tpu.memref_slice %arg10[%mul3A_36, %dma_wait3A_48] : memref<10240x64xf32, #tpu.memory_space<vmem_shared>> -> memref<640x64xf32, #tpu.memory_space<vmem_shared>>
      tpu.wait_dma2 semaphore(%run_scoped3A : memref<!tpu.dma_semaphore, #tpu.memory_space<semaphore_mem>>) src(%dma_wait3A_49 : memref<640x64xf32, #tpu.memory_space<vmem_shared>>) dst(%dma_wait3A_47 : memref<640x64xf32, #tpu.memory_space<hbm>>)
      tpu.yield
    }) : () -> ()
    return
  }
}

#map = affine_map<(d0, d1) -> (0, 0, 0)>
#map1 = affine_map<(d0, d1) -> (0, 0)>
module attributes {stable_mosaic.version = 14 : i64} {
  func.func @_deg_kernel(%arg0: i32, %arg1: i32, %arg2: memref<32x157x128xi32, #tpu.memory_space<hbm>>, %arg3: memref<128x16xf32, #tpu.memory_space<hbm>>, %arg4: memref<640x16xf32, #tpu.memory_space<hbm>>, %arg5: memref<20480x16xf32, #tpu.memory_space<hbm>>, %arg6: memref<1x157x128xi32, #tpu.memory_space<vmem>>, %arg7: memref<128x16xf32, #tpu.memory_space<vmem>>, %arg8: memref<10240x16xf32, #tpu.memory_space<vmem_shared>>) attributes {dimension_semantics = [#tpu.dimension_semantics<core_parallel>, #tpu.dimension_semantics<subcore_parallel>], iteration_bounds = array<i64: 2, 16>, scalar_prefetch = 0 : i64, scratch_operands = 3 : i64, tpu.core_type = #tpu.core_type<sc_vector_subcore>, window_params = [{transform_indices = #map}, {transform_indices = #map1}, {transform_indices = #map1}, {transform_indices = #map1}]} {
    %mul3A = arith.constant 16 : i32
    %mul3A_0 = arith.muli %arg0, %mul3A : i32
    %add3A = arith.addi %mul3A_0, %arg1 : i32
    "tpu.region"() ({
      %run_scoped3A = tpu.sem_alloc : memref<!tpu.dma_semaphore, #tpu.memory_space<semaphore_mem>>
      %dma_start3A = arith.constant 0 : i32
      %dma_start3A_16 = arith.constant 0 : i32
      %dma_start3A_17 = tpu.memref_slice %arg2[%add3A, %dma_start3A, %dma_start3A_16] : memref<32x157x128xi32, #tpu.memory_space<hbm>> -> memref<1x157x128xi32, #tpu.memory_space<hbm>>
      %dma_start3A_18 = arith.constant 0 : i32
      %dma_start3A_19 = arith.constant 0 : i32
      %dma_start3A_20 = tpu.memref_slice %arg2[%add3A, %dma_start3A_18, %dma_start3A_19] : memref<32x157x128xi32, #tpu.memory_space<hbm>> -> memref<1x157x128xi32, #tpu.memory_space<hbm>>
      tpu.enqueue_dma source(%dma_start3A_20 : memref<1x157x128xi32, #tpu.memory_space<hbm>>) target(%arg6 : memref<1x157x128xi32, #tpu.memory_space<vmem>>) target_semaphore(%run_scoped3A : memref<!tpu.dma_semaphore, #tpu.memory_space<semaphore_mem>>)
      %dma_wait3A = arith.constant 0 : i32
      %dma_wait3A_21 = arith.constant 0 : i32
      %dma_wait3A_22 = tpu.memref_slice %arg2[%add3A, %dma_wait3A, %dma_wait3A_21] : memref<32x157x128xi32, #tpu.memory_space<hbm>> -> memref<1x157x128xi32, #tpu.memory_space<hbm>>
      %dma_wait3A_23 = arith.constant 0 : i32
      %dma_wait3A_24 = arith.constant 0 : i32
      %dma_wait3A_25 = tpu.memref_slice %arg2[%add3A, %dma_wait3A_23, %dma_wait3A_24] : memref<32x157x128xi32, #tpu.memory_space<hbm>> -> memref<1x157x128xi32, #tpu.memory_space<hbm>>
      tpu.wait_dma2 semaphore(%run_scoped3A : memref<!tpu.dma_semaphore, #tpu.memory_space<semaphore_mem>>) src(%dma_wait3A_25 : memref<1x157x128xi32, #tpu.memory_space<hbm>>) dst(%arg6 : memref<1x157x128xi32, #tpu.memory_space<vmem>>)
      tpu.yield
    }) : () -> ()
    "tpu.region"() ({
      %run_scoped3A = tpu.sem_alloc : memref<!tpu.dma_semaphore, #tpu.memory_space<semaphore_mem>>
      tpu.enqueue_dma source(%arg3 : memref<128x16xf32, #tpu.memory_space<hbm>>) target(%arg7 : memref<128x16xf32, #tpu.memory_space<vmem>>) target_semaphore(%run_scoped3A : memref<!tpu.dma_semaphore, #tpu.memory_space<semaphore_mem>>)
      tpu.wait_dma2 semaphore(%run_scoped3A : memref<!tpu.dma_semaphore, #tpu.memory_space<semaphore_mem>>) src(%arg3 : memref<128x16xf32, #tpu.memory_space<hbm>>) dst(%arg7 : memref<128x16xf32, #tpu.memory_space<vmem>>)
      tpu.yield
    }) : () -> ()
    %mul3A_1 = arith.constant 640 : i32
    %mul3A_2 = arith.muli %arg1, %mul3A_1 : i32
    "tpu.region"() ({
      %run_scoped3A = tpu.sem_alloc : memref<!tpu.dma_semaphore, #tpu.memory_space<semaphore_mem>>
      %dma_start3A = arith.constant 0 : i32
      %dma_start3A_16 = tpu.memref_slice %arg8[%mul3A_2, %dma_start3A] : memref<10240x16xf32, #tpu.memory_space<vmem_shared>> -> memref<640x16xf32, #tpu.memory_space<vmem_shared>>
      tpu.enqueue_dma source(%arg4 : memref<640x16xf32, #tpu.memory_space<hbm>>) target(%dma_start3A_16 : memref<640x16xf32, #tpu.memory_space<vmem_shared>>) target_semaphore(%run_scoped3A : memref<!tpu.dma_semaphore, #tpu.memory_space<semaphore_mem>>)
      %dma_wait3A = arith.constant 0 : i32
      %dma_wait3A_17 = tpu.memref_slice %arg8[%mul3A_2, %dma_wait3A] : memref<10240x16xf32, #tpu.memory_space<vmem_shared>> -> memref<640x16xf32, #tpu.memory_space<vmem_shared>>
      tpu.wait_dma2 semaphore(%run_scoped3A : memref<!tpu.dma_semaphore, #tpu.memory_space<semaphore_mem>>) src(%arg4 : memref<640x16xf32, #tpu.memory_space<hbm>>) dst(%dma_wait3A_17 : memref<640x16xf32, #tpu.memory_space<vmem_shared>>)
      tpu.yield
    }) : () -> ()
    %barrier3A = arith.constant 0 : index
    tpu.barrier barrier_id(%barrier3A)
    %scan3A = arith.constant 0 : i32
    %scan3A_3 = arith.constant 0 : i32
    %scan3A_4 = arith.constant 157 : i32
    %scan3A_5 = arith.addi %scan3A_3, %scan3A_4 : i32
    %scan3A_6 = arith.constant 1 : i32
    scf.for %scan3A_16 = %scan3A_3 to %scan3A_5 step %scan3A_6  : i32 {
      %run_scoped3A = arith.constant 0 : i32
      "tpu.region"() ({
        %run_scoped3A_17 = tpu.sem_alloc : memref<!tpu.dma_semaphore, #tpu.memory_space<semaphore_mem>>
        %dma_start3A = arith.constant 0 : i32
        %dma_start3A_18 = tpu.memref_slice %arg6[%run_scoped3A, %scan3A_16, %dma_start3A] : memref<1x157x128xi32, #tpu.memory_space<vmem>> -> memref<1x1x128xi32, #tpu.memory_space<vmem>>
        %dma_start3A_19 = tpu.memref_squeeze %dma_start3A_18 : memref<1x1x128xi32, #tpu.memory_space<vmem>> -> memref<128xi32, #tpu.memory_space<vmem>>
        %dma_start3A_20 = arith.constant 0 : i32
        %dma_start3A_21 = arith.constant 0 : i32
        %dma_start3A_22 = tpu.memref_slice %arg8[%dma_start3A_20, %dma_start3A_21] : memref<10240x16xf32, #tpu.memory_space<vmem_shared>> -> memref<10240x16xf32, #tpu.memory_space<vmem_shared>>
        tpu.enqueue_indirect_dma source(%arg7 : memref<128x16xf32, #tpu.memory_space<vmem>>) target(%dma_start3A_22 : memref<10240x16xf32, #tpu.memory_space<vmem_shared>>) offsets(%dma_start3A_19 : memref<128xi32, #tpu.memory_space<vmem>>) semaphore(%run_scoped3A_17 : memref<!tpu.dma_semaphore, #tpu.memory_space<semaphore_mem>>) {add = true}
        %dma_wait3A = arith.constant 0 : i32
        %dma_wait3A_23 = tpu.memref_slice %arg6[%run_scoped3A, %scan3A_16, %dma_wait3A] : memref<1x157x128xi32, #tpu.memory_space<vmem>> -> memref<1x1x128xi32, #tpu.memory_space<vmem>>
        %dma_wait3A_24 = tpu.memref_squeeze %dma_wait3A_23 : memref<1x1x128xi32, #tpu.memory_space<vmem>> -> memref<128xi32, #tpu.memory_space<vmem>>
        %dma_wait3A_25 = arith.constant 0 : i32
        %dma_wait3A_26 = arith.constant 0 : i32
        %dma_wait3A_27 = tpu.memref_slice %arg8[%dma_wait3A_25, %dma_wait3A_26] : memref<10240x16xf32, #tpu.memory_space<vmem_shared>> -> memref<10240x16xf32, #tpu.memory_space<vmem_shared>>
        tpu.wait_indirect_dma semaphore(%run_scoped3A_17 : memref<!tpu.dma_semaphore, #tpu.memory_space<semaphore_mem>>) src(%arg7 : memref<128x16xf32, #tpu.memory_space<vmem>>) dst(%dma_wait3A_27 : memref<10240x16xf32, #tpu.memory_space<vmem_shared>>)
        tpu.yield
      }) : () -> ()
    }
    %scan3A_7 = arith.constant 157 : i32
    %barrier3A_8 = arith.constant 0 : index
    tpu.barrier barrier_id(%barrier3A_8)
    %mul3A_9 = arith.constant 640 : i32
    %mul3A_10 = arith.muli %arg1, %mul3A_9 : i32
    %mul3A_11 = arith.constant 10240 : i32
    %mul3A_12 = arith.muli %arg0, %mul3A_11 : i32
    %mul3A_13 = arith.constant 640 : i32
    %mul3A_14 = arith.muli %arg1, %mul3A_13 : i32
    %add3A_15 = arith.addi %mul3A_12, %mul3A_14 : i32
    "tpu.region"() ({
      %run_scoped3A = tpu.sem_alloc : memref<!tpu.dma_semaphore, #tpu.memory_space<semaphore_mem>>
      %dma_start3A = arith.constant 0 : i32
      %dma_start3A_16 = tpu.memref_slice %arg5[%add3A_15, %dma_start3A] : memref<20480x16xf32, #tpu.memory_space<hbm>> -> memref<640x16xf32, #tpu.memory_space<hbm>>
      %dma_start3A_17 = arith.constant 0 : i32
      %dma_start3A_18 = tpu.memref_slice %arg8[%mul3A_10, %dma_start3A_17] : memref<10240x16xf32, #tpu.memory_space<vmem_shared>> -> memref<640x16xf32, #tpu.memory_space<vmem_shared>>
      tpu.enqueue_dma source(%dma_start3A_18 : memref<640x16xf32, #tpu.memory_space<vmem_shared>>) target(%dma_start3A_16 : memref<640x16xf32, #tpu.memory_space<hbm>>) target_semaphore(%run_scoped3A : memref<!tpu.dma_semaphore, #tpu.memory_space<semaphore_mem>>)
      %dma_wait3A = arith.constant 0 : i32
      %dma_wait3A_19 = tpu.memref_slice %arg5[%add3A_15, %dma_wait3A] : memref<20480x16xf32, #tpu.memory_space<hbm>> -> memref<640x16xf32, #tpu.memory_space<hbm>>
      %dma_wait3A_20 = arith.constant 0 : i32
      %dma_wait3A_21 = tpu.memref_slice %arg8[%mul3A_10, %dma_wait3A_20] : memref<10240x16xf32, #tpu.memory_space<vmem_shared>> -> memref<640x16xf32, #tpu.memory_space<vmem_shared>>
      tpu.wait_dma2 semaphore(%run_scoped3A : memref<!tpu.dma_semaphore, #tpu.memory_space<semaphore_mem>>) src(%dma_wait3A_21 : memref<640x16xf32, #tpu.memory_space<vmem_shared>>) dst(%dma_wait3A_19 : memref<640x16xf32, #tpu.memory_space<hbm>>)
      tpu.yield
    }) : () -> ()
    return
  }
}

#map = affine_map<(d0, d1) -> (0, 0)>
#map1 = affine_map<(d0, d1) -> (0, 0, 0)>
module attributes {stable_mosaic.version = 14 : i64} {
  func.func @_scatter_kernel(%arg0: i32, %arg1: i32, %arg2: memref<40960x64xf32, #tpu.memory_space<hbm>>, %arg3: memref<64x157x128xi32, #tpu.memory_space<hbm>>, %arg4: memref<16x157x128xi32, #tpu.memory_space<hbm>>, %arg5: memref<640x64xf32, #tpu.memory_space<hbm>>, %arg6: memref<40960x64xf32, #tpu.memory_space<hbm>>, %arg7: memref<2x157x128xi32, #tpu.memory_space<vmem>>, %arg8: memref<1x157x128xi32, #tpu.memory_space<vmem>>, %arg9: memref<128x64xf32, #tpu.memory_space<vmem>>, %arg10: memref<10240x64xf32, #tpu.memory_space<vmem_shared>>, %arg11: memref<!tpu.dma_semaphore, #tpu.memory_space<semaphore_mem>>) attributes {dimension_semantics = [#tpu.dimension_semantics<core_parallel>, #tpu.dimension_semantics<subcore_parallel>], iteration_bounds = array<i64: 2, 16>, scalar_prefetch = 0 : i64, scratch_operands = 5 : i64, tpu.core_type = #tpu.core_type<sc_vector_subcore>, window_params = [{transform_indices = #map}, {transform_indices = #map1}, {transform_indices = #map1}, {transform_indices = #map}, {transform_indices = #map}]} {
    %add3A = arith.constant 0 : i32
    %add3A_0 = arith.addi %add3A, %arg0 : i32
    %mul3A = arith.constant 16 : i32
    %mul3A_1 = arith.muli %add3A_0, %mul3A : i32
    %add3A_2 = arith.addi %mul3A_1, %arg1 : i32
    "tpu.region"() ({
      %run_scoped3A = tpu.sem_alloc : memref<!tpu.dma_semaphore, #tpu.memory_space<semaphore_mem>>
      %dma_start3A = arith.constant 0 : i32
      %dma_start3A_44 = arith.constant 0 : i32
      %dma_start3A_45 = arith.constant 0 : i32
      %dma_start3A_46 = tpu.memref_slice %arg7[%dma_start3A, %dma_start3A_44, %dma_start3A_45] : memref<2x157x128xi32, #tpu.memory_space<vmem>> -> memref<1x157x128xi32, #tpu.memory_space<vmem>>
      %dma_start3A_47 = arith.constant 0 : i32
      %dma_start3A_48 = arith.constant 0 : i32
      %dma_start3A_49 = tpu.memref_slice %arg3[%add3A_2, %dma_start3A_47, %dma_start3A_48] : memref<64x157x128xi32, #tpu.memory_space<hbm>> -> memref<1x157x128xi32, #tpu.memory_space<hbm>>
      %dma_start3A_50 = arith.constant 0 : i32
      %dma_start3A_51 = arith.constant 0 : i32
      %dma_start3A_52 = arith.constant 0 : i32
      %dma_start3A_53 = tpu.memref_slice %arg7[%dma_start3A_50, %dma_start3A_51, %dma_start3A_52] : memref<2x157x128xi32, #tpu.memory_space<vmem>> -> memref<1x157x128xi32, #tpu.memory_space<vmem>>
      %dma_start3A_54 = arith.constant 0 : i32
      %dma_start3A_55 = arith.constant 0 : i32
      %dma_start3A_56 = tpu.memref_slice %arg3[%add3A_2, %dma_start3A_54, %dma_start3A_55] : memref<64x157x128xi32, #tpu.memory_space<hbm>> -> memref<1x157x128xi32, #tpu.memory_space<hbm>>
      tpu.enqueue_dma source(%dma_start3A_56 : memref<1x157x128xi32, #tpu.memory_space<hbm>>) target(%dma_start3A_53 : memref<1x157x128xi32, #tpu.memory_space<vmem>>) target_semaphore(%run_scoped3A : memref<!tpu.dma_semaphore, #tpu.memory_space<semaphore_mem>>)
      %dma_wait3A = arith.constant 0 : i32
      %dma_wait3A_57 = arith.constant 0 : i32
      %dma_wait3A_58 = arith.constant 0 : i32
      %dma_wait3A_59 = tpu.memref_slice %arg7[%dma_wait3A, %dma_wait3A_57, %dma_wait3A_58] : memref<2x157x128xi32, #tpu.memory_space<vmem>> -> memref<1x157x128xi32, #tpu.memory_space<vmem>>
      %dma_wait3A_60 = arith.constant 0 : i32
      %dma_wait3A_61 = arith.constant 0 : i32
      %dma_wait3A_62 = tpu.memref_slice %arg3[%add3A_2, %dma_wait3A_60, %dma_wait3A_61] : memref<64x157x128xi32, #tpu.memory_space<hbm>> -> memref<1x157x128xi32, #tpu.memory_space<hbm>>
      %dma_wait3A_63 = arith.constant 0 : i32
      %dma_wait3A_64 = arith.constant 0 : i32
      %dma_wait3A_65 = arith.constant 0 : i32
      %dma_wait3A_66 = tpu.memref_slice %arg7[%dma_wait3A_63, %dma_wait3A_64, %dma_wait3A_65] : memref<2x157x128xi32, #tpu.memory_space<vmem>> -> memref<1x157x128xi32, #tpu.memory_space<vmem>>
      %dma_wait3A_67 = arith.constant 0 : i32
      %dma_wait3A_68 = arith.constant 0 : i32
      %dma_wait3A_69 = tpu.memref_slice %arg3[%add3A_2, %dma_wait3A_67, %dma_wait3A_68] : memref<64x157x128xi32, #tpu.memory_space<hbm>> -> memref<1x157x128xi32, #tpu.memory_space<hbm>>
      tpu.wait_dma2 semaphore(%run_scoped3A : memref<!tpu.dma_semaphore, #tpu.memory_space<semaphore_mem>>) src(%dma_wait3A_69 : memref<1x157x128xi32, #tpu.memory_space<hbm>>) dst(%dma_wait3A_66 : memref<1x157x128xi32, #tpu.memory_space<vmem>>)
      tpu.yield
    }) : () -> ()
    %add3A_3 = arith.constant 2 : i32
    %add3A_4 = arith.addi %add3A_3, %arg0 : i32
    %mul3A_5 = arith.constant 16 : i32
    %mul3A_6 = arith.muli %add3A_4, %mul3A_5 : i32
    %add3A_7 = arith.addi %mul3A_6, %arg1 : i32
    "tpu.region"() ({
      %run_scoped3A = tpu.sem_alloc : memref<!tpu.dma_semaphore, #tpu.memory_space<semaphore_mem>>
      %dma_start3A = arith.constant 1 : i32
      %dma_start3A_44 = arith.constant 0 : i32
      %dma_start3A_45 = arith.constant 0 : i32
      %dma_start3A_46 = tpu.memref_slice %arg7[%dma_start3A, %dma_start3A_44, %dma_start3A_45] : memref<2x157x128xi32, #tpu.memory_space<vmem>> -> memref<1x157x128xi32, #tpu.memory_space<vmem>>
      %dma_start3A_47 = arith.constant 0 : i32
      %dma_start3A_48 = arith.constant 0 : i32
      %dma_start3A_49 = tpu.memref_slice %arg3[%add3A_7, %dma_start3A_47, %dma_start3A_48] : memref<64x157x128xi32, #tpu.memory_space<hbm>> -> memref<1x157x128xi32, #tpu.memory_space<hbm>>
      %dma_start3A_50 = arith.constant 1 : i32
      %dma_start3A_51 = arith.constant 0 : i32
      %dma_start3A_52 = arith.constant 0 : i32
      %dma_start3A_53 = tpu.memref_slice %arg7[%dma_start3A_50, %dma_start3A_51, %dma_start3A_52] : memref<2x157x128xi32, #tpu.memory_space<vmem>> -> memref<1x157x128xi32, #tpu.memory_space<vmem>>
      %dma_start3A_54 = arith.constant 0 : i32
      %dma_start3A_55 = arith.constant 0 : i32
      %dma_start3A_56 = tpu.memref_slice %arg3[%add3A_7, %dma_start3A_54, %dma_start3A_55] : memref<64x157x128xi32, #tpu.memory_space<hbm>> -> memref<1x157x128xi32, #tpu.memory_space<hbm>>
      tpu.enqueue_dma source(%dma_start3A_56 : memref<1x157x128xi32, #tpu.memory_space<hbm>>) target(%dma_start3A_53 : memref<1x157x128xi32, #tpu.memory_space<vmem>>) target_semaphore(%run_scoped3A : memref<!tpu.dma_semaphore, #tpu.memory_space<semaphore_mem>>)
      %dma_wait3A = arith.constant 1 : i32
      %dma_wait3A_57 = arith.constant 0 : i32
      %dma_wait3A_58 = arith.constant 0 : i32
      %dma_wait3A_59 = tpu.memref_slice %arg7[%dma_wait3A, %dma_wait3A_57, %dma_wait3A_58] : memref<2x157x128xi32, #tpu.memory_space<vmem>> -> memref<1x157x128xi32, #tpu.memory_space<vmem>>
      %dma_wait3A_60 = arith.constant 0 : i32
      %dma_wait3A_61 = arith.constant 0 : i32
      %dma_wait3A_62 = tpu.memref_slice %arg3[%add3A_7, %dma_wait3A_60, %dma_wait3A_61] : memref<64x157x128xi32, #tpu.memory_space<hbm>> -> memref<1x157x128xi32, #tpu.memory_space<hbm>>
      %dma_wait3A_63 = arith.constant 1 : i32
      %dma_wait3A_64 = arith.constant 0 : i32
      %dma_wait3A_65 = arith.constant 0 : i32
      %dma_wait3A_66 = tpu.memref_slice %arg7[%dma_wait3A_63, %dma_wait3A_64, %dma_wait3A_65] : memref<2x157x128xi32, #tpu.memory_space<vmem>> -> memref<1x157x128xi32, #tpu.memory_space<vmem>>
      %dma_wait3A_67 = arith.constant 0 : i32
      %dma_wait3A_68 = arith.constant 0 : i32
      %dma_wait3A_69 = tpu.memref_slice %arg3[%add3A_7, %dma_wait3A_67, %dma_wait3A_68] : memref<64x157x128xi32, #tpu.memory_space<hbm>> -> memref<1x157x128xi32, #tpu.memory_space<hbm>>
      tpu.wait_dma2 semaphore(%run_scoped3A : memref<!tpu.dma_semaphore, #tpu.memory_space<semaphore_mem>>) src(%dma_wait3A_69 : memref<1x157x128xi32, #tpu.memory_space<hbm>>) dst(%dma_wait3A_66 : memref<1x157x128xi32, #tpu.memory_space<vmem>>)
      tpu.yield
    }) : () -> ()
    "tpu.region"() ({
      %run_scoped3A = tpu.sem_alloc : memref<!tpu.dma_semaphore, #tpu.memory_space<semaphore_mem>>
      %dma_start3A = arith.constant 0 : i32
      %dma_start3A_44 = arith.constant 0 : i32
      %dma_start3A_45 = tpu.memref_slice %arg4[%arg1, %dma_start3A, %dma_start3A_44] : memref<16x157x128xi32, #tpu.memory_space<hbm>> -> memref<1x157x128xi32, #tpu.memory_space<hbm>>
      %dma_start3A_46 = arith.constant 0 : i32
      %dma_start3A_47 = arith.constant 0 : i32
      %dma_start3A_48 = tpu.memref_slice %arg4[%arg1, %dma_start3A_46, %dma_start3A_47] : memref<16x157x128xi32, #tpu.memory_space<hbm>> -> memref<1x157x128xi32, #tpu.memory_space<hbm>>
      tpu.enqueue_dma source(%dma_start3A_48 : memref<1x157x128xi32, #tpu.memory_space<hbm>>) target(%arg8 : memref<1x157x128xi32, #tpu.memory_space<vmem>>) target_semaphore(%run_scoped3A : memref<!tpu.dma_semaphore, #tpu.memory_space<semaphore_mem>>)
      %dma_wait3A = arith.constant 0 : i32
      %dma_wait3A_49 = arith.constant 0 : i32
      %dma_wait3A_50 = tpu.memref_slice %arg4[%arg1, %dma_wait3A, %dma_wait3A_49] : memref<16x157x128xi32, #tpu.memory_space<hbm>> -> memref<1x157x128xi32, #tpu.memory_space<hbm>>
      %dma_wait3A_51 = arith.constant 0 : i32
      %dma_wait3A_52 = arith.constant 0 : i32
      %dma_wait3A_53 = tpu.memref_slice %arg4[%arg1, %dma_wait3A_51, %dma_wait3A_52] : memref<16x157x128xi32, #tpu.memory_space<hbm>> -> memref<1x157x128xi32, #tpu.memory_space<hbm>>
      tpu.wait_dma2 semaphore(%run_scoped3A : memref<!tpu.dma_semaphore, #tpu.memory_space<semaphore_mem>>) src(%dma_wait3A_53 : memref<1x157x128xi32, #tpu.memory_space<hbm>>) dst(%arg8 : memref<1x157x128xi32, #tpu.memory_space<vmem>>)
      tpu.yield
    }) : () -> ()
    %mul3A_8 = arith.constant 640 : i32
    %mul3A_9 = arith.muli %arg1, %mul3A_8 : i32
    "tpu.region"() ({
      %run_scoped3A = tpu.sem_alloc : memref<!tpu.dma_semaphore, #tpu.memory_space<semaphore_mem>>
      %dma_start3A = arith.constant 0 : i32
      %dma_start3A_44 = tpu.memref_slice %arg10[%mul3A_9, %dma_start3A] : memref<10240x64xf32, #tpu.memory_space<vmem_shared>> -> memref<640x64xf32, #tpu.memory_space<vmem_shared>>
      tpu.enqueue_dma source(%arg5 : memref<640x64xf32, #tpu.memory_space<hbm>>) target(%dma_start3A_44 : memref<640x64xf32, #tpu.memory_space<vmem_shared>>) target_semaphore(%run_scoped3A : memref<!tpu.dma_semaphore, #tpu.memory_space<semaphore_mem>>)
      %dma_wait3A = arith.constant 0 : i32
      %dma_wait3A_45 = tpu.memref_slice %arg10[%mul3A_9, %dma_wait3A] : memref<10240x64xf32, #tpu.memory_space<vmem_shared>> -> memref<640x64xf32, #tpu.memory_space<vmem_shared>>
      tpu.wait_dma2 semaphore(%run_scoped3A : memref<!tpu.dma_semaphore, #tpu.memory_space<semaphore_mem>>) src(%arg5 : memref<640x64xf32, #tpu.memory_space<hbm>>) dst(%dma_wait3A_45 : memref<640x64xf32, #tpu.memory_space<vmem_shared>>)
      tpu.yield
    }) : () -> ()
    %barrier3A = arith.constant 0 : index
    tpu.barrier barrier_id(%barrier3A)
    %scan3A = arith.constant 0 : i32
    %scan3A_10 = arith.constant 0 : i32
    %scan3A_11 = arith.constant 157 : i32
    %scan3A_12 = arith.addi %scan3A_10, %scan3A_11 : i32
    %scan3A_13 = arith.constant 1 : i32
    scf.for %scan3A_44 = %scan3A_10 to %scan3A_12 step %scan3A_13  : i32 {
      %dma_start3A = arith.constant 0 : i32
      %dma_start3A_45 = arith.constant 0 : i32
      %dma_start3A_46 = tpu.memref_slice %arg7[%dma_start3A, %scan3A_44, %dma_start3A_45] : memref<2x157x128xi32, #tpu.memory_space<vmem>> -> memref<1x1x128xi32, #tpu.memory_space<vmem>>
      %dma_start3A_47 = tpu.memref_squeeze %dma_start3A_46 : memref<1x1x128xi32, #tpu.memory_space<vmem>> -> memref<128xi32, #tpu.memory_space<vmem>>
      %dma_start3A_48 = arith.constant 0 : i32
      %dma_start3A_49 = arith.constant 0 : i32
      %dma_start3A_50 = tpu.memref_slice %arg2[%dma_start3A_48, %dma_start3A_49] : memref<40960x64xf32, #tpu.memory_space<hbm>> -> memref<40960x64xf32, #tpu.memory_space<hbm>>
      tpu.enqueue_indirect_dma source(%dma_start3A_50 : memref<40960x64xf32, #tpu.memory_space<hbm>>) target(%arg9 : memref<128x64xf32, #tpu.memory_space<vmem>>) offsets(%dma_start3A_47 : memref<128xi32, #tpu.memory_space<vmem>>) semaphore(%arg11 : memref<!tpu.dma_semaphore, #tpu.memory_space<semaphore_mem>>)
      %dma_wait3A = arith.constant 0 : i32
      %dma_wait3A_51 = arith.constant 0 : i32
      %dma_wait3A_52 = tpu.memref_slice %arg7[%dma_wait3A, %scan3A_44, %dma_wait3A_51] : memref<2x157x128xi32, #tpu.memory_space<vmem>> -> memref<1x1x128xi32, #tpu.memory_space<vmem>>
      %dma_wait3A_53 = tpu.memref_squeeze %dma_wait3A_52 : memref<1x1x128xi32, #tpu.memory_space<vmem>> -> memref<128xi32, #tpu.memory_space<vmem>>
      %dma_wait3A_54 = arith.constant 0 : i32
      %dma_wait3A_55 = arith.constant 0 : i32
      %dma_wait3A_56 = tpu.memref_slice %arg2[%dma_wait3A_54, %dma_wait3A_55] : memref<40960x64xf32, #tpu.memory_space<hbm>> -> memref<40960x64xf32, #tpu.memory_space<hbm>>
      tpu.wait_indirect_dma semaphore(%arg11 : memref<!tpu.dma_semaphore, #tpu.memory_space<semaphore_mem>>) src(%dma_wait3A_56 : memref<40960x64xf32, #tpu.memory_space<hbm>>) dst(%arg9 : memref<128x64xf32, #tpu.memory_space<vmem>>)
      %run_scoped3A = arith.constant 0 : i32
      "tpu.region"() ({
        %run_scoped3A_57 = tpu.sem_alloc : memref<!tpu.dma_semaphore, #tpu.memory_space<semaphore_mem>>
        %dma_start3A_58 = arith.constant 0 : i32
        %dma_start3A_59 = tpu.memref_slice %arg8[%run_scoped3A, %scan3A_44, %dma_start3A_58] : memref<1x157x128xi32, #tpu.memory_space<vmem>> -> memref<1x1x128xi32, #tpu.memory_space<vmem>>
        %dma_start3A_60 = tpu.memref_squeeze %dma_start3A_59 : memref<1x1x128xi32, #tpu.memory_space<vmem>> -> memref<128xi32, #tpu.memory_space<vmem>>
        %dma_start3A_61 = arith.constant 0 : i32
        %dma_start3A_62 = arith.constant 0 : i32
        %dma_start3A_63 = tpu.memref_slice %arg10[%dma_start3A_61, %dma_start3A_62] : memref<10240x64xf32, #tpu.memory_space<vmem_shared>> -> memref<10240x64xf32, #tpu.memory_space<vmem_shared>>
        tpu.enqueue_indirect_dma source(%arg9 : memref<128x64xf32, #tpu.memory_space<vmem>>) target(%dma_start3A_63 : memref<10240x64xf32, #tpu.memory_space<vmem_shared>>) offsets(%dma_start3A_60 : memref<128xi32, #tpu.memory_space<vmem>>) semaphore(%run_scoped3A_57 : memref<!tpu.dma_semaphore, #tpu.memory_space<semaphore_mem>>) {add = true}
        %dma_wait3A_64 = arith.constant 0 : i32
        %dma_wait3A_65 = tpu.memref_slice %arg8[%run_scoped3A, %scan3A_44, %dma_wait3A_64] : memref<1x157x128xi32, #tpu.memory_space<vmem>> -> memref<1x1x128xi32, #tpu.memory_space<vmem>>
        %dma_wait3A_66 = tpu.memref_squeeze %dma_wait3A_65 : memref<1x1x128xi32, #tpu.memory_space<vmem>> -> memref<128xi32, #tpu.memory_space<vmem>>
        %dma_wait3A_67 = arith.constant 0 : i32
        %dma_wait3A_68 = arith.constant 0 : i32
        %dma_wait3A_69 = tpu.memref_slice %arg10[%dma_wait3A_67, %dma_wait3A_68] : memref<10240x64xf32, #tpu.memory_space<vmem_shared>> -> memref<10240x64xf32, #tpu.memory_space<vmem_shared>>
        tpu.wait_indirect_dma semaphore(%run_scoped3A_57 : memref<!tpu.dma_semaphore, #tpu.memory_space<semaphore_mem>>) src(%arg9 : memref<128x64xf32, #tpu.memory_space<vmem>>) dst(%dma_wait3A_69 : memref<10240x64xf32, #tpu.memory_space<vmem_shared>>)
        tpu.yield
      }) : () -> ()
    }
    %scan3A_14 = arith.constant 157 : i32
    %barrier3A_15 = arith.constant 0 : index
    tpu.barrier barrier_id(%barrier3A_15)
    %mul3A_16 = arith.constant 640 : i32
    %mul3A_17 = arith.muli %arg1, %mul3A_16 : i32
    %add3A_18 = arith.constant 0 : i32
    %add3A_19 = arith.addi %add3A_18, %arg0 : i32
    %mul3A_20 = arith.constant 10240 : i32
    %mul3A_21 = arith.muli %add3A_19, %mul3A_20 : i32
    %mul3A_22 = arith.constant 640 : i32
    %mul3A_23 = arith.muli %arg1, %mul3A_22 : i32
    %add3A_24 = arith.addi %mul3A_21, %mul3A_23 : i32
    "tpu.region"() ({
      %run_scoped3A = tpu.sem_alloc : memref<!tpu.dma_semaphore, #tpu.memory_space<semaphore_mem>>
      %dma_start3A = arith.constant 0 : i32
      %dma_start3A_44 = tpu.memref_slice %arg6[%add3A_24, %dma_start3A] : memref<40960x64xf32, #tpu.memory_space<hbm>> -> memref<640x64xf32, #tpu.memory_space<hbm>>
      %dma_start3A_45 = arith.constant 0 : i32
      %dma_start3A_46 = tpu.memref_slice %arg10[%mul3A_17, %dma_start3A_45] : memref<10240x64xf32, #tpu.memory_space<vmem_shared>> -> memref<640x64xf32, #tpu.memory_space<vmem_shared>>
      tpu.enqueue_dma source(%dma_start3A_46 : memref<640x64xf32, #tpu.memory_space<vmem_shared>>) target(%dma_start3A_44 : memref<640x64xf32, #tpu.memory_space<hbm>>) target_semaphore(%run_scoped3A : memref<!tpu.dma_semaphore, #tpu.memory_space<semaphore_mem>>)
      %dma_wait3A = arith.constant 0 : i32
      %dma_wait3A_47 = tpu.memref_slice %arg6[%add3A_24, %dma_wait3A] : memref<40960x64xf32, #tpu.memory_space<hbm>> -> memref<640x64xf32, #tpu.memory_space<hbm>>
      %dma_wait3A_48 = arith.constant 0 : i32
      %dma_wait3A_49 = tpu.memref_slice %arg10[%mul3A_17, %dma_wait3A_48] : memref<10240x64xf32, #tpu.memory_space<vmem_shared>> -> memref<640x64xf32, #tpu.memory_space<vmem_shared>>
      tpu.wait_dma2 semaphore(%run_scoped3A : memref<!tpu.dma_semaphore, #tpu.memory_space<semaphore_mem>>) src(%dma_wait3A_49 : memref<640x64xf32, #tpu.memory_space<vmem_shared>>) dst(%dma_wait3A_47 : memref<640x64xf32, #tpu.memory_space<hbm>>)
      tpu.yield
    }) : () -> ()
    %mul3A_25 = arith.constant 640 : i32
    %mul3A_26 = arith.muli %arg1, %mul3A_25 : i32
    "tpu.region"() ({
      %run_scoped3A = tpu.sem_alloc : memref<!tpu.dma_semaphore, #tpu.memory_space<semaphore_mem>>
      %dma_start3A = arith.constant 0 : i32
      %dma_start3A_44 = tpu.memref_slice %arg10[%mul3A_26, %dma_start3A] : memref<10240x64xf32, #tpu.memory_space<vmem_shared>> -> memref<640x64xf32, #tpu.memory_space<vmem_shared>>
      tpu.enqueue_dma source(%arg5 : memref<640x64xf32, #tpu.memory_space<hbm>>) target(%dma_start3A_44 : memref<640x64xf32, #tpu.memory_space<vmem_shared>>) target_semaphore(%run_scoped3A : memref<!tpu.dma_semaphore, #tpu.memory_space<semaphore_mem>>)
      %dma_wait3A = arith.constant 0 : i32
      %dma_wait3A_45 = tpu.memref_slice %arg10[%mul3A_26, %dma_wait3A] : memref<10240x64xf32, #tpu.memory_space<vmem_shared>> -> memref<640x64xf32, #tpu.memory_space<vmem_shared>>
      tpu.wait_dma2 semaphore(%run_scoped3A : memref<!tpu.dma_semaphore, #tpu.memory_space<semaphore_mem>>) src(%arg5 : memref<640x64xf32, #tpu.memory_space<hbm>>) dst(%dma_wait3A_45 : memref<640x64xf32, #tpu.memory_space<vmem_shared>>)
      tpu.yield
    }) : () -> ()
    %barrier3A_27 = arith.constant 0 : index
    tpu.barrier barrier_id(%barrier3A_27)
    %scan3A_28 = arith.constant 0 : i32
    %scan3A_29 = arith.constant 0 : i32
    %scan3A_30 = arith.constant 157 : i32
    %scan3A_31 = arith.addi %scan3A_29, %scan3A_30 : i32
    %scan3A_32 = arith.constant 1 : i32
    scf.for %scan3A_44 = %scan3A_29 to %scan3A_31 step %scan3A_32  : i32 {
      %dma_start3A = arith.constant 1 : i32
      %dma_start3A_45 = arith.constant 0 : i32
      %dma_start3A_46 = tpu.memref_slice %arg7[%dma_start3A, %scan3A_44, %dma_start3A_45] : memref<2x157x128xi32, #tpu.memory_space<vmem>> -> memref<1x1x128xi32, #tpu.memory_space<vmem>>
      %dma_start3A_47 = tpu.memref_squeeze %dma_start3A_46 : memref<1x1x128xi32, #tpu.memory_space<vmem>> -> memref<128xi32, #tpu.memory_space<vmem>>
      %dma_start3A_48 = arith.constant 0 : i32
      %dma_start3A_49 = arith.constant 0 : i32
      %dma_start3A_50 = tpu.memref_slice %arg2[%dma_start3A_48, %dma_start3A_49] : memref<40960x64xf32, #tpu.memory_space<hbm>> -> memref<40960x64xf32, #tpu.memory_space<hbm>>
      tpu.enqueue_indirect_dma source(%dma_start3A_50 : memref<40960x64xf32, #tpu.memory_space<hbm>>) target(%arg9 : memref<128x64xf32, #tpu.memory_space<vmem>>) offsets(%dma_start3A_47 : memref<128xi32, #tpu.memory_space<vmem>>) semaphore(%arg11 : memref<!tpu.dma_semaphore, #tpu.memory_space<semaphore_mem>>)
      %dma_wait3A = arith.constant 1 : i32
      %dma_wait3A_51 = arith.constant 0 : i32
      %dma_wait3A_52 = tpu.memref_slice %arg7[%dma_wait3A, %scan3A_44, %dma_wait3A_51] : memref<2x157x128xi32, #tpu.memory_space<vmem>> -> memref<1x1x128xi32, #tpu.memory_space<vmem>>
      %dma_wait3A_53 = tpu.memref_squeeze %dma_wait3A_52 : memref<1x1x128xi32, #tpu.memory_space<vmem>> -> memref<128xi32, #tpu.memory_space<vmem>>
      %dma_wait3A_54 = arith.constant 0 : i32
      %dma_wait3A_55 = arith.constant 0 : i32
      %dma_wait3A_56 = tpu.memref_slice %arg2[%dma_wait3A_54, %dma_wait3A_55] : memref<40960x64xf32, #tpu.memory_space<hbm>> -> memref<40960x64xf32, #tpu.memory_space<hbm>>
      tpu.wait_indirect_dma semaphore(%arg11 : memref<!tpu.dma_semaphore, #tpu.memory_space<semaphore_mem>>) src(%dma_wait3A_56 : memref<40960x64xf32, #tpu.memory_space<hbm>>) dst(%arg9 : memref<128x64xf32, #tpu.memory_space<vmem>>)
      %run_scoped3A = arith.constant 0 : i32
      "tpu.region"() ({
        %run_scoped3A_57 = tpu.sem_alloc : memref<!tpu.dma_semaphore, #tpu.memory_space<semaphore_mem>>
        %dma_start3A_58 = arith.constant 0 : i32
        %dma_start3A_59 = tpu.memref_slice %arg8[%run_scoped3A, %scan3A_44, %dma_start3A_58] : memref<1x157x128xi32, #tpu.memory_space<vmem>> -> memref<1x1x128xi32, #tpu.memory_space<vmem>>
        %dma_start3A_60 = tpu.memref_squeeze %dma_start3A_59 : memref<1x1x128xi32, #tpu.memory_space<vmem>> -> memref<128xi32, #tpu.memory_space<vmem>>
        %dma_start3A_61 = arith.constant 0 : i32
        %dma_start3A_62 = arith.constant 0 : i32
        %dma_start3A_63 = tpu.memref_slice %arg10[%dma_start3A_61, %dma_start3A_62] : memref<10240x64xf32, #tpu.memory_space<vmem_shared>> -> memref<10240x64xf32, #tpu.memory_space<vmem_shared>>
        tpu.enqueue_indirect_dma source(%arg9 : memref<128x64xf32, #tpu.memory_space<vmem>>) target(%dma_start3A_63 : memref<10240x64xf32, #tpu.memory_space<vmem_shared>>) offsets(%dma_start3A_60 : memref<128xi32, #tpu.memory_space<vmem>>) semaphore(%run_scoped3A_57 : memref<!tpu.dma_semaphore, #tpu.memory_space<semaphore_mem>>) {add = true}
        %dma_wait3A_64 = arith.constant 0 : i32
        %dma_wait3A_65 = tpu.memref_slice %arg8[%run_scoped3A, %scan3A_44, %dma_wait3A_64] : memref<1x157x128xi32, #tpu.memory_space<vmem>> -> memref<1x1x128xi32, #tpu.memory_space<vmem>>
        %dma_wait3A_66 = tpu.memref_squeeze %dma_wait3A_65 : memref<1x1x128xi32, #tpu.memory_space<vmem>> -> memref<128xi32, #tpu.memory_space<vmem>>
        %dma_wait3A_67 = arith.constant 0 : i32
        %dma_wait3A_68 = arith.constant 0 : i32
        %dma_wait3A_69 = tpu.memref_slice %arg10[%dma_wait3A_67, %dma_wait3A_68] : memref<10240x64xf32, #tpu.memory_space<vmem_shared>> -> memref<10240x64xf32, #tpu.memory_space<vmem_shared>>
        tpu.wait_indirect_dma semaphore(%run_scoped3A_57 : memref<!tpu.dma_semaphore, #tpu.memory_space<semaphore_mem>>) src(%arg9 : memref<128x64xf32, #tpu.memory_space<vmem>>) dst(%dma_wait3A_69 : memref<10240x64xf32, #tpu.memory_space<vmem_shared>>)
        tpu.yield
      }) : () -> ()
    }
    %scan3A_33 = arith.constant 157 : i32
    %barrier3A_34 = arith.constant 0 : index
    tpu.barrier barrier_id(%barrier3A_34)
    %mul3A_35 = arith.constant 640 : i32
    %mul3A_36 = arith.muli %arg1, %mul3A_35 : i32
    %add3A_37 = arith.constant 2 : i32
    %add3A_38 = arith.addi %add3A_37, %arg0 : i32
    %mul3A_39 = arith.constant 10240 : i32
    %mul3A_40 = arith.muli %add3A_38, %mul3A_39 : i32
    %mul3A_41 = arith.constant 640 : i32
    %mul3A_42 = arith.muli %arg1, %mul3A_41 : i32
    %add3A_43 = arith.addi %mul3A_40, %mul3A_42 : i32
    "tpu.region"() ({
      %run_scoped3A = tpu.sem_alloc : memref<!tpu.dma_semaphore, #tpu.memory_space<semaphore_mem>>
      %dma_start3A = arith.constant 0 : i32
      %dma_start3A_44 = tpu.memref_slice %arg6[%add3A_43, %dma_start3A] : memref<40960x64xf32, #tpu.memory_space<hbm>> -> memref<640x64xf32, #tpu.memory_space<hbm>>
      %dma_start3A_45 = arith.constant 0 : i32
      %dma_start3A_46 = tpu.memref_slice %arg10[%mul3A_36, %dma_start3A_45] : memref<10240x64xf32, #tpu.memory_space<vmem_shared>> -> memref<640x64xf32, #tpu.memory_space<vmem_shared>>
      tpu.enqueue_dma source(%dma_start3A_46 : memref<640x64xf32, #tpu.memory_space<vmem_shared>>) target(%dma_start3A_44 : memref<640x64xf32, #tpu.memory_space<hbm>>) target_semaphore(%run_scoped3A : memref<!tpu.dma_semaphore, #tpu.memory_space<semaphore_mem>>)
      %dma_wait3A = arith.constant 0 : i32
      %dma_wait3A_47 = tpu.memref_slice %arg6[%add3A_43, %dma_wait3A] : memref<40960x64xf32, #tpu.memory_space<hbm>> -> memref<640x64xf32, #tpu.memory_space<hbm>>
      %dma_wait3A_48 = arith.constant 0 : i32
      %dma_wait3A_49 = tpu.memref_slice %arg10[%mul3A_36, %dma_wait3A_48] : memref<10240x64xf32, #tpu.memory_space<vmem_shared>> -> memref<640x64xf32, #tpu.memory_space<vmem_shared>>
      tpu.wait_dma2 semaphore(%run_scoped3A : memref<!tpu.dma_semaphore, #tpu.memory_space<semaphore_mem>>) src(%dma_wait3A_49 : memref<640x64xf32, #tpu.memory_space<vmem_shared>>) dst(%dma_wait3A_47 : memref<640x64xf32, #tpu.memory_space<hbm>>)
      tpu.yield
    }) : () -> ()
    return
  }
}

#map = affine_map<(d0, d1) -> (0, 0)>
#map1 = affine_map<(d0, d1) -> (0, 0, 0)>
module attributes {stable_mosaic.version = 14 : i64} {
  func.func @_scatter_kernel(%arg0: i32, %arg1: i32, %arg2: memref<40960x64xf32, #tpu.memory_space<hbm>>, %arg3: memref<64x157x128xi32, #tpu.memory_space<hbm>>, %arg4: memref<16x157x128xi32, #tpu.memory_space<hbm>>, %arg5: memref<640x64xf32, #tpu.memory_space<hbm>>, %arg6: memref<40960x64xf32, #tpu.memory_space<hbm>>, %arg7: memref<2x157x128xi32, #tpu.memory_space<vmem>>, %arg8: memref<1x157x128xi32, #tpu.memory_space<vmem>>, %arg9: memref<128x64xf32, #tpu.memory_space<vmem>>, %arg10: memref<10240x64xf32, #tpu.memory_space<vmem_shared>>, %arg11: memref<!tpu.dma_semaphore, #tpu.memory_space<semaphore_mem>>) attributes {dimension_semantics = [#tpu.dimension_semantics<core_parallel>, #tpu.dimension_semantics<subcore_parallel>], iteration_bounds = array<i64: 2, 16>, scalar_prefetch = 0 : i64, scratch_operands = 5 : i64, tpu.core_type = #tpu.core_type<sc_vector_subcore>, window_params = [{transform_indices = #map}, {transform_indices = #map1}, {transform_indices = #map1}, {transform_indices = #map}, {transform_indices = #map}]} {
    %add3A = arith.constant 0 : i32
    %add3A_0 = arith.addi %add3A, %arg0 : i32
    %mul3A = arith.constant 16 : i32
    %mul3A_1 = arith.muli %add3A_0, %mul3A : i32
    %add3A_2 = arith.addi %mul3A_1, %arg1 : i32
    "tpu.region"() ({
      %run_scoped3A = tpu.sem_alloc : memref<!tpu.dma_semaphore, #tpu.memory_space<semaphore_mem>>
      %dma_start3A = arith.constant 0 : i32
      %dma_start3A_44 = arith.constant 0 : i32
      %dma_start3A_45 = arith.constant 0 : i32
      %dma_start3A_46 = tpu.memref_slice %arg7[%dma_start3A, %dma_start3A_44, %dma_start3A_45] : memref<2x157x128xi32, #tpu.memory_space<vmem>> -> memref<1x157x128xi32, #tpu.memory_space<vmem>>
      %dma_start3A_47 = arith.constant 0 : i32
      %dma_start3A_48 = arith.constant 0 : i32
      %dma_start3A_49 = tpu.memref_slice %arg3[%add3A_2, %dma_start3A_47, %dma_start3A_48] : memref<64x157x128xi32, #tpu.memory_space<hbm>> -> memref<1x157x128xi32, #tpu.memory_space<hbm>>
      %dma_start3A_50 = arith.constant 0 : i32
      %dma_start3A_51 = arith.constant 0 : i32
      %dma_start3A_52 = arith.constant 0 : i32
      %dma_start3A_53 = tpu.memref_slice %arg7[%dma_start3A_50, %dma_start3A_51, %dma_start3A_52] : memref<2x157x128xi32, #tpu.memory_space<vmem>> -> memref<1x157x128xi32, #tpu.memory_space<vmem>>
      %dma_start3A_54 = arith.constant 0 : i32
      %dma_start3A_55 = arith.constant 0 : i32
      %dma_start3A_56 = tpu.memref_slice %arg3[%add3A_2, %dma_start3A_54, %dma_start3A_55] : memref<64x157x128xi32, #tpu.memory_space<hbm>> -> memref<1x157x128xi32, #tpu.memory_space<hbm>>
      tpu.enqueue_dma source(%dma_start3A_56 : memref<1x157x128xi32, #tpu.memory_space<hbm>>) target(%dma_start3A_53 : memref<1x157x128xi32, #tpu.memory_space<vmem>>) target_semaphore(%run_scoped3A : memref<!tpu.dma_semaphore, #tpu.memory_space<semaphore_mem>>)
      %dma_wait3A = arith.constant 0 : i32
      %dma_wait3A_57 = arith.constant 0 : i32
      %dma_wait3A_58 = arith.constant 0 : i32
      %dma_wait3A_59 = tpu.memref_slice %arg7[%dma_wait3A, %dma_wait3A_57, %dma_wait3A_58] : memref<2x157x128xi32, #tpu.memory_space<vmem>> -> memref<1x157x128xi32, #tpu.memory_space<vmem>>
      %dma_wait3A_60 = arith.constant 0 : i32
      %dma_wait3A_61 = arith.constant 0 : i32
      %dma_wait3A_62 = tpu.memref_slice %arg3[%add3A_2, %dma_wait3A_60, %dma_wait3A_61] : memref<64x157x128xi32, #tpu.memory_space<hbm>> -> memref<1x157x128xi32, #tpu.memory_space<hbm>>
      %dma_wait3A_63 = arith.constant 0 : i32
      %dma_wait3A_64 = arith.constant 0 : i32
      %dma_wait3A_65 = arith.constant 0 : i32
      %dma_wait3A_66 = tpu.memref_slice %arg7[%dma_wait3A_63, %dma_wait3A_64, %dma_wait3A_65] : memref<2x157x128xi32, #tpu.memory_space<vmem>> -> memref<1x157x128xi32, #tpu.memory_space<vmem>>
      %dma_wait3A_67 = arith.constant 0 : i32
      %dma_wait3A_68 = arith.constant 0 : i32
      %dma_wait3A_69 = tpu.memref_slice %arg3[%add3A_2, %dma_wait3A_67, %dma_wait3A_68] : memref<64x157x128xi32, #tpu.memory_space<hbm>> -> memref<1x157x128xi32, #tpu.memory_space<hbm>>
      tpu.wait_dma2 semaphore(%run_scoped3A : memref<!tpu.dma_semaphore, #tpu.memory_space<semaphore_mem>>) src(%dma_wait3A_69 : memref<1x157x128xi32, #tpu.memory_space<hbm>>) dst(%dma_wait3A_66 : memref<1x157x128xi32, #tpu.memory_space<vmem>>)
      tpu.yield
    }) : () -> ()
    %add3A_3 = arith.constant 2 : i32
    %add3A_4 = arith.addi %add3A_3, %arg0 : i32
    %mul3A_5 = arith.constant 16 : i32
    %mul3A_6 = arith.muli %add3A_4, %mul3A_5 : i32
    %add3A_7 = arith.addi %mul3A_6, %arg1 : i32
    "tpu.region"() ({
      %run_scoped3A = tpu.sem_alloc : memref<!tpu.dma_semaphore, #tpu.memory_space<semaphore_mem>>
      %dma_start3A = arith.constant 1 : i32
      %dma_start3A_44 = arith.constant 0 : i32
      %dma_start3A_45 = arith.constant 0 : i32
      %dma_start3A_46 = tpu.memref_slice %arg7[%dma_start3A, %dma_start3A_44, %dma_start3A_45] : memref<2x157x128xi32, #tpu.memory_space<vmem>> -> memref<1x157x128xi32, #tpu.memory_space<vmem>>
      %dma_start3A_47 = arith.constant 0 : i32
      %dma_start3A_48 = arith.constant 0 : i32
      %dma_start3A_49 = tpu.memref_slice %arg3[%add3A_7, %dma_start3A_47, %dma_start3A_48] : memref<64x157x128xi32, #tpu.memory_space<hbm>> -> memref<1x157x128xi32, #tpu.memory_space<hbm>>
      %dma_start3A_50 = arith.constant 1 : i32
      %dma_start3A_51 = arith.constant 0 : i32
      %dma_start3A_52 = arith.constant 0 : i32
      %dma_start3A_53 = tpu.memref_slice %arg7[%dma_start3A_50, %dma_start3A_51, %dma_start3A_52] : memref<2x157x128xi32, #tpu.memory_space<vmem>> -> memref<1x157x128xi32, #tpu.memory_space<vmem>>
      %dma_start3A_54 = arith.constant 0 : i32
      %dma_start3A_55 = arith.constant 0 : i32
      %dma_start3A_56 = tpu.memref_slice %arg3[%add3A_7, %dma_start3A_54, %dma_start3A_55] : memref<64x157x128xi32, #tpu.memory_space<hbm>> -> memref<1x157x128xi32, #tpu.memory_space<hbm>>
      tpu.enqueue_dma source(%dma_start3A_56 : memref<1x157x128xi32, #tpu.memory_space<hbm>>) target(%dma_start3A_53 : memref<1x157x128xi32, #tpu.memory_space<vmem>>) target_semaphore(%run_scoped3A : memref<!tpu.dma_semaphore, #tpu.memory_space<semaphore_mem>>)
      %dma_wait3A = arith.constant 1 : i32
      %dma_wait3A_57 = arith.constant 0 : i32
      %dma_wait3A_58 = arith.constant 0 : i32
      %dma_wait3A_59 = tpu.memref_slice %arg7[%dma_wait3A, %dma_wait3A_57, %dma_wait3A_58] : memref<2x157x128xi32, #tpu.memory_space<vmem>> -> memref<1x157x128xi32, #tpu.memory_space<vmem>>
      %dma_wait3A_60 = arith.constant 0 : i32
      %dma_wait3A_61 = arith.constant 0 : i32
      %dma_wait3A_62 = tpu.memref_slice %arg3[%add3A_7, %dma_wait3A_60, %dma_wait3A_61] : memref<64x157x128xi32, #tpu.memory_space<hbm>> -> memref<1x157x128xi32, #tpu.memory_space<hbm>>
      %dma_wait3A_63 = arith.constant 1 : i32
      %dma_wait3A_64 = arith.constant 0 : i32
      %dma_wait3A_65 = arith.constant 0 : i32
      %dma_wait3A_66 = tpu.memref_slice %arg7[%dma_wait3A_63, %dma_wait3A_64, %dma_wait3A_65] : memref<2x157x128xi32, #tpu.memory_space<vmem>> -> memref<1x157x128xi32, #tpu.memory_space<vmem>>
      %dma_wait3A_67 = arith.constant 0 : i32
      %dma_wait3A_68 = arith.constant 0 : i32
      %dma_wait3A_69 = tpu.memref_slice %arg3[%add3A_7, %dma_wait3A_67, %dma_wait3A_68] : memref<64x157x128xi32, #tpu.memory_space<hbm>> -> memref<1x157x128xi32, #tpu.memory_space<hbm>>
      tpu.wait_dma2 semaphore(%run_scoped3A : memref<!tpu.dma_semaphore, #tpu.memory_space<semaphore_mem>>) src(%dma_wait3A_69 : memref<1x157x128xi32, #tpu.memory_space<hbm>>) dst(%dma_wait3A_66 : memref<1x157x128xi32, #tpu.memory_space<vmem>>)
      tpu.yield
    }) : () -> ()
    "tpu.region"() ({
      %run_scoped3A = tpu.sem_alloc : memref<!tpu.dma_semaphore, #tpu.memory_space<semaphore_mem>>
      %dma_start3A = arith.constant 0 : i32
      %dma_start3A_44 = arith.constant 0 : i32
      %dma_start3A_45 = tpu.memref_slice %arg4[%arg1, %dma_start3A, %dma_start3A_44] : memref<16x157x128xi32, #tpu.memory_space<hbm>> -> memref<1x157x128xi32, #tpu.memory_space<hbm>>
      %dma_start3A_46 = arith.constant 0 : i32
      %dma_start3A_47 = arith.constant 0 : i32
      %dma_start3A_48 = tpu.memref_slice %arg4[%arg1, %dma_start3A_46, %dma_start3A_47] : memref<16x157x128xi32, #tpu.memory_space<hbm>> -> memref<1x157x128xi32, #tpu.memory_space<hbm>>
      tpu.enqueue_dma source(%dma_start3A_48 : memref<1x157x128xi32, #tpu.memory_space<hbm>>) target(%arg8 : memref<1x157x128xi32, #tpu.memory_space<vmem>>) target_semaphore(%run_scoped3A : memref<!tpu.dma_semaphore, #tpu.memory_space<semaphore_mem>>)
      %dma_wait3A = arith.constant 0 : i32
      %dma_wait3A_49 = arith.constant 0 : i32
      %dma_wait3A_50 = tpu.memref_slice %arg4[%arg1, %dma_wait3A, %dma_wait3A_49] : memref<16x157x128xi32, #tpu.memory_space<hbm>> -> memref<1x157x128xi32, #tpu.memory_space<hbm>>
      %dma_wait3A_51 = arith.constant 0 : i32
      %dma_wait3A_52 = arith.constant 0 : i32
      %dma_wait3A_53 = tpu.memref_slice %arg4[%arg1, %dma_wait3A_51, %dma_wait3A_52] : memref<16x157x128xi32, #tpu.memory_space<hbm>> -> memref<1x157x128xi32, #tpu.memory_space<hbm>>
      tpu.wait_dma2 semaphore(%run_scoped3A : memref<!tpu.dma_semaphore, #tpu.memory_space<semaphore_mem>>) src(%dma_wait3A_53 : memref<1x157x128xi32, #tpu.memory_space<hbm>>) dst(%arg8 : memref<1x157x128xi32, #tpu.memory_space<vmem>>)
      tpu.yield
    }) : () -> ()
    %mul3A_8 = arith.constant 640 : i32
    %mul3A_9 = arith.muli %arg1, %mul3A_8 : i32
    "tpu.region"() ({
      %run_scoped3A = tpu.sem_alloc : memref<!tpu.dma_semaphore, #tpu.memory_space<semaphore_mem>>
      %dma_start3A = arith.constant 0 : i32
      %dma_start3A_44 = tpu.memref_slice %arg10[%mul3A_9, %dma_start3A] : memref<10240x64xf32, #tpu.memory_space<vmem_shared>> -> memref<640x64xf32, #tpu.memory_space<vmem_shared>>
      tpu.enqueue_dma source(%arg5 : memref<640x64xf32, #tpu.memory_space<hbm>>) target(%dma_start3A_44 : memref<640x64xf32, #tpu.memory_space<vmem_shared>>) target_semaphore(%run_scoped3A : memref<!tpu.dma_semaphore, #tpu.memory_space<semaphore_mem>>)
      %dma_wait3A = arith.constant 0 : i32
      %dma_wait3A_45 = tpu.memref_slice %arg10[%mul3A_9, %dma_wait3A] : memref<10240x64xf32, #tpu.memory_space<vmem_shared>> -> memref<640x64xf32, #tpu.memory_space<vmem_shared>>
      tpu.wait_dma2 semaphore(%run_scoped3A : memref<!tpu.dma_semaphore, #tpu.memory_space<semaphore_mem>>) src(%arg5 : memref<640x64xf32, #tpu.memory_space<hbm>>) dst(%dma_wait3A_45 : memref<640x64xf32, #tpu.memory_space<vmem_shared>>)
      tpu.yield
    }) : () -> ()
    %barrier3A = arith.constant 0 : index
    tpu.barrier barrier_id(%barrier3A)
    %scan3A = arith.constant 0 : i32
    %scan3A_10 = arith.constant 0 : i32
    %scan3A_11 = arith.constant 157 : i32
    %scan3A_12 = arith.addi %scan3A_10, %scan3A_11 : i32
    %scan3A_13 = arith.constant 1 : i32
    scf.for %scan3A_44 = %scan3A_10 to %scan3A_12 step %scan3A_13  : i32 {
      %dma_start3A = arith.constant 0 : i32
      %dma_start3A_45 = arith.constant 0 : i32
      %dma_start3A_46 = tpu.memref_slice %arg7[%dma_start3A, %scan3A_44, %dma_start3A_45] : memref<2x157x128xi32, #tpu.memory_space<vmem>> -> memref<1x1x128xi32, #tpu.memory_space<vmem>>
      %dma_start3A_47 = tpu.memref_squeeze %dma_start3A_46 : memref<1x1x128xi32, #tpu.memory_space<vmem>> -> memref<128xi32, #tpu.memory_space<vmem>>
      %dma_start3A_48 = arith.constant 0 : i32
      %dma_start3A_49 = arith.constant 0 : i32
      %dma_start3A_50 = tpu.memref_slice %arg2[%dma_start3A_48, %dma_start3A_49] : memref<40960x64xf32, #tpu.memory_space<hbm>> -> memref<40960x64xf32, #tpu.memory_space<hbm>>
      tpu.enqueue_indirect_dma source(%dma_start3A_50 : memref<40960x64xf32, #tpu.memory_space<hbm>>) target(%arg9 : memref<128x64xf32, #tpu.memory_space<vmem>>) offsets(%dma_start3A_47 : memref<128xi32, #tpu.memory_space<vmem>>) semaphore(%arg11 : memref<!tpu.dma_semaphore, #tpu.memory_space<semaphore_mem>>)
      %dma_wait3A = arith.constant 0 : i32
      %dma_wait3A_51 = arith.constant 0 : i32
      %dma_wait3A_52 = tpu.memref_slice %arg7[%dma_wait3A, %scan3A_44, %dma_wait3A_51] : memref<2x157x128xi32, #tpu.memory_space<vmem>> -> memref<1x1x128xi32, #tpu.memory_space<vmem>>
      %dma_wait3A_53 = tpu.memref_squeeze %dma_wait3A_52 : memref<1x1x128xi32, #tpu.memory_space<vmem>> -> memref<128xi32, #tpu.memory_space<vmem>>
      %dma_wait3A_54 = arith.constant 0 : i32
      %dma_wait3A_55 = arith.constant 0 : i32
      %dma_wait3A_56 = tpu.memref_slice %arg2[%dma_wait3A_54, %dma_wait3A_55] : memref<40960x64xf32, #tpu.memory_space<hbm>> -> memref<40960x64xf32, #tpu.memory_space<hbm>>
      tpu.wait_indirect_dma semaphore(%arg11 : memref<!tpu.dma_semaphore, #tpu.memory_space<semaphore_mem>>) src(%dma_wait3A_56 : memref<40960x64xf32, #tpu.memory_space<hbm>>) dst(%arg9 : memref<128x64xf32, #tpu.memory_space<vmem>>)
      %run_scoped3A = arith.constant 0 : i32
      "tpu.region"() ({
        %run_scoped3A_57 = tpu.sem_alloc : memref<!tpu.dma_semaphore, #tpu.memory_space<semaphore_mem>>
        %dma_start3A_58 = arith.constant 0 : i32
        %dma_start3A_59 = tpu.memref_slice %arg8[%run_scoped3A, %scan3A_44, %dma_start3A_58] : memref<1x157x128xi32, #tpu.memory_space<vmem>> -> memref<1x1x128xi32, #tpu.memory_space<vmem>>
        %dma_start3A_60 = tpu.memref_squeeze %dma_start3A_59 : memref<1x1x128xi32, #tpu.memory_space<vmem>> -> memref<128xi32, #tpu.memory_space<vmem>>
        %dma_start3A_61 = arith.constant 0 : i32
        %dma_start3A_62 = arith.constant 0 : i32
        %dma_start3A_63 = tpu.memref_slice %arg10[%dma_start3A_61, %dma_start3A_62] : memref<10240x64xf32, #tpu.memory_space<vmem_shared>> -> memref<10240x64xf32, #tpu.memory_space<vmem_shared>>
        tpu.enqueue_indirect_dma source(%arg9 : memref<128x64xf32, #tpu.memory_space<vmem>>) target(%dma_start3A_63 : memref<10240x64xf32, #tpu.memory_space<vmem_shared>>) offsets(%dma_start3A_60 : memref<128xi32, #tpu.memory_space<vmem>>) semaphore(%run_scoped3A_57 : memref<!tpu.dma_semaphore, #tpu.memory_space<semaphore_mem>>) {add = true}
        %dma_wait3A_64 = arith.constant 0 : i32
        %dma_wait3A_65 = tpu.memref_slice %arg8[%run_scoped3A, %scan3A_44, %dma_wait3A_64] : memref<1x157x128xi32, #tpu.memory_space<vmem>> -> memref<1x1x128xi32, #tpu.memory_space<vmem>>
        %dma_wait3A_66 = tpu.memref_squeeze %dma_wait3A_65 : memref<1x1x128xi32, #tpu.memory_space<vmem>> -> memref<128xi32, #tpu.memory_space<vmem>>
        %dma_wait3A_67 = arith.constant 0 : i32
        %dma_wait3A_68 = arith.constant 0 : i32
        %dma_wait3A_69 = tpu.memref_slice %arg10[%dma_wait3A_67, %dma_wait3A_68] : memref<10240x64xf32, #tpu.memory_space<vmem_shared>> -> memref<10240x64xf32, #tpu.memory_space<vmem_shared>>
        tpu.wait_indirect_dma semaphore(%run_scoped3A_57 : memref<!tpu.dma_semaphore, #tpu.memory_space<semaphore_mem>>) src(%arg9 : memref<128x64xf32, #tpu.memory_space<vmem>>) dst(%dma_wait3A_69 : memref<10240x64xf32, #tpu.memory_space<vmem_shared>>)
        tpu.yield
      }) : () -> ()
    }
    %scan3A_14 = arith.constant 157 : i32
    %barrier3A_15 = arith.constant 0 : index
    tpu.barrier barrier_id(%barrier3A_15)
    %mul3A_16 = arith.constant 640 : i32
    %mul3A_17 = arith.muli %arg1, %mul3A_16 : i32
    %add3A_18 = arith.constant 0 : i32
    %add3A_19 = arith.addi %add3A_18, %arg0 : i32
    %mul3A_20 = arith.constant 10240 : i32
    %mul3A_21 = arith.muli %add3A_19, %mul3A_20 : i32
    %mul3A_22 = arith.constant 640 : i32
    %mul3A_23 = arith.muli %arg1, %mul3A_22 : i32
    %add3A_24 = arith.addi %mul3A_21, %mul3A_23 : i32
    "tpu.region"() ({
      %run_scoped3A = tpu.sem_alloc : memref<!tpu.dma_semaphore, #tpu.memory_space<semaphore_mem>>
      %dma_start3A = arith.constant 0 : i32
      %dma_start3A_44 = tpu.memref_slice %arg6[%add3A_24, %dma_start3A] : memref<40960x64xf32, #tpu.memory_space<hbm>> -> memref<640x64xf32, #tpu.memory_space<hbm>>
      %dma_start3A_45 = arith.constant 0 : i32
      %dma_start3A_46 = tpu.memref_slice %arg10[%mul3A_17, %dma_start3A_45] : memref<10240x64xf32, #tpu.memory_space<vmem_shared>> -> memref<640x64xf32, #tpu.memory_space<vmem_shared>>
      tpu.enqueue_dma source(%dma_start3A_46 : memref<640x64xf32, #tpu.memory_space<vmem_shared>>) target(%dma_start3A_44 : memref<640x64xf32, #tpu.memory_space<hbm>>) target_semaphore(%run_scoped3A : memref<!tpu.dma_semaphore, #tpu.memory_space<semaphore_mem>>)
      %dma_wait3A = arith.constant 0 : i32
      %dma_wait3A_47 = tpu.memref_slice %arg6[%add3A_24, %dma_wait3A] : memref<40960x64xf32, #tpu.memory_space<hbm>> -> memref<640x64xf32, #tpu.memory_space<hbm>>
      %dma_wait3A_48 = arith.constant 0 : i32
      %dma_wait3A_49 = tpu.memref_slice %arg10[%mul3A_17, %dma_wait3A_48] : memref<10240x64xf32, #tpu.memory_space<vmem_shared>> -> memref<640x64xf32, #tpu.memory_space<vmem_shared>>
      tpu.wait_dma2 semaphore(%run_scoped3A : memref<!tpu.dma_semaphore, #tpu.memory_space<semaphore_mem>>) src(%dma_wait3A_49 : memref<640x64xf32, #tpu.memory_space<vmem_shared>>) dst(%dma_wait3A_47 : memref<640x64xf32, #tpu.memory_space<hbm>>)
      tpu.yield
    }) : () -> ()
    %mul3A_25 = arith.constant 640 : i32
    %mul3A_26 = arith.muli %arg1, %mul3A_25 : i32
    "tpu.region"() ({
      %run_scoped3A = tpu.sem_alloc : memref<!tpu.dma_semaphore, #tpu.memory_space<semaphore_mem>>
      %dma_start3A = arith.constant 0 : i32
      %dma_start3A_44 = tpu.memref_slice %arg10[%mul3A_26, %dma_start3A] : memref<10240x64xf32, #tpu.memory_space<vmem_shared>> -> memref<640x64xf32, #tpu.memory_space<vmem_shared>>
      tpu.enqueue_dma source(%arg5 : memref<640x64xf32, #tpu.memory_space<hbm>>) target(%dma_start3A_44 : memref<640x64xf32, #tpu.memory_space<vmem_shared>>) target_semaphore(%run_scoped3A : memref<!tpu.dma_semaphore, #tpu.memory_space<semaphore_mem>>)
      %dma_wait3A = arith.constant 0 : i32
      %dma_wait3A_45 = tpu.memref_slice %arg10[%mul3A_26, %dma_wait3A] : memref<10240x64xf32, #tpu.memory_space<vmem_shared>> -> memref<640x64xf32, #tpu.memory_space<vmem_shared>>
      tpu.wait_dma2 semaphore(%run_scoped3A : memref<!tpu.dma_semaphore, #tpu.memory_space<semaphore_mem>>) src(%arg5 : memref<640x64xf32, #tpu.memory_space<hbm>>) dst(%dma_wait3A_45 : memref<640x64xf32, #tpu.memory_space<vmem_shared>>)
      tpu.yield
    }) : () -> ()
    %barrier3A_27 = arith.constant 0 : index
    tpu.barrier barrier_id(%barrier3A_27)
    %scan3A_28 = arith.constant 0 : i32
    %scan3A_29 = arith.constant 0 : i32
    %scan3A_30 = arith.constant 157 : i32
    %scan3A_31 = arith.addi %scan3A_29, %scan3A_30 : i32
    %scan3A_32 = arith.constant 1 : i32
    scf.for %scan3A_44 = %scan3A_29 to %scan3A_31 step %scan3A_32  : i32 {
      %dma_start3A = arith.constant 1 : i32
      %dma_start3A_45 = arith.constant 0 : i32
      %dma_start3A_46 = tpu.memref_slice %arg7[%dma_start3A, %scan3A_44, %dma_start3A_45] : memref<2x157x128xi32, #tpu.memory_space<vmem>> -> memref<1x1x128xi32, #tpu.memory_space<vmem>>
      %dma_start3A_47 = tpu.memref_squeeze %dma_start3A_46 : memref<1x1x128xi32, #tpu.memory_space<vmem>> -> memref<128xi32, #tpu.memory_space<vmem>>
      %dma_start3A_48 = arith.constant 0 : i32
      %dma_start3A_49 = arith.constant 0 : i32
      %dma_start3A_50 = tpu.memref_slice %arg2[%dma_start3A_48, %dma_start3A_49] : memref<40960x64xf32, #tpu.memory_space<hbm>> -> memref<40960x64xf32, #tpu.memory_space<hbm>>
      tpu.enqueue_indirect_dma source(%dma_start3A_50 : memref<40960x64xf32, #tpu.memory_space<hbm>>) target(%arg9 : memref<128x64xf32, #tpu.memory_space<vmem>>) offsets(%dma_start3A_47 : memref<128xi32, #tpu.memory_space<vmem>>) semaphore(%arg11 : memref<!tpu.dma_semaphore, #tpu.memory_space<semaphore_mem>>)
      %dma_wait3A = arith.constant 1 : i32
      %dma_wait3A_51 = arith.constant 0 : i32
      %dma_wait3A_52 = tpu.memref_slice %arg7[%dma_wait3A, %scan3A_44, %dma_wait3A_51] : memref<2x157x128xi32, #tpu.memory_space<vmem>> -> memref<1x1x128xi32, #tpu.memory_space<vmem>>
      %dma_wait3A_53 = tpu.memref_squeeze %dma_wait3A_52 : memref<1x1x128xi32, #tpu.memory_space<vmem>> -> memref<128xi32, #tpu.memory_space<vmem>>
      %dma_wait3A_54 = arith.constant 0 : i32
      %dma_wait3A_55 = arith.constant 0 : i32
      %dma_wait3A_56 = tpu.memref_slice %arg2[%dma_wait3A_54, %dma_wait3A_55] : memref<40960x64xf32, #tpu.memory_space<hbm>> -> memref<40960x64xf32, #tpu.memory_space<hbm>>
      tpu.wait_indirect_dma semaphore(%arg11 : memref<!tpu.dma_semaphore, #tpu.memory_space<semaphore_mem>>) src(%dma_wait3A_56 : memref<40960x64xf32, #tpu.memory_space<hbm>>) dst(%arg9 : memref<128x64xf32, #tpu.memory_space<vmem>>)
      %run_scoped3A = arith.constant 0 : i32
      "tpu.region"() ({
        %run_scoped3A_57 = tpu.sem_alloc : memref<!tpu.dma_semaphore, #tpu.memory_space<semaphore_mem>>
        %dma_start3A_58 = arith.constant 0 : i32
        %dma_start3A_59 = tpu.memref_slice %arg8[%run_scoped3A, %scan3A_44, %dma_start3A_58] : memref<1x157x128xi32, #tpu.memory_space<vmem>> -> memref<1x1x128xi32, #tpu.memory_space<vmem>>
        %dma_start3A_60 = tpu.memref_squeeze %dma_start3A_59 : memref<1x1x128xi32, #tpu.memory_space<vmem>> -> memref<128xi32, #tpu.memory_space<vmem>>
        %dma_start3A_61 = arith.constant 0 : i32
        %dma_start3A_62 = arith.constant 0 : i32
        %dma_start3A_63 = tpu.memref_slice %arg10[%dma_start3A_61, %dma_start3A_62] : memref<10240x64xf32, #tpu.memory_space<vmem_shared>> -> memref<10240x64xf32, #tpu.memory_space<vmem_shared>>
        tpu.enqueue_indirect_dma source(%arg9 : memref<128x64xf32, #tpu.memory_space<vmem>>) target(%dma_start3A_63 : memref<10240x64xf32, #tpu.memory_space<vmem_shared>>) offsets(%dma_start3A_60 : memref<128xi32, #tpu.memory_space<vmem>>) semaphore(%run_scoped3A_57 : memref<!tpu.dma_semaphore, #tpu.memory_space<semaphore_mem>>) {add = true}
        %dma_wait3A_64 = arith.constant 0 : i32
        %dma_wait3A_65 = tpu.memref_slice %arg8[%run_scoped3A, %scan3A_44, %dma_wait3A_64] : memref<1x157x128xi32, #tpu.memory_space<vmem>> -> memref<1x1x128xi32, #tpu.memory_space<vmem>>
        %dma_wait3A_66 = tpu.memref_squeeze %dma_wait3A_65 : memref<1x1x128xi32, #tpu.memory_space<vmem>> -> memref<128xi32, #tpu.memory_space<vmem>>
        %dma_wait3A_67 = arith.constant 0 : i32
        %dma_wait3A_68 = arith.constant 0 : i32
        %dma_wait3A_69 = tpu.memref_slice %arg10[%dma_wait3A_67, %dma_wait3A_68] : memref<10240x64xf32, #tpu.memory_space<vmem_shared>> -> memref<10240x64xf32, #tpu.memory_space<vmem_shared>>
        tpu.wait_indirect_dma semaphore(%run_scoped3A_57 : memref<!tpu.dma_semaphore, #tpu.memory_space<semaphore_mem>>) src(%arg9 : memref<128x64xf32, #tpu.memory_space<vmem>>) dst(%dma_wait3A_69 : memref<10240x64xf32, #tpu.memory_space<vmem_shared>>)
        tpu.yield
      }) : () -> ()
    }
    %scan3A_33 = arith.constant 157 : i32
    %barrier3A_34 = arith.constant 0 : index
    tpu.barrier barrier_id(%barrier3A_34)
    %mul3A_35 = arith.constant 640 : i32
    %mul3A_36 = arith.muli %arg1, %mul3A_35 : i32
    %add3A_37 = arith.constant 2 : i32
    %add3A_38 = arith.addi %add3A_37, %arg0 : i32
    %mul3A_39 = arith.constant 10240 : i32
    %mul3A_40 = arith.muli %add3A_38, %mul3A_39 : i32
    %mul3A_41 = arith.constant 640 : i32
    %mul3A_42 = arith.muli %arg1, %mul3A_41 : i32
    %add3A_43 = arith.addi %mul3A_40, %mul3A_42 : i32
    "tpu.region"() ({
      %run_scoped3A = tpu.sem_alloc : memref<!tpu.dma_semaphore, #tpu.memory_space<semaphore_mem>>
      %dma_start3A = arith.constant 0 : i32
      %dma_start3A_44 = tpu.memref_slice %arg6[%add3A_43, %dma_start3A] : memref<40960x64xf32, #tpu.memory_space<hbm>> -> memref<640x64xf32, #tpu.memory_space<hbm>>
      %dma_start3A_45 = arith.constant 0 : i32
      %dma_start3A_46 = tpu.memref_slice %arg10[%mul3A_36, %dma_start3A_45] : memref<10240x64xf32, #tpu.memory_space<vmem_shared>> -> memref<640x64xf32, #tpu.memory_space<vmem_shared>>
      tpu.enqueue_dma source(%dma_start3A_46 : memref<640x64xf32, #tpu.memory_space<vmem_shared>>) target(%dma_start3A_44 : memref<640x64xf32, #tpu.memory_space<hbm>>) target_semaphore(%run_scoped3A : memref<!tpu.dma_semaphore, #tpu.memory_space<semaphore_mem>>)
      %dma_wait3A = arith.constant 0 : i32
      %dma_wait3A_47 = tpu.memref_slice %arg6[%add3A_43, %dma_wait3A] : memref<40960x64xf32, #tpu.memory_space<hbm>> -> memref<640x64xf32, #tpu.memory_space<hbm>>
      %dma_wait3A_48 = arith.constant 0 : i32
      %dma_wait3A_49 = tpu.memref_slice %arg10[%mul3A_36, %dma_wait3A_48] : memref<10240x64xf32, #tpu.memory_space<vmem_shared>> -> memref<640x64xf32, #tpu.memory_space<vmem_shared>>
      tpu.wait_dma2 semaphore(%run_scoped3A : memref<!tpu.dma_semaphore, #tpu.memory_space<semaphore_mem>>) src(%dma_wait3A_49 : memref<640x64xf32, #tpu.memory_space<vmem_shared>>) dst(%dma_wait3A_47 : memref<640x64xf32, #tpu.memory_space<hbm>>)
      tpu.yield
    }) : () -> ()
    return
  }
}

#map = affine_map<(d0, d1) -> (0, 0)>
#map1 = affine_map<(d0, d1) -> (0, 0, 0)>
module attributes {stable_mosaic.version = 14 : i64} {
  func.func @_scatter_kernel(%arg0: i32, %arg1: i32, %arg2: memref<40960x64xf32, #tpu.memory_space<hbm>>, %arg3: memref<64x157x128xi32, #tpu.memory_space<hbm>>, %arg4: memref<16x157x128xi32, #tpu.memory_space<hbm>>, %arg5: memref<640x64xf32, #tpu.memory_space<hbm>>, %arg6: memref<40960x64xf32, #tpu.memory_space<hbm>>, %arg7: memref<2x157x128xi32, #tpu.memory_space<vmem>>, %arg8: memref<1x157x128xi32, #tpu.memory_space<vmem>>, %arg9: memref<128x64xf32, #tpu.memory_space<vmem>>, %arg10: memref<10240x64xf32, #tpu.memory_space<vmem_shared>>, %arg11: memref<!tpu.dma_semaphore, #tpu.memory_space<semaphore_mem>>) attributes {dimension_semantics = [#tpu.dimension_semantics<core_parallel>, #tpu.dimension_semantics<subcore_parallel>], iteration_bounds = array<i64: 2, 16>, scalar_prefetch = 0 : i64, scratch_operands = 5 : i64, tpu.core_type = #tpu.core_type<sc_vector_subcore>, window_params = [{transform_indices = #map}, {transform_indices = #map1}, {transform_indices = #map1}, {transform_indices = #map}, {transform_indices = #map}]} {
    %add3A = arith.constant 0 : i32
    %add3A_0 = arith.addi %add3A, %arg0 : i32
    %mul3A = arith.constant 16 : i32
    %mul3A_1 = arith.muli %add3A_0, %mul3A : i32
    %add3A_2 = arith.addi %mul3A_1, %arg1 : i32
    "tpu.region"() ({
      %run_scoped3A = tpu.sem_alloc : memref<!tpu.dma_semaphore, #tpu.memory_space<semaphore_mem>>
      %dma_start3A = arith.constant 0 : i32
      %dma_start3A_44 = arith.constant 0 : i32
      %dma_start3A_45 = arith.constant 0 : i32
      %dma_start3A_46 = tpu.memref_slice %arg7[%dma_start3A, %dma_start3A_44, %dma_start3A_45] : memref<2x157x128xi32, #tpu.memory_space<vmem>> -> memref<1x157x128xi32, #tpu.memory_space<vmem>>
      %dma_start3A_47 = arith.constant 0 : i32
      %dma_start3A_48 = arith.constant 0 : i32
      %dma_start3A_49 = tpu.memref_slice %arg3[%add3A_2, %dma_start3A_47, %dma_start3A_48] : memref<64x157x128xi32, #tpu.memory_space<hbm>> -> memref<1x157x128xi32, #tpu.memory_space<hbm>>
      %dma_start3A_50 = arith.constant 0 : i32
      %dma_start3A_51 = arith.constant 0 : i32
      %dma_start3A_52 = arith.constant 0 : i32
      %dma_start3A_53 = tpu.memref_slice %arg7[%dma_start3A_50, %dma_start3A_51, %dma_start3A_52] : memref<2x157x128xi32, #tpu.memory_space<vmem>> -> memref<1x157x128xi32, #tpu.memory_space<vmem>>
      %dma_start3A_54 = arith.constant 0 : i32
      %dma_start3A_55 = arith.constant 0 : i32
      %dma_start3A_56 = tpu.memref_slice %arg3[%add3A_2, %dma_start3A_54, %dma_start3A_55] : memref<64x157x128xi32, #tpu.memory_space<hbm>> -> memref<1x157x128xi32, #tpu.memory_space<hbm>>
      tpu.enqueue_dma source(%dma_start3A_56 : memref<1x157x128xi32, #tpu.memory_space<hbm>>) target(%dma_start3A_53 : memref<1x157x128xi32, #tpu.memory_space<vmem>>) target_semaphore(%run_scoped3A : memref<!tpu.dma_semaphore, #tpu.memory_space<semaphore_mem>>)
      %dma_wait3A = arith.constant 0 : i32
      %dma_wait3A_57 = arith.constant 0 : i32
      %dma_wait3A_58 = arith.constant 0 : i32
      %dma_wait3A_59 = tpu.memref_slice %arg7[%dma_wait3A, %dma_wait3A_57, %dma_wait3A_58] : memref<2x157x128xi32, #tpu.memory_space<vmem>> -> memref<1x157x128xi32, #tpu.memory_space<vmem>>
      %dma_wait3A_60 = arith.constant 0 : i32
      %dma_wait3A_61 = arith.constant 0 : i32
      %dma_wait3A_62 = tpu.memref_slice %arg3[%add3A_2, %dma_wait3A_60, %dma_wait3A_61] : memref<64x157x128xi32, #tpu.memory_space<hbm>> -> memref<1x157x128xi32, #tpu.memory_space<hbm>>
      %dma_wait3A_63 = arith.constant 0 : i32
      %dma_wait3A_64 = arith.constant 0 : i32
      %dma_wait3A_65 = arith.constant 0 : i32
      %dma_wait3A_66 = tpu.memref_slice %arg7[%dma_wait3A_63, %dma_wait3A_64, %dma_wait3A_65] : memref<2x157x128xi32, #tpu.memory_space<vmem>> -> memref<1x157x128xi32, #tpu.memory_space<vmem>>
      %dma_wait3A_67 = arith.constant 0 : i32
      %dma_wait3A_68 = arith.constant 0 : i32
      %dma_wait3A_69 = tpu.memref_slice %arg3[%add3A_2, %dma_wait3A_67, %dma_wait3A_68] : memref<64x157x128xi32, #tpu.memory_space<hbm>> -> memref<1x157x128xi32, #tpu.memory_space<hbm>>
      tpu.wait_dma2 semaphore(%run_scoped3A : memref<!tpu.dma_semaphore, #tpu.memory_space<semaphore_mem>>) src(%dma_wait3A_69 : memref<1x157x128xi32, #tpu.memory_space<hbm>>) dst(%dma_wait3A_66 : memref<1x157x128xi32, #tpu.memory_space<vmem>>)
      tpu.yield
    }) : () -> ()
    %add3A_3 = arith.constant 2 : i32
    %add3A_4 = arith.addi %add3A_3, %arg0 : i32
    %mul3A_5 = arith.constant 16 : i32
    %mul3A_6 = arith.muli %add3A_4, %mul3A_5 : i32
    %add3A_7 = arith.addi %mul3A_6, %arg1 : i32
    "tpu.region"() ({
      %run_scoped3A = tpu.sem_alloc : memref<!tpu.dma_semaphore, #tpu.memory_space<semaphore_mem>>
      %dma_start3A = arith.constant 1 : i32
      %dma_start3A_44 = arith.constant 0 : i32
      %dma_start3A_45 = arith.constant 0 : i32
      %dma_start3A_46 = tpu.memref_slice %arg7[%dma_start3A, %dma_start3A_44, %dma_start3A_45] : memref<2x157x128xi32, #tpu.memory_space<vmem>> -> memref<1x157x128xi32, #tpu.memory_space<vmem>>
      %dma_start3A_47 = arith.constant 0 : i32
      %dma_start3A_48 = arith.constant 0 : i32
      %dma_start3A_49 = tpu.memref_slice %arg3[%add3A_7, %dma_start3A_47, %dma_start3A_48] : memref<64x157x128xi32, #tpu.memory_space<hbm>> -> memref<1x157x128xi32, #tpu.memory_space<hbm>>
      %dma_start3A_50 = arith.constant 1 : i32
      %dma_start3A_51 = arith.constant 0 : i32
      %dma_start3A_52 = arith.constant 0 : i32
      %dma_start3A_53 = tpu.memref_slice %arg7[%dma_start3A_50, %dma_start3A_51, %dma_start3A_52] : memref<2x157x128xi32, #tpu.memory_space<vmem>> -> memref<1x157x128xi32, #tpu.memory_space<vmem>>
      %dma_start3A_54 = arith.constant 0 : i32
      %dma_start3A_55 = arith.constant 0 : i32
      %dma_start3A_56 = tpu.memref_slice %arg3[%add3A_7, %dma_start3A_54, %dma_start3A_55] : memref<64x157x128xi32, #tpu.memory_space<hbm>> -> memref<1x157x128xi32, #tpu.memory_space<hbm>>
      tpu.enqueue_dma source(%dma_start3A_56 : memref<1x157x128xi32, #tpu.memory_space<hbm>>) target(%dma_start3A_53 : memref<1x157x128xi32, #tpu.memory_space<vmem>>) target_semaphore(%run_scoped3A : memref<!tpu.dma_semaphore, #tpu.memory_space<semaphore_mem>>)
      %dma_wait3A = arith.constant 1 : i32
      %dma_wait3A_57 = arith.constant 0 : i32
      %dma_wait3A_58 = arith.constant 0 : i32
      %dma_wait3A_59 = tpu.memref_slice %arg7[%dma_wait3A, %dma_wait3A_57, %dma_wait3A_58] : memref<2x157x128xi32, #tpu.memory_space<vmem>> -> memref<1x157x128xi32, #tpu.memory_space<vmem>>
      %dma_wait3A_60 = arith.constant 0 : i32
      %dma_wait3A_61 = arith.constant 0 : i32
      %dma_wait3A_62 = tpu.memref_slice %arg3[%add3A_7, %dma_wait3A_60, %dma_wait3A_61] : memref<64x157x128xi32, #tpu.memory_space<hbm>> -> memref<1x157x128xi32, #tpu.memory_space<hbm>>
      %dma_wait3A_63 = arith.constant 1 : i32
      %dma_wait3A_64 = arith.constant 0 : i32
      %dma_wait3A_65 = arith.constant 0 : i32
      %dma_wait3A_66 = tpu.memref_slice %arg7[%dma_wait3A_63, %dma_wait3A_64, %dma_wait3A_65] : memref<2x157x128xi32, #tpu.memory_space<vmem>> -> memref<1x157x128xi32, #tpu.memory_space<vmem>>
      %dma_wait3A_67 = arith.constant 0 : i32
      %dma_wait3A_68 = arith.constant 0 : i32
      %dma_wait3A_69 = tpu.memref_slice %arg3[%add3A_7, %dma_wait3A_67, %dma_wait3A_68] : memref<64x157x128xi32, #tpu.memory_space<hbm>> -> memref<1x157x128xi32, #tpu.memory_space<hbm>>
      tpu.wait_dma2 semaphore(%run_scoped3A : memref<!tpu.dma_semaphore, #tpu.memory_space<semaphore_mem>>) src(%dma_wait3A_69 : memref<1x157x128xi32, #tpu.memory_space<hbm>>) dst(%dma_wait3A_66 : memref<1x157x128xi32, #tpu.memory_space<vmem>>)
      tpu.yield
    }) : () -> ()
    "tpu.region"() ({
      %run_scoped3A = tpu.sem_alloc : memref<!tpu.dma_semaphore, #tpu.memory_space<semaphore_mem>>
      %dma_start3A = arith.constant 0 : i32
      %dma_start3A_44 = arith.constant 0 : i32
      %dma_start3A_45 = tpu.memref_slice %arg4[%arg1, %dma_start3A, %dma_start3A_44] : memref<16x157x128xi32, #tpu.memory_space<hbm>> -> memref<1x157x128xi32, #tpu.memory_space<hbm>>
      %dma_start3A_46 = arith.constant 0 : i32
      %dma_start3A_47 = arith.constant 0 : i32
      %dma_start3A_48 = tpu.memref_slice %arg4[%arg1, %dma_start3A_46, %dma_start3A_47] : memref<16x157x128xi32, #tpu.memory_space<hbm>> -> memref<1x157x128xi32, #tpu.memory_space<hbm>>
      tpu.enqueue_dma source(%dma_start3A_48 : memref<1x157x128xi32, #tpu.memory_space<hbm>>) target(%arg8 : memref<1x157x128xi32, #tpu.memory_space<vmem>>) target_semaphore(%run_scoped3A : memref<!tpu.dma_semaphore, #tpu.memory_space<semaphore_mem>>)
      %dma_wait3A = arith.constant 0 : i32
      %dma_wait3A_49 = arith.constant 0 : i32
      %dma_wait3A_50 = tpu.memref_slice %arg4[%arg1, %dma_wait3A, %dma_wait3A_49] : memref<16x157x128xi32, #tpu.memory_space<hbm>> -> memref<1x157x128xi32, #tpu.memory_space<hbm>>
      %dma_wait3A_51 = arith.constant 0 : i32
      %dma_wait3A_52 = arith.constant 0 : i32
      %dma_wait3A_53 = tpu.memref_slice %arg4[%arg1, %dma_wait3A_51, %dma_wait3A_52] : memref<16x157x128xi32, #tpu.memory_space<hbm>> -> memref<1x157x128xi32, #tpu.memory_space<hbm>>
      tpu.wait_dma2 semaphore(%run_scoped3A : memref<!tpu.dma_semaphore, #tpu.memory_space<semaphore_mem>>) src(%dma_wait3A_53 : memref<1x157x128xi32, #tpu.memory_space<hbm>>) dst(%arg8 : memref<1x157x128xi32, #tpu.memory_space<vmem>>)
      tpu.yield
    }) : () -> ()
    %mul3A_8 = arith.constant 640 : i32
    %mul3A_9 = arith.muli %arg1, %mul3A_8 : i32
    "tpu.region"() ({
      %run_scoped3A = tpu.sem_alloc : memref<!tpu.dma_semaphore, #tpu.memory_space<semaphore_mem>>
      %dma_start3A = arith.constant 0 : i32
      %dma_start3A_44 = tpu.memref_slice %arg10[%mul3A_9, %dma_start3A] : memref<10240x64xf32, #tpu.memory_space<vmem_shared>> -> memref<640x64xf32, #tpu.memory_space<vmem_shared>>
      tpu.enqueue_dma source(%arg5 : memref<640x64xf32, #tpu.memory_space<hbm>>) target(%dma_start3A_44 : memref<640x64xf32, #tpu.memory_space<vmem_shared>>) target_semaphore(%run_scoped3A : memref<!tpu.dma_semaphore, #tpu.memory_space<semaphore_mem>>)
      %dma_wait3A = arith.constant 0 : i32
      %dma_wait3A_45 = tpu.memref_slice %arg10[%mul3A_9, %dma_wait3A] : memref<10240x64xf32, #tpu.memory_space<vmem_shared>> -> memref<640x64xf32, #tpu.memory_space<vmem_shared>>
      tpu.wait_dma2 semaphore(%run_scoped3A : memref<!tpu.dma_semaphore, #tpu.memory_space<semaphore_mem>>) src(%arg5 : memref<640x64xf32, #tpu.memory_space<hbm>>) dst(%dma_wait3A_45 : memref<640x64xf32, #tpu.memory_space<vmem_shared>>)
      tpu.yield
    }) : () -> ()
    %barrier3A = arith.constant 0 : index
    tpu.barrier barrier_id(%barrier3A)
    %scan3A = arith.constant 0 : i32
    %scan3A_10 = arith.constant 0 : i32
    %scan3A_11 = arith.constant 157 : i32
    %scan3A_12 = arith.addi %scan3A_10, %scan3A_11 : i32
    %scan3A_13 = arith.constant 1 : i32
    scf.for %scan3A_44 = %scan3A_10 to %scan3A_12 step %scan3A_13  : i32 {
      %dma_start3A = arith.constant 0 : i32
      %dma_start3A_45 = arith.constant 0 : i32
      %dma_start3A_46 = tpu.memref_slice %arg7[%dma_start3A, %scan3A_44, %dma_start3A_45] : memref<2x157x128xi32, #tpu.memory_space<vmem>> -> memref<1x1x128xi32, #tpu.memory_space<vmem>>
      %dma_start3A_47 = tpu.memref_squeeze %dma_start3A_46 : memref<1x1x128xi32, #tpu.memory_space<vmem>> -> memref<128xi32, #tpu.memory_space<vmem>>
      %dma_start3A_48 = arith.constant 0 : i32
      %dma_start3A_49 = arith.constant 0 : i32
      %dma_start3A_50 = tpu.memref_slice %arg2[%dma_start3A_48, %dma_start3A_49] : memref<40960x64xf32, #tpu.memory_space<hbm>> -> memref<40960x64xf32, #tpu.memory_space<hbm>>
      tpu.enqueue_indirect_dma source(%dma_start3A_50 : memref<40960x64xf32, #tpu.memory_space<hbm>>) target(%arg9 : memref<128x64xf32, #tpu.memory_space<vmem>>) offsets(%dma_start3A_47 : memref<128xi32, #tpu.memory_space<vmem>>) semaphore(%arg11 : memref<!tpu.dma_semaphore, #tpu.memory_space<semaphore_mem>>)
      %dma_wait3A = arith.constant 0 : i32
      %dma_wait3A_51 = arith.constant 0 : i32
      %dma_wait3A_52 = tpu.memref_slice %arg7[%dma_wait3A, %scan3A_44, %dma_wait3A_51] : memref<2x157x128xi32, #tpu.memory_space<vmem>> -> memref<1x1x128xi32, #tpu.memory_space<vmem>>
      %dma_wait3A_53 = tpu.memref_squeeze %dma_wait3A_52 : memref<1x1x128xi32, #tpu.memory_space<vmem>> -> memref<128xi32, #tpu.memory_space<vmem>>
      %dma_wait3A_54 = arith.constant 0 : i32
      %dma_wait3A_55 = arith.constant 0 : i32
      %dma_wait3A_56 = tpu.memref_slice %arg2[%dma_wait3A_54, %dma_wait3A_55] : memref<40960x64xf32, #tpu.memory_space<hbm>> -> memref<40960x64xf32, #tpu.memory_space<hbm>>
      tpu.wait_indirect_dma semaphore(%arg11 : memref<!tpu.dma_semaphore, #tpu.memory_space<semaphore_mem>>) src(%dma_wait3A_56 : memref<40960x64xf32, #tpu.memory_space<hbm>>) dst(%arg9 : memref<128x64xf32, #tpu.memory_space<vmem>>)
      %run_scoped3A = arith.constant 0 : i32
      "tpu.region"() ({
        %run_scoped3A_57 = tpu.sem_alloc : memref<!tpu.dma_semaphore, #tpu.memory_space<semaphore_mem>>
        %dma_start3A_58 = arith.constant 0 : i32
        %dma_start3A_59 = tpu.memref_slice %arg8[%run_scoped3A, %scan3A_44, %dma_start3A_58] : memref<1x157x128xi32, #tpu.memory_space<vmem>> -> memref<1x1x128xi32, #tpu.memory_space<vmem>>
        %dma_start3A_60 = tpu.memref_squeeze %dma_start3A_59 : memref<1x1x128xi32, #tpu.memory_space<vmem>> -> memref<128xi32, #tpu.memory_space<vmem>>
        %dma_start3A_61 = arith.constant 0 : i32
        %dma_start3A_62 = arith.constant 0 : i32
        %dma_start3A_63 = tpu.memref_slice %arg10[%dma_start3A_61, %dma_start3A_62] : memref<10240x64xf32, #tpu.memory_space<vmem_shared>> -> memref<10240x64xf32, #tpu.memory_space<vmem_shared>>
        tpu.enqueue_indirect_dma source(%arg9 : memref<128x64xf32, #tpu.memory_space<vmem>>) target(%dma_start3A_63 : memref<10240x64xf32, #tpu.memory_space<vmem_shared>>) offsets(%dma_start3A_60 : memref<128xi32, #tpu.memory_space<vmem>>) semaphore(%run_scoped3A_57 : memref<!tpu.dma_semaphore, #tpu.memory_space<semaphore_mem>>) {add = true}
        %dma_wait3A_64 = arith.constant 0 : i32
        %dma_wait3A_65 = tpu.memref_slice %arg8[%run_scoped3A, %scan3A_44, %dma_wait3A_64] : memref<1x157x128xi32, #tpu.memory_space<vmem>> -> memref<1x1x128xi32, #tpu.memory_space<vmem>>
        %dma_wait3A_66 = tpu.memref_squeeze %dma_wait3A_65 : memref<1x1x128xi32, #tpu.memory_space<vmem>> -> memref<128xi32, #tpu.memory_space<vmem>>
        %dma_wait3A_67 = arith.constant 0 : i32
        %dma_wait3A_68 = arith.constant 0 : i32
        %dma_wait3A_69 = tpu.memref_slice %arg10[%dma_wait3A_67, %dma_wait3A_68] : memref<10240x64xf32, #tpu.memory_space<vmem_shared>> -> memref<10240x64xf32, #tpu.memory_space<vmem_shared>>
        tpu.wait_indirect_dma semaphore(%run_scoped3A_57 : memref<!tpu.dma_semaphore, #tpu.memory_space<semaphore_mem>>) src(%arg9 : memref<128x64xf32, #tpu.memory_space<vmem>>) dst(%dma_wait3A_69 : memref<10240x64xf32, #tpu.memory_space<vmem_shared>>)
        tpu.yield
      }) : () -> ()
    }
    %scan3A_14 = arith.constant 157 : i32
    %barrier3A_15 = arith.constant 0 : index
    tpu.barrier barrier_id(%barrier3A_15)
    %mul3A_16 = arith.constant 640 : i32
    %mul3A_17 = arith.muli %arg1, %mul3A_16 : i32
    %add3A_18 = arith.constant 0 : i32
    %add3A_19 = arith.addi %add3A_18, %arg0 : i32
    %mul3A_20 = arith.constant 10240 : i32
    %mul3A_21 = arith.muli %add3A_19, %mul3A_20 : i32
    %mul3A_22 = arith.constant 640 : i32
    %mul3A_23 = arith.muli %arg1, %mul3A_22 : i32
    %add3A_24 = arith.addi %mul3A_21, %mul3A_23 : i32
    "tpu.region"() ({
      %run_scoped3A = tpu.sem_alloc : memref<!tpu.dma_semaphore, #tpu.memory_space<semaphore_mem>>
      %dma_start3A = arith.constant 0 : i32
      %dma_start3A_44 = tpu.memref_slice %arg6[%add3A_24, %dma_start3A] : memref<40960x64xf32, #tpu.memory_space<hbm>> -> memref<640x64xf32, #tpu.memory_space<hbm>>
      %dma_start3A_45 = arith.constant 0 : i32
      %dma_start3A_46 = tpu.memref_slice %arg10[%mul3A_17, %dma_start3A_45] : memref<10240x64xf32, #tpu.memory_space<vmem_shared>> -> memref<640x64xf32, #tpu.memory_space<vmem_shared>>
      tpu.enqueue_dma source(%dma_start3A_46 : memref<640x64xf32, #tpu.memory_space<vmem_shared>>) target(%dma_start3A_44 : memref<640x64xf32, #tpu.memory_space<hbm>>) target_semaphore(%run_scoped3A : memref<!tpu.dma_semaphore, #tpu.memory_space<semaphore_mem>>)
      %dma_wait3A = arith.constant 0 : i32
      %dma_wait3A_47 = tpu.memref_slice %arg6[%add3A_24, %dma_wait3A] : memref<40960x64xf32, #tpu.memory_space<hbm>> -> memref<640x64xf32, #tpu.memory_space<hbm>>
      %dma_wait3A_48 = arith.constant 0 : i32
      %dma_wait3A_49 = tpu.memref_slice %arg10[%mul3A_17, %dma_wait3A_48] : memref<10240x64xf32, #tpu.memory_space<vmem_shared>> -> memref<640x64xf32, #tpu.memory_space<vmem_shared>>
      tpu.wait_dma2 semaphore(%run_scoped3A : memref<!tpu.dma_semaphore, #tpu.memory_space<semaphore_mem>>) src(%dma_wait3A_49 : memref<640x64xf32, #tpu.memory_space<vmem_shared>>) dst(%dma_wait3A_47 : memref<640x64xf32, #tpu.memory_space<hbm>>)
      tpu.yield
    }) : () -> ()
    %mul3A_25 = arith.constant 640 : i32
    %mul3A_26 = arith.muli %arg1, %mul3A_25 : i32
    "tpu.region"() ({
      %run_scoped3A = tpu.sem_alloc : memref<!tpu.dma_semaphore, #tpu.memory_space<semaphore_mem>>
      %dma_start3A = arith.constant 0 : i32
      %dma_start3A_44 = tpu.memref_slice %arg10[%mul3A_26, %dma_start3A] : memref<10240x64xf32, #tpu.memory_space<vmem_shared>> -> memref<640x64xf32, #tpu.memory_space<vmem_shared>>
      tpu.enqueue_dma source(%arg5 : memref<640x64xf32, #tpu.memory_space<hbm>>) target(%dma_start3A_44 : memref<640x64xf32, #tpu.memory_space<vmem_shared>>) target_semaphore(%run_scoped3A : memref<!tpu.dma_semaphore, #tpu.memory_space<semaphore_mem>>)
      %dma_wait3A = arith.constant 0 : i32
      %dma_wait3A_45 = tpu.memref_slice %arg10[%mul3A_26, %dma_wait3A] : memref<10240x64xf32, #tpu.memory_space<vmem_shared>> -> memref<640x64xf32, #tpu.memory_space<vmem_shared>>
      tpu.wait_dma2 semaphore(%run_scoped3A : memref<!tpu.dma_semaphore, #tpu.memory_space<semaphore_mem>>) src(%arg5 : memref<640x64xf32, #tpu.memory_space<hbm>>) dst(%dma_wait3A_45 : memref<640x64xf32, #tpu.memory_space<vmem_shared>>)
      tpu.yield
    }) : () -> ()
    %barrier3A_27 = arith.constant 0 : index
    tpu.barrier barrier_id(%barrier3A_27)
    %scan3A_28 = arith.constant 0 : i32
    %scan3A_29 = arith.constant 0 : i32
    %scan3A_30 = arith.constant 157 : i32
    %scan3A_31 = arith.addi %scan3A_29, %scan3A_30 : i32
    %scan3A_32 = arith.constant 1 : i32
    scf.for %scan3A_44 = %scan3A_29 to %scan3A_31 step %scan3A_32  : i32 {
      %dma_start3A = arith.constant 1 : i32
      %dma_start3A_45 = arith.constant 0 : i32
      %dma_start3A_46 = tpu.memref_slice %arg7[%dma_start3A, %scan3A_44, %dma_start3A_45] : memref<2x157x128xi32, #tpu.memory_space<vmem>> -> memref<1x1x128xi32, #tpu.memory_space<vmem>>
      %dma_start3A_47 = tpu.memref_squeeze %dma_start3A_46 : memref<1x1x128xi32, #tpu.memory_space<vmem>> -> memref<128xi32, #tpu.memory_space<vmem>>
      %dma_start3A_48 = arith.constant 0 : i32
      %dma_start3A_49 = arith.constant 0 : i32
      %dma_start3A_50 = tpu.memref_slice %arg2[%dma_start3A_48, %dma_start3A_49] : memref<40960x64xf32, #tpu.memory_space<hbm>> -> memref<40960x64xf32, #tpu.memory_space<hbm>>
      tpu.enqueue_indirect_dma source(%dma_start3A_50 : memref<40960x64xf32, #tpu.memory_space<hbm>>) target(%arg9 : memref<128x64xf32, #tpu.memory_space<vmem>>) offsets(%dma_start3A_47 : memref<128xi32, #tpu.memory_space<vmem>>) semaphore(%arg11 : memref<!tpu.dma_semaphore, #tpu.memory_space<semaphore_mem>>)
      %dma_wait3A = arith.constant 1 : i32
      %dma_wait3A_51 = arith.constant 0 : i32
      %dma_wait3A_52 = tpu.memref_slice %arg7[%dma_wait3A, %scan3A_44, %dma_wait3A_51] : memref<2x157x128xi32, #tpu.memory_space<vmem>> -> memref<1x1x128xi32, #tpu.memory_space<vmem>>
      %dma_wait3A_53 = tpu.memref_squeeze %dma_wait3A_52 : memref<1x1x128xi32, #tpu.memory_space<vmem>> -> memref<128xi32, #tpu.memory_space<vmem>>
      %dma_wait3A_54 = arith.constant 0 : i32
      %dma_wait3A_55 = arith.constant 0 : i32
      %dma_wait3A_56 = tpu.memref_slice %arg2[%dma_wait3A_54, %dma_wait3A_55] : memref<40960x64xf32, #tpu.memory_space<hbm>> -> memref<40960x64xf32, #tpu.memory_space<hbm>>
      tpu.wait_indirect_dma semaphore(%arg11 : memref<!tpu.dma_semaphore, #tpu.memory_space<semaphore_mem>>) src(%dma_wait3A_56 : memref<40960x64xf32, #tpu.memory_space<hbm>>) dst(%arg9 : memref<128x64xf32, #tpu.memory_space<vmem>>)
      %run_scoped3A = arith.constant 0 : i32
      "tpu.region"() ({
        %run_scoped3A_57 = tpu.sem_alloc : memref<!tpu.dma_semaphore, #tpu.memory_space<semaphore_mem>>
        %dma_start3A_58 = arith.constant 0 : i32
        %dma_start3A_59 = tpu.memref_slice %arg8[%run_scoped3A, %scan3A_44, %dma_start3A_58] : memref<1x157x128xi32, #tpu.memory_space<vmem>> -> memref<1x1x128xi32, #tpu.memory_space<vmem>>
        %dma_start3A_60 = tpu.memref_squeeze %dma_start3A_59 : memref<1x1x128xi32, #tpu.memory_space<vmem>> -> memref<128xi32, #tpu.memory_space<vmem>>
        %dma_start3A_61 = arith.constant 0 : i32
        %dma_start3A_62 = arith.constant 0 : i32
        %dma_start3A_63 = tpu.memref_slice %arg10[%dma_start3A_61, %dma_start3A_62] : memref<10240x64xf32, #tpu.memory_space<vmem_shared>> -> memref<10240x64xf32, #tpu.memory_space<vmem_shared>>
        tpu.enqueue_indirect_dma source(%arg9 : memref<128x64xf32, #tpu.memory_space<vmem>>) target(%dma_start3A_63 : memref<10240x64xf32, #tpu.memory_space<vmem_shared>>) offsets(%dma_start3A_60 : memref<128xi32, #tpu.memory_space<vmem>>) semaphore(%run_scoped3A_57 : memref<!tpu.dma_semaphore, #tpu.memory_space<semaphore_mem>>) {add = true}
        %dma_wait3A_64 = arith.constant 0 : i32
        %dma_wait3A_65 = tpu.memref_slice %arg8[%run_scoped3A, %scan3A_44, %dma_wait3A_64] : memref<1x157x128xi32, #tpu.memory_space<vmem>> -> memref<1x1x128xi32, #tpu.memory_space<vmem>>
        %dma_wait3A_66 = tpu.memref_squeeze %dma_wait3A_65 : memref<1x1x128xi32, #tpu.memory_space<vmem>> -> memref<128xi32, #tpu.memory_space<vmem>>
        %dma_wait3A_67 = arith.constant 0 : i32
        %dma_wait3A_68 = arith.constant 0 : i32
        %dma_wait3A_69 = tpu.memref_slice %arg10[%dma_wait3A_67, %dma_wait3A_68] : memref<10240x64xf32, #tpu.memory_space<vmem_shared>> -> memref<10240x64xf32, #tpu.memory_space<vmem_shared>>
        tpu.wait_indirect_dma semaphore(%run_scoped3A_57 : memref<!tpu.dma_semaphore, #tpu.memory_space<semaphore_mem>>) src(%arg9 : memref<128x64xf32, #tpu.memory_space<vmem>>) dst(%dma_wait3A_69 : memref<10240x64xf32, #tpu.memory_space<vmem_shared>>)
        tpu.yield
      }) : () -> ()
    }
    %scan3A_33 = arith.constant 157 : i32
    %barrier3A_34 = arith.constant 0 : index
    tpu.barrier barrier_id(%barrier3A_34)
    %mul3A_35 = arith.constant 640 : i32
    %mul3A_36 = arith.muli %arg1, %mul3A_35 : i32
    %add3A_37 = arith.constant 2 : i32
    %add3A_38 = arith.addi %add3A_37, %arg0 : i32
    %mul3A_39 = arith.constant 10240 : i32
    %mul3A_40 = arith.muli %add3A_38, %mul3A_39 : i32
    %mul3A_41 = arith.constant 640 : i32
    %mul3A_42 = arith.muli %arg1, %mul3A_41 : i32
    %add3A_43 = arith.addi %mul3A_40, %mul3A_42 : i32
    "tpu.region"() ({
      %run_scoped3A = tpu.sem_alloc : memref<!tpu.dma_semaphore, #tpu.memory_space<semaphore_mem>>
      %dma_start3A = arith.constant 0 : i32
      %dma_start3A_44 = tpu.memref_slice %arg6[%add3A_43, %dma_start3A] : memref<40960x64xf32, #tpu.memory_space<hbm>> -> memref<640x64xf32, #tpu.memory_space<hbm>>
      %dma_start3A_45 = arith.constant 0 : i32
      %dma_start3A_46 = tpu.memref_slice %arg10[%mul3A_36, %dma_start3A_45] : memref<10240x64xf32, #tpu.memory_space<vmem_shared>> -> memref<640x64xf32, #tpu.memory_space<vmem_shared>>
      tpu.enqueue_dma source(%dma_start3A_46 : memref<640x64xf32, #tpu.memory_space<vmem_shared>>) target(%dma_start3A_44 : memref<640x64xf32, #tpu.memory_space<hbm>>) target_semaphore(%run_scoped3A : memref<!tpu.dma_semaphore, #tpu.memory_space<semaphore_mem>>)
      %dma_wait3A = arith.constant 0 : i32
      %dma_wait3A_47 = tpu.memref_slice %arg6[%add3A_43, %dma_wait3A] : memref<40960x64xf32, #tpu.memory_space<hbm>> -> memref<640x64xf32, #tpu.memory_space<hbm>>
      %dma_wait3A_48 = arith.constant 0 : i32
      %dma_wait3A_49 = tpu.memref_slice %arg10[%mul3A_36, %dma_wait3A_48] : memref<10240x64xf32, #tpu.memory_space<vmem_shared>> -> memref<640x64xf32, #tpu.memory_space<vmem_shared>>
      tpu.wait_dma2 semaphore(%run_scoped3A : memref<!tpu.dma_semaphore, #tpu.memory_space<semaphore_mem>>) src(%dma_wait3A_49 : memref<640x64xf32, #tpu.memory_space<vmem_shared>>) dst(%dma_wait3A_47 : memref<640x64xf32, #tpu.memory_space<hbm>>)
      tpu.yield
    }) : () -> ()
    return
  }
}

module attributes {stable_mosaic.version = 14 : i64} {
  func.func @_mm_scale_body(%arg0: i32, %arg1: i32, %arg2: memref<640x128xf32, #tpu.memory_space<vmem>>, %arg3: memref<128x128xf32, #tpu.memory_space<vmem>>, %arg4: memref<640x1xf32, #tpu.memory_space<vmem>>, %arg5: memref<2x640x64xf32, #tpu.memory_space<vmem>>) attributes {dimension_semantics = [#tpu.dimension_semantics<arbitrary>, #tpu.dimension_semantics<arbitrary>], iteration_bounds = array<i64: 16, 2>, scalar_prefetch = 0 : i64, scratch_operands = 0 : i64, tpu.core_type = #tpu.core_type<tc>, window_params = [{transform_indices = @transform_0, window_bounds = array<i64: 640, 128>}, {transform_indices = @transform_1, window_bounds = array<i64: 128, 128>}, {transform_indices = @transform_2, window_bounds = array<i64: 640, 1>}, {transform_indices = @transform_3, window_bounds = array<i64: 2, 640, 64>}]} {
    %get3A = arith.constant 0 : index
    %get3A_0 = arith.constant 0 : index
    %get3A_1 = vector.load %arg4[%get3A, %get3A_0] : memref<640x1xf32, #tpu.memory_space<vmem>>, vector<640x1xf32>
    %get3A_2 = arith.constant 0 : index
    %get3A_3 = arith.constant 0 : index
    %get3A_4 = vector.load %arg2[%get3A_2, %get3A_3] : memref<640x128xf32, #tpu.memory_space<vmem>>, vector<640x128xf32>
    %get3A_5 = arith.constant 0 : index
    %get3A_6 = arith.constant 0 : index
    %get3A_7 = vector.load %arg3[%get3A_5, %get3A_6] : memref<128x128xf32, #tpu.memory_space<vmem>>, vector<128x128xf32>
    %slice3A = vector.extract_strided_slice %get3A_7 {offsets = [0, 0], sizes = [128, 64], strides = [1, 1]} : vector<128x128xf32> to vector<128x64xf32>
    %dot_general3A = arith.constant dense<0.000000e+00> : vector<640x64xf32>
    %dot_general3A_8 = tpu.matmul %get3A_4, %slice3A, %dot_general3A {dimension_numbers = #tpu.dot_dimension_numbers<[1], [0], [0], [1], [0, 0, 1, 1], [], []>, transpose_lhs_hint = false} : vector<640x128xf32>, vector<128x64xf32>, vector<640x64xf32> -> vector<640x64xf32>
    %mul3A = vector.broadcast %get3A_1 : vector<640x1xf32> to vector<640x64xf32>
    %mul3A_9 = arith.mulf %dot_general3A_8, %mul3A : vector<640x64xf32>
    %swap3A = arith.constant 0 : index
    %swap3A_10 = arith.constant 0 : index
    %swap3A_11 = arith.constant 0 : index
    %swap3A_12 = vector.load %arg5[%swap3A, %swap3A_10, %swap3A_11] : memref<2x640x64xf32, #tpu.memory_space<vmem>>, vector<1x640x64xf32>
    %swap3A_13 = vector.shape_cast %swap3A_12 : vector<1x640x64xf32> to vector<640x64xf32>
    %swap3A_14 = vector.shape_cast %mul3A_9 : vector<640x64xf32> to vector<1x640x64xf32>
    tpu.vector_store %arg5[%swap3A, %swap3A_10, %swap3A_11], %swap3A_14 {strides = array<i32>} : memref<2x640x64xf32, #tpu.memory_space<vmem>>, vector<1x640x64xf32>,
    %slice3A_15 = vector.extract_strided_slice %get3A_7 {offsets = [0, 64], sizes = [128, 64], strides = [1, 1]} : vector<128x128xf32> to vector<128x64xf32>
    %dot_general3A_16 = arith.constant dense<0.000000e+00> : vector<640x64xf32>
    %dot_general3A_17 = tpu.matmul %get3A_4, %slice3A_15, %dot_general3A_16 {dimension_numbers = #tpu.dot_dimension_numbers<[1], [0], [0], [1], [0, 0, 1, 1], [], []>, transpose_lhs_hint = false} : vector<640x128xf32>, vector<128x64xf32>, vector<640x64xf32> -> vector<640x64xf32>
    %mul3A_18 = vector.broadcast %get3A_1 : vector<640x1xf32> to vector<640x64xf32>
    %mul3A_19 = arith.mulf %dot_general3A_17, %mul3A_18 : vector<640x64xf32>
    %swap3A_20 = arith.constant 1 : index
    %swap3A_21 = arith.constant 0 : index
    %swap3A_22 = arith.constant 0 : index
    %swap3A_23 = vector.load %arg5[%swap3A_20, %swap3A_21, %swap3A_22] : memref<2x640x64xf32, #tpu.memory_space<vmem>>, vector<1x640x64xf32>
    %swap3A_24 = vector.shape_cast %swap3A_23 : vector<1x640x64xf32> to vector<640x64xf32>
    %swap3A_25 = vector.shape_cast %mul3A_19 : vector<640x64xf32> to vector<1x640x64xf32>
    tpu.vector_store %arg5[%swap3A_20, %swap3A_21, %swap3A_22], %swap3A_25 {strides = array<i32>} : memref<2x640x64xf32, #tpu.memory_space<vmem>>, vector<1x640x64xf32>,
    return
  }
  func.func @transform_0(%arg0: i32, %arg1: i32) -> (i32, i32) {
    %c0_i32 = arith.constant 0 : i32
    %c0_i32_0 = arith.constant 0 : i32
    return %arg0, %c0_i32 : i32, i32
  }
  func.func @transform_1(%arg0: i32, %arg1: i32) -> (i32, i32) {
    %c0_i32 = arith.constant 0 : i32
    %c0_i32_0 = arith.constant 0 : i32
    return %c0_i32, %arg1 : i32, i32
  }
  func.func @transform_2(%arg0: i32, %arg1: i32) -> (i32, i32) {
    %c0_i32 = arith.constant 0 : i32
    %c0_i32_0 = arith.constant 0 : i32
    return %arg0, %c0_i32 : i32, i32
  }
  func.func @transform_3(%arg0: i32, %arg1: i32) -> (i32, i32, i32) {
    %c0_i32 = arith.constant 0 : i32
    %c0_i32_0 = arith.constant 0 : i32
    return %arg1, %arg0, %c0_i32 : i32, i32, i32
  }
}

module attributes {stable_mosaic.version = 14 : i64} {
  func.func @_layer2_body(%arg0: i32, %arg1: i32, %arg2: memref<4x640x64xf32, #tpu.memory_space<vmem>>, %arg3: memref<4x640x64xf32, #tpu.memory_space<vmem>>, %arg4: memref<256x128xf32, #tpu.memory_space<vmem>>, %arg5: memref<640x1xf32, #tpu.memory_space<vmem>>, %arg6: memref<2x640x64xf32, #tpu.memory_space<vmem>>) attributes {dimension_semantics = [#tpu.dimension_semantics<arbitrary>, #tpu.dimension_semantics<arbitrary>], iteration_bounds = array<i64: 16, 2>, scalar_prefetch = 0 : i64, scratch_operands = 0 : i64, tpu.core_type = #tpu.core_type<tc>, window_params = [{transform_indices = @transform_0, window_bounds = array<i64: 4, 640, 64>}, {transform_indices = @transform_1, window_bounds = array<i64: 4, 640, 64>}, {transform_indices = @transform_2, window_bounds = array<i64: 256, 128>}, {transform_indices = @transform_3, window_bounds = array<i64: 640, 1>}, {transform_indices = @transform_4, window_bounds = array<i64: 2, 640, 64>}]} {
    %get3A = arith.constant 0 : index
    %get3A_0 = arith.constant 0 : index
    %get3A_1 = vector.load %arg5[%get3A, %get3A_0] : memref<640x1xf32, #tpu.memory_space<vmem>>, vector<640x1xf32>
    %get3A_2 = arith.constant 0 : index
    %get3A_3 = arith.constant 0 : index
    %get3A_4 = arith.constant 0 : index
    %get3A_5 = vector.load %arg2[%get3A_2, %get3A_3, %get3A_4] : memref<4x640x64xf32, #tpu.memory_space<vmem>>, vector<1x640x64xf32>
    %get3A_6 = vector.shape_cast %get3A_5 : vector<1x640x64xf32> to vector<640x64xf32>
    %get3A_7 = arith.constant 0 : index
    %get3A_8 = arith.constant 0 : index
    %get3A_9 = arith.constant 0 : index
    %get3A_10 = vector.load %arg3[%get3A_7, %get3A_8, %get3A_9] : memref<4x640x64xf32, #tpu.memory_space<vmem>>, vector<1x640x64xf32>
    %get3A_11 = vector.shape_cast %get3A_10 : vector<1x640x64xf32> to vector<640x64xf32>
    %add3A = arith.addf %get3A_6, %get3A_11 : vector<640x64xf32>
    %mul3A = vector.broadcast %get3A_1 : vector<640x1xf32> to vector<640x64xf32>
    %mul3A_12 = arith.mulf %mul3A, %add3A : vector<640x64xf32>
    %max3A = arith.constant 0.000000e+00 : f32
    %max3A_13 = vector.broadcast %max3A : f32 to vector<640x64xf32>
    %max3A_14 = arith.maximumf %mul3A_12, %max3A_13 : vector<640x64xf32>
    %get3A_15 = arith.constant 1 : index
    %get3A_16 = arith.constant 0 : index
    %get3A_17 = arith.constant 0 : index
    %get3A_18 = vector.load %arg2[%get3A_15, %get3A_16, %get3A_17] : memref<4x640x64xf32, #tpu.memory_space<vmem>>, vector<1x640x64xf32>
    %get3A_19 = vector.shape_cast %get3A_18 : vector<1x640x64xf32> to vector<640x64xf32>
    %get3A_20 = arith.constant 1 : index
    %get3A_21 = arith.constant 0 : index
    %get3A_22 = arith.constant 0 : index
    %get3A_23 = vector.load %arg3[%get3A_20, %get3A_21, %get3A_22] : memref<4x640x64xf32, #tpu.memory_space<vmem>>, vector<1x640x64xf32>
    %get3A_24 = vector.shape_cast %get3A_23 : vector<1x640x64xf32> to vector<640x64xf32>
    %add3A_25 = arith.addf %get3A_19, %get3A_24 : vector<640x64xf32>
    %mul3A_26 = vector.broadcast %get3A_1 : vector<640x1xf32> to vector<640x64xf32>
    %mul3A_27 = arith.mulf %mul3A_26, %add3A_25 : vector<640x64xf32>
    %max3A_28 = arith.constant 0.000000e+00 : f32
    %max3A_29 = vector.broadcast %max3A_28 : f32 to vector<640x64xf32>
    %max3A_30 = arith.maximumf %mul3A_27, %max3A_29 : vector<640x64xf32>
    %get3A_31 = arith.constant 2 : index
    %get3A_32 = arith.constant 0 : index
    %get3A_33 = arith.constant 0 : index
    %get3A_34 = vector.load %arg2[%get3A_31, %get3A_32, %get3A_33] : memref<4x640x64xf32, #tpu.memory_space<vmem>>, vector<1x640x64xf32>
    %get3A_35 = vector.shape_cast %get3A_34 : vector<1x640x64xf32> to vector<640x64xf32>
    %get3A_36 = arith.constant 2 : index
    %get3A_37 = arith.constant 0 : index
    %get3A_38 = arith.constant 0 : index
    %get3A_39 = vector.load %arg3[%get3A_36, %get3A_37, %get3A_38] : memref<4x640x64xf32, #tpu.memory_space<vmem>>, vector<1x640x64xf32>
    %get3A_40 = vector.shape_cast %get3A_39 : vector<1x640x64xf32> to vector<640x64xf32>
    %add3A_41 = arith.addf %get3A_35, %get3A_40 : vector<640x64xf32>
    %mul3A_42 = vector.broadcast %get3A_1 : vector<640x1xf32> to vector<640x64xf32>
    %mul3A_43 = arith.mulf %mul3A_42, %add3A_41 : vector<640x64xf32>
    %max3A_44 = arith.constant 0.000000e+00 : f32
    %max3A_45 = vector.broadcast %max3A_44 : f32 to vector<640x64xf32>
    %max3A_46 = arith.maximumf %mul3A_43, %max3A_45 : vector<640x64xf32>
    %get3A_47 = arith.constant 3 : index
    %get3A_48 = arith.constant 0 : index
    %get3A_49 = arith.constant 0 : index
    %get3A_50 = vector.load %arg2[%get3A_47, %get3A_48, %get3A_49] : memref<4x640x64xf32, #tpu.memory_space<vmem>>, vector<1x640x64xf32>
    %get3A_51 = vector.shape_cast %get3A_50 : vector<1x640x64xf32> to vector<640x64xf32>
    %get3A_52 = arith.constant 3 : index
    %get3A_53 = arith.constant 0 : index
    %get3A_54 = arith.constant 0 : index
    %get3A_55 = vector.load %arg3[%get3A_52, %get3A_53, %get3A_54] : memref<4x640x64xf32, #tpu.memory_space<vmem>>, vector<1x640x64xf32>
    %get3A_56 = vector.shape_cast %get3A_55 : vector<1x640x64xf32> to vector<640x64xf32>
    %add3A_57 = arith.addf %get3A_51, %get3A_56 : vector<640x64xf32>
    %mul3A_58 = vector.broadcast %get3A_1 : vector<640x1xf32> to vector<640x64xf32>
    %mul3A_59 = arith.mulf %mul3A_58, %add3A_57 : vector<640x64xf32>
    %max3A_60 = arith.constant 0.000000e+00 : f32
    %max3A_61 = vector.broadcast %max3A_60 : f32 to vector<640x64xf32>
    %max3A_62 = arith.maximumf %mul3A_59, %max3A_61 : vector<640x64xf32>
    %concatenate3A = tpu.concatenate %max3A_14, %max3A_30, %max3A_46, %max3A_62 in 1 : vector<640x64xf32>, vector<640x64xf32>, vector<640x64xf32>, vector<640x64xf32> -> vector<640x256xf32>
    %get3A_63 = arith.constant 0 : index
    %get3A_64 = arith.constant 0 : index
    %get3A_65 = vector.load %arg4[%get3A_63, %get3A_64] : memref<256x128xf32, #tpu.memory_space<vmem>>, vector<256x128xf32>
    %slice3A = vector.extract_strided_slice %get3A_65 {offsets = [0, 0], sizes = [256, 64], strides = [1, 1]} : vector<256x128xf32> to vector<256x64xf32>
    %dot_general3A = arith.constant dense<0.000000e+00> : vector<640x64xf32>
    %dot_general3A_66 = tpu.matmul %concatenate3A, %slice3A, %dot_general3A {dimension_numbers = #tpu.dot_dimension_numbers<[1], [0], [0], [1], [0, 0, 1, 1], [], []>, transpose_lhs_hint = false} : vector<640x256xf32>, vector<256x64xf32>, vector<640x64xf32> -> vector<640x64xf32>
    %mul3A_67 = vector.broadcast %get3A_1 : vector<640x1xf32> to vector<640x64xf32>
    %mul3A_68 = arith.mulf %dot_general3A_66, %mul3A_67 : vector<640x64xf32>
    %swap3A = arith.constant 0 : index
    %swap3A_69 = arith.constant 0 : index
    %swap3A_70 = arith.constant 0 : index
    %swap3A_71 = vector.load %arg6[%swap3A, %swap3A_69, %swap3A_70] : memref<2x640x64xf32, #tpu.memory_space<vmem>>, vector<1x640x64xf32>
    %swap3A_72 = vector.shape_cast %swap3A_71 : vector<1x640x64xf32> to vector<640x64xf32>
    %swap3A_73 = vector.shape_cast %mul3A_68 : vector<640x64xf32> to vector<1x640x64xf32>
    tpu.vector_store %arg6[%swap3A, %swap3A_69, %swap3A_70], %swap3A_73 {strides = array<i32>} : memref<2x640x64xf32, #tpu.memory_space<vmem>>, vector<1x640x64xf32>,
    %slice3A_74 = vector.extract_strided_slice %get3A_65 {offsets = [0, 64], sizes = [256, 64], strides = [1, 1]} : vector<256x128xf32> to vector<256x64xf32>
    %dot_general3A_75 = arith.constant dense<0.000000e+00> : vector<640x64xf32>
    %dot_general3A_76 = tpu.matmul %concatenate3A, %slice3A_74, %dot_general3A_75 {dimension_numbers = #tpu.dot_dimension_numbers<[1], [0], [0], [1], [0, 0, 1, 1], [], []>, transpose_lhs_hint = false} : vector<640x256xf32>, vector<256x64xf32>, vector<640x64xf32> -> vector<640x64xf32>
    %mul3A_77 = vector.broadcast %get3A_1 : vector<640x1xf32> to vector<640x64xf32>
    %mul3A_78 = arith.mulf %dot_general3A_76, %mul3A_77 : vector<640x64xf32>
    %swap3A_79 = arith.constant 1 : index
    %swap3A_80 = arith.constant 0 : index
    %swap3A_81 = arith.constant 0 : index
    %swap3A_82 = vector.load %arg6[%swap3A_79, %swap3A_80, %swap3A_81] : memref<2x640x64xf32, #tpu.memory_space<vmem>>, vector<1x640x64xf32>
    %swap3A_83 = vector.shape_cast %swap3A_82 : vector<1x640x64xf32> to vector<640x64xf32>
    %swap3A_84 = vector.shape_cast %mul3A_78 : vector<640x64xf32> to vector<1x640x64xf32>
    tpu.vector_store %arg6[%swap3A_79, %swap3A_80, %swap3A_81], %swap3A_84 {strides = array<i32>} : memref<2x640x64xf32, #tpu.memory_space<vmem>>, vector<1x640x64xf32>,
    return
  }
  func.func @transform_0(%arg0: i32, %arg1: i32) -> (i32, i32, i32) {
    %c0_i32 = arith.constant 0 : i32
    %c0_i32_0 = arith.constant 0 : i32
    %c0_i32_1 = arith.constant 0 : i32
    return %c0_i32, %arg0, %c0_i32_0 : i32, i32, i32
  }
  func.func @transform_1(%arg0: i32, %arg1: i32) -> (i32, i32, i32) {
    %c0_i32 = arith.constant 0 : i32
    %c0_i32_0 = arith.constant 0 : i32
    %c0_i32_1 = arith.constant 0 : i32
    return %c0_i32, %arg0, %c0_i32_0 : i32, i32, i32
  }
  func.func @transform_2(%arg0: i32, %arg1: i32) -> (i32, i32) {
    %c0_i32 = arith.constant 0 : i32
    %c0_i32_0 = arith.constant 0 : i32
    return %c0_i32, %arg1 : i32, i32
  }
  func.func @transform_3(%arg0: i32, %arg1: i32) -> (i32, i32) {
    %c0_i32 = arith.constant 0 : i32
    %c0_i32_0 = arith.constant 0 : i32
    return %arg0, %c0_i32 : i32, i32
  }
  func.func @transform_4(%arg0: i32, %arg1: i32) -> (i32, i32, i32) {
    %c0_i32 = arith.constant 0 : i32
    %c0_i32_0 = arith.constant 0 : i32
    return %arg1, %arg0, %c0_i32 : i32, i32, i32
  }
}

module attributes {stable_mosaic.version = 14 : i64} {
  func.func @_finish_body(%arg0: i32, %arg1: memref<4x640x64xf32, #tpu.memory_space<vmem>>, %arg2: memref<4x640x64xf32, #tpu.memory_space<vmem>>, %arg3: memref<640x1xf32, #tpu.memory_space<vmem>>, %arg4: memref<640x192xf32, #tpu.memory_space<vmem>>) attributes {dimension_semantics = [#tpu.dimension_semantics<arbitrary>], iteration_bounds = array<i64: 16>, scalar_prefetch = 0 : i64, scratch_operands = 0 : i64, tpu.core_type = #tpu.core_type<tc>, window_params = [{transform_indices = @transform_0, window_bounds = array<i64: 4, 640, 64>}, {transform_indices = @transform_1, window_bounds = array<i64: 4, 640, 64>}, {transform_indices = @transform_2, window_bounds = array<i64: 640, 1>}, {transform_indices = @transform_3, window_bounds = array<i64: 640, 192>}]} {
    %get3A = arith.constant 0 : index
    %get3A_0 = arith.constant 0 : index
    %get3A_1 = vector.load %arg3[%get3A, %get3A_0] : memref<640x1xf32, #tpu.memory_space<vmem>>, vector<640x1xf32>
    %get3A_2 = arith.constant 0 : index
    %get3A_3 = arith.constant 0 : index
    %get3A_4 = arith.constant 0 : index
    %get3A_5 = vector.load %arg1[%get3A_2, %get3A_3, %get3A_4] : memref<4x640x64xf32, #tpu.memory_space<vmem>>, vector<1x640x64xf32>
    %get3A_6 = vector.shape_cast %get3A_5 : vector<1x640x64xf32> to vector<640x64xf32>
    %get3A_7 = arith.constant 0 : index
    %get3A_8 = arith.constant 0 : index
    %get3A_9 = arith.constant 0 : index
    %get3A_10 = vector.load %arg2[%get3A_7, %get3A_8, %get3A_9] : memref<4x640x64xf32, #tpu.memory_space<vmem>>, vector<1x640x64xf32>
    %get3A_11 = vector.shape_cast %get3A_10 : vector<1x640x64xf32> to vector<640x64xf32>
    %add3A = arith.addf %get3A_6, %get3A_11 : vector<640x64xf32>
    %mul3A = vector.broadcast %get3A_1 : vector<640x1xf32> to vector<640x64xf32>
    %mul3A_12 = arith.mulf %mul3A, %add3A : vector<640x64xf32>
    %get3A_13 = arith.constant 1 : index
    %get3A_14 = arith.constant 0 : index
    %get3A_15 = arith.constant 0 : index
    %get3A_16 = vector.load %arg1[%get3A_13, %get3A_14, %get3A_15] : memref<4x640x64xf32, #tpu.memory_space<vmem>>, vector<1x640x64xf32>
    %get3A_17 = vector.shape_cast %get3A_16 : vector<1x640x64xf32> to vector<640x64xf32>
    %get3A_18 = arith.constant 1 : index
    %get3A_19 = arith.constant 0 : index
    %get3A_20 = arith.constant 0 : index
    %get3A_21 = vector.load %arg2[%get3A_18, %get3A_19, %get3A_20] : memref<4x640x64xf32, #tpu.memory_space<vmem>>, vector<1x640x64xf32>
    %get3A_22 = vector.shape_cast %get3A_21 : vector<1x640x64xf32> to vector<640x64xf32>
    %add3A_23 = arith.addf %get3A_17, %get3A_22 : vector<640x64xf32>
    %mul3A_24 = vector.broadcast %get3A_1 : vector<640x1xf32> to vector<640x64xf32>
    %mul3A_25 = arith.mulf %mul3A_24, %add3A_23 : vector<640x64xf32>
    %get3A_26 = arith.constant 2 : index
    %get3A_27 = arith.constant 0 : index
    %get3A_28 = arith.constant 0 : index
    %get3A_29 = vector.load %arg1[%get3A_26, %get3A_27, %get3A_28] : memref<4x640x64xf32, #tpu.memory_space<vmem>>, vector<1x640x64xf32>
    %get3A_30 = vector.shape_cast %get3A_29 : vector<1x640x64xf32> to vector<640x64xf32>
    %get3A_31 = arith.constant 2 : index
    %get3A_32 = arith.constant 0 : index
    %get3A_33 = arith.constant 0 : index
    %get3A_34 = vector.load %arg2[%get3A_31, %get3A_32, %get3A_33] : memref<4x640x64xf32, #tpu.memory_space<vmem>>, vector<1x640x64xf32>
    %get3A_35 = vector.shape_cast %get3A_34 : vector<1x640x64xf32> to vector<640x64xf32>
    %add3A_36 = arith.addf %get3A_30, %get3A_35 : vector<640x64xf32>
    %mul3A_37 = vector.broadcast %get3A_1 : vector<640x1xf32> to vector<640x64xf32>
    %mul3A_38 = arith.mulf %mul3A_37, %add3A_36 : vector<640x64xf32>
    %concatenate3A = tpu.concatenate %mul3A_12, %mul3A_25, %mul3A_38 in 1 : vector<640x64xf32>, vector<640x64xf32>, vector<640x64xf32> -> vector<640x192xf32>
    %swap3A = arith.constant 0 : index
    %swap3A_39 = arith.constant 0 : index
    %swap3A_40 = vector.load %arg4[%swap3A, %swap3A_39] : memref<640x192xf32, #tpu.memory_space<vmem>>, vector<640x192xf32>
    tpu.vector_store %arg4[%swap3A, %swap3A_39], %concatenate3A {strides = array<i32>} : memref<640x192xf32, #tpu.memory_space<vmem>>, vector<640x192xf32>,
    return
  }
  func.func @transform_0(%arg0: i32) -> (i32, i32, i32) {
    %c0_i32 = arith.constant 0 : i32
    %c0_i32_0 = arith.constant 0 : i32
    %c0_i32_1 = arith.constant 0 : i32
    return %c0_i32, %arg0, %c0_i32_0 : i32, i32, i32
  }
  func.func @transform_1(%arg0: i32) -> (i32, i32, i32) {
    %c0_i32 = arith.constant 0 : i32
    %c0_i32_0 = arith.constant 0 : i32
    %c0_i32_1 = arith.constant 0 : i32
    return %c0_i32, %arg0, %c0_i32_0 : i32, i32, i32
  }
  func.func @transform_2(%arg0: i32) -> (i32, i32) {
    %c0_i32 = arith.constant 0 : i32
    %c0_i32_0 = arith.constant 0 : i32
    return %arg0, %c0_i32 : i32, i32
  }
  func.func @transform_3(%arg0: i32) -> (i32, i32) {
    %c0_i32 = arith.constant 0 : i32
    %c0_i32_0 = arith.constant 0 : i32
    return %arg0, %c0_i32 : i32, i32
  }
}

</mosaic_0001>

<sc_bundles>
// kernel: gather_offload_async_start
scs
__scs_entry_jumppad:
0x0: {  	(pc) =	sbr.rel $0x88, $3  }
0x1: {  	(tag) =	ssettag $0x0;
	lr =	simm.s32 $0x1  }
0x2: {  	[smem:$0x3F7D] =	sst lr;
	_ =	strace $0xD0000000  }
0x3: {  	_ = 	snop  }
0x4: {  	_ = 	snop  }
0x5: {  	_ = 	snop  }
0x6: {  	_ = 	snop  }
0x7: {  	_ = 	snop  }
__scs_overlays_trampoline_lowered:
0x8: {  	[smem:$0x3F8C] =	sst s0  }
0x9: {  	[smem:$0x3F8D] =	sst s1  }
0xa: {  	[smem:$0x3F8E] =	sst s2  }
0xb: {  	[smem:$0x3F8F] =	sst s3  }
0xc: {  	[smem:$0x3F90] =	sst s4  }
0xd: {  	[smem:$0x3F91] =	sst s5  }
0xe: {  	[smem:$0x3F92] =	sst s6  }
0xf: {  	[smem:$0x3F93] =	sst s7  }
0x10: {  	[smem:$0x3F94] =	sst s8  }
0x11: {  	[smem:$0x3F95] =	sst s9;
	s0 =	simm.s32 @!p0 $0x0  }
0x12: {  	s1 =	sld [smem:$0x3F7B];
	s0 =	simm.s32 @p0 $0x1  }
0x13: {  	[smem:$0x3F96] =	sst s0;
	s0 =	simm.s32 @!p1 $0x0  }
0x14: {  	s2 =	sld [smem:$0x3F7A];
	s0 =	simm.s32 @p1 $0x1  }
0x15: {  	[smem:$0x3F97] =	sst s0;
	s0 =	simm.s32 @!p2 $0x0  }
0x16: {  	s3 =	sld [smem:$0x3FDB];
	s0 =	simm.s32 @p2 $0x1  }
0x17: {  	s4 =	simm.s32 $0x1BF5;
	[smem:$0x3F99] =	sst s0  }
0x18: {  	s0 =	sld [smem:$0x3F7C];
	_ =	swait.ge [sflag:s4], $0x0  }
0x19: {  	s7 =	sld [smem:$0x3F7D]  }
0x1a: {  	s8 =	sadd.s32 $0xFFFFE003, lr  }
0x1b: {  	s9 =	sadd.s32 $0xFFFFFEF7, lr;
	s5 =	simm.s32 $0xFFFFFFFF;
	p2 =	slt.u32 s8, $0xFFFFF086  }
0x1c: {  	p1 =	slt.u32 s9, $0xF7A;
	s5 =	simm.s32 @!p2 $0x0  }
0x1d: {  	s5 =	simm.s32 @p1 $0x1;
	p0 =	seq.s32 s7, s2  }
0x1e: {  	s7 =	smul.u32 @!p0 $0xF7A, s2;
	p2 =	seq.s32 @!p0 s5, $0x0  }
0x1f: {  	s9 =	smul.u32 $0xF7A, s1;
	s8 =	simm.s32 @!p0 $0x1BF5;
	p2 =	por !p2, p0  }
0x20: {  	[sflag:s8] =	ssyncset.s32 @!p0 $0xFFFFF086;
	s6 =	sadd.s32 @!p0 s3, s7;
	s7 =	simm.s32 @!p0 $0x108  }
0x21: {  	s3 =	sadd.s32 s3, s9;
	s6 =	sadd.s32 @!p0 $0x88, s6;
	s7 =	simm.s32 @p2 $0x1082  }
0x22: {  	[simem:s7], [sflag:s8] =	dma.local @!p0 [hbm:s6], $0xF7A  }
0x23: {  	s9 =	sor.u32 $0xD0000000, s2;
	s6 =	simm.s32 $0x108;
	_ =	swait.ge @!p0 [sflag:s8], $0x0  }
0x24: {  	s3 =	sadd.s32 $0x88, s3;
	s6 =	simm.s32 @!p1 $0x1082;
	[sflag:s4] =	ssyncset.s32 $0xFFFFF086  }
0x25: {  	[simem:s6], [sflag:s4] =	dma.local [hbm:s3], $0xF7A  }
0x26: {  	[smem:$0x3F7D] =	sst s1;
	(tag) =	ssettag s2;
	_ =	strace s9  }
0x27: {  	s1 =	sld [smem:$0x3F8D]  }
0x28: {  	s2 =	sld [smem:$0x3F8E]  }
0x29: {  	s4 =	sld [smem:$0x3F90]  }
0x2a: {  	p0 =	seq.s32 s5, $0x0;
	s5 =	sld [smem:$0x3F91]  }
0x2b: {  	s6 =	sld [smem:$0x3F92]  }
0x2c: {  	s7 =	sld [smem:$0x3F93]  }
0x2d: {  	s3 =	simm.s32 $0x108;
	s8 =	sld [smem:$0x3F94]  }
0x2e: {  	s3 =	simm.s32 @!p0 $0x1082;
	s9 =	sld [smem:$0x3F95]  }
0x2f: {  	lr =	sadd.s32 s0, s3;
	s0 =	sld [smem:$0x3F8C]  }
0x30: {  	s3 =	sld [smem:$0x3F8F]  }
0x31: {  	[smem:$0x3F98] =	sst s10  }
0x32: {  	s10 =	sld [smem:$0x3F96];
	_ =	sdelay $0x3  }
0x33: {  	p0 =	seq.s32 s10, $0x1;
	s10 =	sld [smem:$0x3F98];
	_ =	sdelay $0x3  }
0x34: {  	[smem:$0x3F98] =	sst s10  }
0x35: {  	s10 =	sld [smem:$0x3F97];
	_ =	sdelay $0x3  }
0x36: {  	p1 =	seq.s32 s10, $0x1;
	s10 =	sld [smem:$0x3F98];
	_ =	sdelay $0x3  }
0x37: {  	[smem:$0x3F98] =	sst s10  }
0x38: {  	s10 =	sld [smem:$0x3F99]  }
0x39: {  	_ = 	snop;
	(pc) =	sbr.ind lr, $3  }
0x3a: {  	_ = 	snop  }
0x3b: {  	_ = 	snop  }
0x3c: {  	p2 =	seq.s32 s10, $0x1;
	s10 =	sld [smem:$0x3F98]  }
0x3d: {  	_ =	shalt  }
0x3e: {  	_ =	shalt  }
0x3f: {  	_ =	shalt  }
0x40: {  	_ =	shalt  }
0x41: {  	_ =	shalt  }
0x42: {  	_ =	shalt  }
0x43: {  	_ =	shalt  }
0x44: {  	_ =	shalt  }
0x45: {  	_ =	shalt  }
0x46: {  	_ =	shalt  }
0x47: {  	_ =	shalt  }
0x48: {  	_ =	shalt  }
0x49: {  	_ =	shalt  }
0x4a: {  	_ =	shalt  }
0x4b: {  	_ =	shalt  }
0x4c: {  	_ =	shalt  }
0x4d: {  	_ =	shalt  }
0x4e: {  	_ =	shalt  }
0x4f: {  	_ =	shalt  }
0x50: {  	_ =	shalt  }
0x51: {  	_ =	shalt  }
0x52: {  	_ =	shalt  }
0x53: {  	_ =	shalt  }
0x54: {  	_ =	shalt  }
0x55: {  	_ =	shalt  }
0x56: {  	_ =	shalt  }
0x57: {  	_ =	shalt  }
0x58: {  	_ =	shalt  }
0x59: {  	_ =	shalt  }
0x5a: {  	_ =	shalt  }
0x5b: {  	_ =	shalt  }
0x5c: {  	_ =	shalt  }
0x5d: {  	_ =	shalt  }
0x5e: {  	_ =	shalt  }
0x5f: {  	_ =	shalt  }
0x60: {  	_ =	shalt  }
0x61: {  	_ =	shalt  }
0x62: {  	_ =	shalt  }
0x63: {  	_ =	shalt  }
0x64: {  	_ =	shalt  }
0x65: {  	_ =	shalt  }
0x66: {  	_ =	shalt  }
0x67: {  	_ =	shalt  }
0x68: {  	_ =	shalt  }
0x69: {  	_ =	shalt  }
0x6a: {  	_ =	shalt  }
0x6b: {  	_ =	shalt  }
0x6c: {  	_ =	shalt  }
0x6d: {  	_ =	shalt  }
0x6e: {  	_ =	shalt  }
0x6f: {  	_ =	shalt  }
0x70: {  	_ =	shalt  }
0x71: {  	_ =	shalt  }
0x72: {  	_ =	shalt  }
0x73: {  	_ =	shalt  }
0x74: {  	_ =	shalt  }
0x75: {  	_ =	shalt  }
0x76: {  	_ =	shalt  }
0x77: {  	_ =	shalt  }
0x78: {  	_ =	shalt  }
0x79: {  	_ =	shalt  }
0x7a: {  	_ =	shalt  }
0x7b: {  	_ =	shalt  }
0x7c: {  	_ =	shalt  }
0x7d: {  	_ =	shalt  }
0x7e: {  	_ =	shalt  }
0x7f: {  	_ =	shalt  }
0x80: {  	_ =	shalt  }
0x81: {  	_ =	shalt  }
0x82: {  	_ =	shalt  }
0x83: {  	_ =	shalt  }
0x84: {  	_ =	shalt  }
0x85: {  	_ =	shalt  }
0x86: {  	_ =	shalt  }
0x87: {  	_ =	shalt  }
.Lfunc_end0:
.L_simem_size_0:
called_computation_lowered:
.L_overlay_start_0:
0x88: {  	s0 =	sld [smem:$0x3FD9]  }
0x89: {  	s1 =	sld [smem:$0x3FFE];
	_ =	sdelay $0x3  }
0x8a: {  	s0 =	sadd.s32 s1, s0  }
0x8b: {  	[smem:$0x3FA4] =	sst s0  }
0x8c: {  	_ = 	snop  }
0x8d: {  	(tm) =	ssettm $0x1  }
0x8e: {  	s15 =	sld [smem:$0x3FFB];
	_ =	sdelay $0x3  }
0x8f: {  	_ =	strace s15  }
0x90: {  	s0 =	sld [smem:$0x3FFC];
	_ =	sdelay $0x3  }
0x91: {  	_ =	strace s0  }
0x92: {  	s0 =	sld [smem:$0x3FFD];
	_ =	sdelay $0x3  }
0x93: {  	_ =	strace s0  }
0x94: {  	_ =	strace $0x8FFFFFFF  }
0x95: {  	s16 =	sld [smem:$0x3FDB];
	_ =	sdelay $0x1  }
0x96: {  	s17 =	simm.s32 $_scs_section_size  }
0x97: {  	s2 =	simm.s32 $_size__tile_overlayer_lowered;
	s3 =	simm.s32 $_tile_overlayer_lowered  }
0x98: {  	s20 =	simm.s32 $0x1BFF;
	s19 =	sshll.u32 s3, $0x1;
	s0 =	sadd.s32 s17, s16  }
0x99: {  	s4 =	simm.s32 $0x0;
	s18 =	sshll.u32 s2, $0x1;
	s2 =	sadd.s32 s19, s0  }
0x9a: {  	[timem:s4], [sflag:s20] =	dma.local [hbm:s2], s18  }
0x9b: {  	_ =	swait.ge [sflag:s20], s18  }
0x9c: {  	s1 =	ssub.s32 $0x0, s18;
	[sflag:s20] =	ssyncset.done $0x0  }
0x9d: {  	[sflag:s20] =	ssyncadd.s32 s1;
	_ =	sdelay $0x1  }
0x9e: {  	s21 =	simm.s32 $0x1B8B  }
0x9f: {  	_ =	swait.ge [sflag:s21], $0x1  }
0xa0: {  	[sflag:s21] =	ssyncset.done $0x0  }
0xa1: {  	s23 =	simm.s32 $0x1B8E;
	s22 =	sld [smem:$0x3FFE];
	[sflag:s21] =	ssyncadd.s32 $0xFFFFFFFF  }
0xa2: {  	s24 =	simm.s32 $execute0_lowered;
	[smem:$0x3FD2] =	sst s23  }
0xa3: {  	s2 =	sshll.u32 s24, $0x1;
	_ =	strace $0x80000055;
	[dreg:$0x1] =	wrdreg $0xFFFFFFFF  }
0xa4: {  	s25 =	simm.s32 $_size_execute0_lowered;
	s0 =	sadd.s32 s0, s2;
	[dreg:$0x0] =	wrdreg $0x0  }
0xa5: {  	s2 =	sshll.u32 s25, $0x1;
	[dreg:$0x2] =	wrdreg s0  }
0xa6: {  	[dreg:$0x3] =	wrdreg s2  }
0xa7: {  	[dreg:$0x4] =	wrdreg $0xC0  }
0xa8: {  	_ =	task [dreg:s4], $0x5FFFF  }
0xa9: {  	[dreg:$0x1] =	wrdreg $0xFFFFFFFF  }
0xaa: {  	[dreg:$0x0] =	wrdreg $0x60  }
0xab: {  	[dreg:$0x2] =	wrdreg s22  }
0xac: {  	[dreg:$0x3] =	wrdreg $0x9  }
0xad: {  	_ =	task.clear_ibuf [dreg:s4], $0x4FFFF;
	_ =	strace $0x90000055  }
0xae: {  	s26 =	simm.s32 $0x9;
	_ =	strace $0x80000057  }
0xaf: {  	_ =	swait.ge [sflag:s26], $0x1  }
0xb0: {  	[sflag:s26] =	ssyncadd.s32 $0xFFFFFFFF  }
0xb1: {  	_ =	strace $0x90000057  }
0xb2: {  	_ =	sfence  }
0xb3: {  	s28 =	sld [smem:$0x0];
	_ =	sdelay $0x1  }
0xb4: {  	s29 =	srdreg.scid  }
0xb5: {  	s30 =	sshll.u32 s29, $0xD;
	s31 =	sshrl.u32 s29, $0x2  }
0xb6: {  	s1 =	sand.u32 $0x1, s29;
	s2 =	sand.u32 $0x4000, s30;
	s0 =	sadd.s32 s31, s28  }
0xb7: {  	s1 =	sor.u32 s2, s1;
	s0 =	sshll.u32 s0, $0x11  }
0xb8: {  	s0 =	sor.u32 s0, s1  }
0xb9: {  	s0 =	sadd.s32 $0x8F2B, s0  }
0xba: {  	[sflag:s0] =	ssyncadd.remote.s32 $0x1  }
0xbb: {  	_ =	sfence.sel $0xFFFF  }
0xbc: {  	[dreg:$0x0] =	wrdreg $0xFFFFFFFF;
	(pc) =	sbr.abs _section_cstart, $3  }
0xbd: {  	[dreg:$0x1] =	wrdreg $0xFFFFFFFF  }
0xbe: {  	_ =	task.clear_ibuf [dreg:s4], $0x2FFFF;
	_ =	strace $0x9FFFFFFF  }
0xbf: {  	(tm) =	ssettm $0x7FFFFFFF  }
tec
execute0_lowered:
.L_overlay_start_1:
0x0: {  	(tag) =	ssettag $0x1  }
0x1: {  	s2 =	rddreg [dreg:$0x0]  }
0x2: {  	s0 =	rddreg [dreg:$0x1]  }
0x3: {  	_ =	strace $0x80000056;
	s4 =	simm.s32 $0x1;
	s1 =	stileid.u32  }
0x4: {  	s7 =	simm.s32 $0x1;
	s8 =	simm.s32 $0x1;
	s6 =	simm.s32 $0x2  }
0x5: {  	s9 =	simm.s32 $0x3;
	s10 =	simm.s32 $0x0;
	s13 =	simm.s32 $0x0  }
.Ltmp0:
0x6: {  	s12 =	simm.s32 $0x0;
	p0 =	slt.u32 s1, $0xA;
	(pc) =	sbr.rel .LBB2_1-.Ltmp0, $4  }
0x7: {  	[sflag:s4] =	ssyncpa.u1 $0x0;
	s7 =	simm.s32 @!p0 $0x0;
	p0 =	sne.s32 s1, $0x9  }
0x8: {  	s5 =	smul.u32 $0x190, s1;
	[sflag:s6] =	ssyncpa.u1 $0x0;
	s8 =	simm.s32 @!p0 $0x0  }
0x9: {  	s3 =	sadd.s32 $0x316000, s2;
	[sflag:s9] =	ssyncpa.u1 $0x0;
	s7 =	sadd.s32 s8, s7  }
0xa: {  	vm0 =	vmmov $0xffff;
	s11 =	smov.u32 s5;
	s8 =	sadd.s32 $0x15800, s2;
	s9 =	sadd.s32 $0x1, s7  }
.LBB2_4:
0xb: {  	vm2 =	veq.s32 v2, $0x80000000;
	v4 =	vand.u32 $0xF, v4;
	v5 =	vor.u32 v6, v5  }
0xc: {  	v1 =	vand.u32 $0x3FFF, v1;
	v7 =	vshrl.u32 v2, $0xE;
	v56 =	vand.u32 $0x3FFF, v2  }
0xd: {  	v4 =	vsel vm1, $0xFFFFFFFF, v4;
	v3 =	vor.u32 v3, v5;
	v1 =	vsel vm1, $0xFFFFFFFF, v1  }
0xe: {  	vm1 =	vmmov vm2;
	v7 =	vand.u32 $0xF, v7;
	v54 =	vshrl.u32 v4, $0x3  }
0xf: {  	v4 =	vshll.u32 v4, $0x7;
	v55 =	vshll.u32 v1, $0x3;
	v57 =	vsel vm1, $0xFFFFFFFF, v7  }
0x10: {  	v2 =	vsel vm1, $0xFFFFFFFF, v56;
	v1 =	vand.u32 $0x7F, v1;
	v5 =	vmul.u32 $0x13C00, v54  }
0x11: {  	v6 =	vand.u32 $0xFFFFFC00, v55;
	v4 =	vand.u32 $0x380, v4;
	v7 =	vshrl.u32 v57, $0x3  }
0x12: {  	v59 =	vshll.u32 v2, $0x3;
	v58 =	vmul.u32 $0x13C00, v7;
	v5 =	vadd.s32 v6, v5  }
0x13: {  	v7 =	vand.u32 $0xFFFFFC00, v59;
	v6 =	vshll.u32 v57, $0x7;
	v4 =	vor.u32 v4, v5  }
0x14: {  	v60 =	vadd.s32 v7, v58;
	v61 =	vand.u32 $0x380, v6;
	v1 =	vor.u32 v1, v4  }
0x15: {  	[tilespmem:s16], [sflag:$0x1] =	stream.indirect_vreg.gather [hbm4b:s3+s10], $0x1, v0, vm0, $0x4038;
	v62 =	vand.u32 $0x7F, v2;
	v63 =	vor.u32 v61, v60;
	[tilespmem:$0x640] =	vst v63  }
0x16: {  	(ifvalue) =	ssetifvalue $0x7FFFFFFF;
	v0 =	vor.u32 v62, v63  }
0x17: {  	[tilespmem:s15], [sflag:$0x1] =	stream.indirect_vreg.gather [hbm4b:s3+s10], $0x1, v3, vm0, $0x4038;
	[tilespmem:$0x640] =	vst v63  }
0x18: {  	s29 =	sadd.s32 $0x10, s15;
	(ifvalue) =	ssetifvalue $0x7FFFFFFF  }
0x19: {  	[tilespmem:s29], [sflag:$0x1] =	stream.indirect_vreg.gather [hbm4b:s3+s10], $0x1, v1, vm0, $0x4038;
	[tilespmem:$0x640] =	vst v63  }
0x1a: {  	s15 =	sadd.s32 $0x10, s29;
	(ifvalue) =	ssetifvalue $0x7FFFFFFF  }
0x1b: {  	[tilespmem:s15], [sflag:$0x1] =	stream.indirect_vreg.gather [hbm4b:s3+s10], $0x1, v0, vm0, $0x4038;
	[tilespmem:$0x640] =	vst v63  }
0x1c: {  	_ =	swait.ge [sflag:s4], $0x190  }
0x1d: {  	s30 =	sshrl.u32 s13, $0x3;
	[sflag:s4] =	ssyncset.done $0x0  }
0x1e: {  	s31 =	sand.u32 $0x7, s13;
	s15 =	sadd.s32 s2, s30;
	[sflag:s4] =	ssyncadd.s32 $0xFFFFFE70  }
0x1f: {  	[hbm4b:s15+s31] =	stream.linear.scatter [tilespmem:s14], [sflag:$0x3], $0x190, $0x38;
	[tilespmem:$0x640] =	vst v63  }
.LBB2_5:
0x20: {  	s15 =	sadd.s32 $0x1900, s11  }
0x21: {  	p1 =	sgt.s32 s15, $0x270F  }
0x22: {  	s15 =	smov.u32 @p1 s5;
	p1 =	sne.s32 s12, s9  }
.Ltmp1:
0x23: {  	p0 =	slt.u32 s12, $0x2;
	(pc) =	sbr.rel @!p1 .LBB2_6-.Ltmp1, $4  }
0x24: {  	s14 =	simm.s32 @!p0 $0x3  }
0x25: {  	_ =	swait.ge @!p0 [sflag:s14], $0x190  }
0x26: {  	s16 =	sadd.s32 $0x1, s12;
	s13 =	smov.u32 s11;
	[sflag:s14] =	ssyncset.done @!p0 $0x0  }
0x27: {  	s12 =	smov.u32 s16;
	s11 =	smov.u32 s15;
	[sflag:s14] =	ssyncadd.s32 @!p0 $0xFFFFFE70  }
.LBB2_1:
0x28: {  	p0 =	sge.u32 s12, s7  }
0x29: {  	s14 =	sxor.u32 @!p0 $0x1, s12  }
0x2a: {  	s14 =	smul.u32 @!p0 $0x640, s14  }
0x2b: {  	s31 =	sadd.s32 $0xFFFFFFFF, s12;
	s15 =	sshrl.u32 @!p0 s11, $0x3  }
0x2c: {  	s16 =	sand.u32 @!p0 $0x7, s11;
	s15 =	sadd.s32 @!p0 s8, s15;
	s14 =	sshra.s32 @!p0 s14, $0x2  }
0x2d: {  	[tilespmem:s14], [sflag:$0x2] =	stream.linear.gather @!p0 [hbm4b:s15+s16], $0x190, $0x38;
	[tilespmem:$0x640] =	vst v63  }
0x2e: {  	p0 =	sge.u32 s31, s7  }
.Ltmp2:
0x2f: {  	_ = 	snop;
	(pc) =	sbr.rel @p0 .LBB2_5-.Ltmp2, $1  }
0x30: {  	_ =	sdelay $0x3  }
0x31: {  	s14 =	sand.u32 $0x1, s12  }
0x32: {  	_ =	swait.ge [sflag:s6], $0x190;
	p0 =	seq.s32 s14, $0x1;
	s14 =	simm.s32 $0x190  }
0x33: {  	[sflag:s6] =	ssyncset.done $0x0;
	s14 =	simm.s32 @!p0 $0x0  }
0x34: {  	[sflag:s6] =	ssyncadd.s32 $0xFFFFFE70;
	(ifvalue) =	ssetifvalue $0x7FFFFFFF;
	v0 =	vld.msk [tilespmem:s14+$0x0 ss:$0x1], $0xffff;
	_ =	sdelay $0x2  }
0x35: {  	s15 =	sadd.s32 $0x10, s14  }
0x36: {  	v2 =	vld.msk [tilespmem:s15+$0x0 ss:$0x1], $0xffff  }
0x37: {  	vm1 =	veq.s32 v0, $0x80000000;
	v1 =	vshrl.u32 v0, $0xE  }
0x38: {  	vm1 =	vmmov vm1;
	v3 =	vand.u32 $0xF, v1  }
0x39: {  	v0 =	vand.u32 $0x3FFF, v0;
	v3 =	vsel vm1, $0xFFFFFFFF, v3  }
0x3a: {  	s15 =	sadd.s32 $0x10, s15;
	v0 =	vsel vm1, $0xFFFFFFFF, v0;
	v4 =	vshrl.u32 v3, $0x3  }
0x3b: {  	v1 =	vld.msk [tilespmem:s15+$0x0 ss:$0x1], $0xffff;
	v6 =	vshrl.u32 v2, $0xE;
	v5 =	vshll.u32 v0, $0x3;
	v4 =	vmul.u32 $0x13C00, v4  }
0x3c: {  	vm1 =	veq.s32 v2, $0x80000000;
	v3 =	vshll.u32 v3, $0x7;
	v5 =	vand.u32 $0xFFFFFC00, v5  }
0x3d: {  	v0 =	vand.u32 $0x7F, v0;
	v3 =	vand.u32 $0x380, v3;
	v4 =	vadd.s32 v5, v4  }
0x3e: {  	vm1 =	vmmov vm1;
	v5 =	vand.u32 $0xF, v6;
	v3 =	vor.u32 v3, v4  }
0x3f: {  	v2 =	vand.u32 $0x3FFF, v2;
	v4 =	vsel vm1, $0xFFFFFFFF, v5;
	v0 =	vor.u32 v0, v3  }
0x40: {  	s15 =	sadd.s32 $0x10, s15;
	vm2 =	veq.s32 v1, $0x80000000;
	v3 =	vsel vm1, $0xFFFFFFFF, v2;
	v2 =	vshrl.u32 v4, $0x3  }
0x41: {  	s14 =	sadd.s32 $0x320, s14;
	v6 =	vshll.u32 v4, $0x7;
	v5 =	vmul.u32 $0x13C00, v2;
	v4 =	vshll.u32 v3, $0x3;
	v2 =	vld.msk [tilespmem:s15+$0x0 ss:$0x1], $0xffff  }
0x42: {  	s17 =	simm.s32 $0x30;
	s16 =	smov.u32 s14;
	vm1 =	vmmov vm2;
	v3 =	vand.u32 $0x7F, v3;
	v7 =	vand.u32 $0xFFFFFC00, v4  }
0x43: {  	s18 =	sadd.s32 $0x10, s15;
	v6 =	vand.u32 $0x380, v6;
	(ifvalue) =	ssetifvalue $0x7FFFFFFF;
	s15 =	sadd.s32 $0x10, s14;
	v4 =	vshrl.u32 v1, $0xE;
	v5 =	vadd.s32 v7, v5  }
.LBB2_3:
0x44: {  	[tilespmem:s16], [sflag:$0x1] =	stream.indirect_vreg.gather [hbm4b:s3+s10], $0x1, v0, vm0, $0x4038;
	[tilespmem:$0x640] =	vst v63  }
0x45: {  	s17 =	sadd.s32 $0x10, s17  }
0x46: {  	vm2 =	veq.s32 v2, $0x80000000;
	v4 =	vand.u32 $0xF, v4;
	v5 =	vor.u32 v6, v5;
	v6 =	vmovc v2;
	v2 =	vld.msk [tilespmem:s18+$0x0 ss:$0x1], $0xffff;
	p0 =	slt.u32 s17, $0x180  }
.Ltmp3:
0x47: {  	v7 =	vand.u32 $0x3FFF, v1;
	s16 =	smov.u32 s15;
	v4 =	vsel vm1, $0xFFFFFFFF, v4;
	v0 =	vor.u32 v3, v5;
	v1 =	vmovc v6;
	(pc) =	sbr.rel @p0 .LBB2_3-.Ltmp3, $4  }
0x48: {  	v5 =	vsel vm1, $0xFFFFFFFF, v7;
	v6 =	vshrl.u32 v4, $0x3;
	v7 =	vshll.u32 v4, $0x7  }
0x49: {  	v3 =	vand.u32 $0x7F, v5;
	v4 =	vshll.u32 v5, $0x3;
	v6 =	vmul.u32 $0x13C00, v6  }
0x4a: {  	vm1 =	vmmov vm2;
	v5 =	vand.u32 $0xFFFFFC00, v4  }
0x4b: {  	s18 =	sadd.s32 $0x10, s18;
	s15 =	sadd.s32 $0x10, s15;
	v4 =	vshrl.u32 v1, $0xE;
	v5 =	vadd.s32 v5, v6;
	v6 =	vand.u32 $0x380, v7;
	(ifvalue) =	ssetifvalue $0x7FFFFFFF  }
.Ltmp4:
0x4c: {  	_ = 	snop;
	(pc) =	sbr.rel .LBB2_4-.Ltmp4, $1  }
0x4d: {  	_ =	sdelay $0x3  }
.LBB2_6:
0x4e: {  	_ =	sfence.sel $0x180000  }
0x4f: {  	s2 =	simm.s32 $0x2;
	[bflag:$0x0] =	sbarrier.arrive $0xFFFF  }
0x50: {  	s30 =	simm.s32 $0x3;
	[sflag:s2] =	ssyncpa.u1 $0x1  }
0x51: {  	s31 =	simm.s32 $0x1;
	[sflag:s30] =	ssyncpa.u1 $0x1  }
0x52: {  	[sflag:s31] =	ssyncpa.u1 $0x1  }
0x53: {  	p0 =	sne.s32 s1, $0x0;
	_ =	strace $0x90000056  }
0x54: {  	s0 =	sadd.s32 @!p0 $0x100000, s0;
	[bflag:$0x2] =	sbarrier.arrive $0xFFFF  }
0x55: {  	[sflag:s0] =	ssyncadd.tile.s32 @!p0 $0x1;
	_ =	shalt  }
.Lfunc_end2:
_tile_overlayer_lowered:
.L_overlay_start_2:
0x56: {  	(tag) =	ssettag $0x2  }
0x57: {  	s0 =	rddreg [dreg:$0x0];
	s2 =	stileid.u32  }
0x58: {  	s1 =	rddreg [dreg:$0x1];
	p0 =	sne.s32 s2, $0x0  }
0x59: {  	s3 =	rddreg [dreg:$0x2];
	[bflag:$0x3] =	sbarrier.arrive $0xFFFF;
	s2 =	simm.s32 @!p0 $0x1C01  }
0x5a: {  	[timem:s3], [sflag:s2] =	dma.local @!p0 [hbm:s0], s1  }
0x5b: {  	s0 =	simm.s32 @!p0 $0x1  }
0x5c: {  	_ =	swait.ge @!p0 [sflag:s0], s1  }
0x5d: {  	s1 =	ssub.s32 @!p0 $0x0, s1;
	[sflag:s0] =	ssyncset.done @!p0 $0x0  }
0x5e: {  	[sflag:s0] =	ssyncadd.s32 @!p0 s1  }
0x5f: {  	[bflag:$0x3] =	sbarrier.arrive $0xFFFF  }
0x60: {  	_ =	shalt  }

// kernel: kernel.13.cloned.1.call-start
scs
__scs_entry_jumppad:
0x0: {  	(pc) =	sbr.rel $0x88, $3  }
0x1: {  	(tag) =	ssettag $0x0;
	lr =	simm.s32 $0x1  }
0x2: {  	[smem:$0x3F7D] =	sst lr;
	_ =	strace $0xD0000000  }
0x3: {  	_ = 	snop  }
0x4: {  	_ = 	snop  }
0x5: {  	_ = 	snop  }
0x6: {  	_ = 	snop  }
0x7: {  	_ = 	snop  }
__scs_overlays_trampoline_lowered:
0x8: {  	[smem:$0x3F8C] =	sst s0  }
0x9: {  	[smem:$0x3F8D] =	sst s1  }
0xa: {  	[smem:$0x3F8E] =	sst s2  }
0xb: {  	[smem:$0x3F8F] =	sst s3  }
0xc: {  	[smem:$0x3F90] =	sst s4  }
0xd: {  	[smem:$0x3F91] =	sst s5  }
0xe: {  	[smem:$0x3F92] =	sst s6  }
0xf: {  	[smem:$0x3F93] =	sst s7  }
0x10: {  	[smem:$0x3F94] =	sst s8  }
0x11: {  	[smem:$0x3F95] =	sst s9;
	s0 =	simm.s32 @!p0 $0x0  }
0x12: {  	s1 =	sld [smem:$0x3F7B];
	s0 =	simm.s32 @p0 $0x1  }
0x13: {  	[smem:$0x3F96] =	sst s0;
	s0 =	simm.s32 @!p1 $0x0  }
0x14: {  	s2 =	sld [smem:$0x3F7A];
	s0 =	simm.s32 @p1 $0x1  }
0x15: {  	[smem:$0x3F97] =	sst s0;
	s0 =	simm.s32 @!p2 $0x0  }
0x16: {  	s3 =	sld [smem:$0x3FDB];
	s0 =	simm.s32 @p2 $0x1  }
0x17: {  	s4 =	simm.s32 $0x1BF5;
	[smem:$0x3F99] =	sst s0  }
0x18: {  	s0 =	sld [smem:$0x3F7C];
	_ =	swait.ge [sflag:s4], $0x0  }
0x19: {  	s7 =	sld [smem:$0x3F7D]  }
0x1a: {  	s8 =	sadd.s32 $0xFFFFE003, lr  }
0x1b: {  	s9 =	sadd.s32 $0xFFFFFEF7, lr;
	s5 =	simm.s32 $0xFFFFFFFF;
	p2 =	slt.u32 s8, $0xFFFFF086  }
0x1c: {  	p1 =	slt.u32 s9, $0xF7A;
	s5 =	simm.s32 @!p2 $0x0  }
0x1d: {  	s5 =	simm.s32 @p1 $0x1;
	p0 =	seq.s32 s7, s2  }
0x1e: {  	s7 =	smul.u32 @!p0 $0xF7A, s2;
	p2 =	seq.s32 @!p0 s5, $0x0  }
0x1f: {  	s9 =	smul.u32 $0xF7A, s1;
	s8 =	simm.s32 @!p0 $0x1BF5;
	p2 =	por !p2, p0  }
0x20: {  	[sflag:s8] =	ssyncset.s32 @!p0 $0xFFFFF086;
	s6 =	sadd.s32 @!p0 s3, s7;
	s7 =	simm.s32 @!p0 $0x108  }
0x21: {  	s3 =	sadd.s32 s3, s9;
	s6 =	sadd.s32 @!p0 $0x88, s6;
	s7 =	simm.s32 @p2 $0x1082  }
0x22: {  	[simem:s7], [sflag:s8] =	dma.local @!p0 [hbm:s6], $0xF7A  }
0x23: {  	s9 =	sor.u32 $0xD0000000, s2;
	s6 =	simm.s32 $0x108;
	_ =	swait.ge @!p0 [sflag:s8], $0x0  }
0x24: {  	s3 =	sadd.s32 $0x88, s3;
	s6 =	simm.s32 @!p1 $0x1082;
	[sflag:s4] =	ssyncset.s32 $0xFFFFF086  }
0x25: {  	[simem:s6], [sflag:s4] =	dma.local [hbm:s3], $0xF7A  }
0x26: {  	[smem:$0x3F7D] =	sst s1;
	(tag) =	ssettag s2;
	_ =	strace s9  }
0x27: {  	s1 =	sld [smem:$0x3F8D]  }
0x28: {  	s2 =	sld [smem:$0x3F8E]  }
0x29: {  	s4 =	sld [smem:$0x3F90]  }
0x2a: {  	p0 =	seq.s32 s5, $0x0;
	s5 =	sld [smem:$0x3F91]  }
0x2b: {  	s6 =	sld [smem:$0x3F92]  }
0x2c: {  	s7 =	sld [smem:$0x3F93]  }
0x2d: {  	s3 =	simm.s32 $0x108;
	s8 =	sld [smem:$0x3F94]  }
0x2e: {  	s3 =	simm.s32 @!p0 $0x1082;
	s9 =	sld [smem:$0x3F95]  }
0x2f: {  	lr =	sadd.s32 s0, s3;
	s0 =	sld [smem:$0x3F8C]  }
0x30: {  	s3 =	sld [smem:$0x3F8F]  }
0x31: {  	[smem:$0x3F98] =	sst s10  }
0x32: {  	s10 =	sld [smem:$0x3F96];
	_ =	sdelay $0x3  }
0x33: {  	p0 =	seq.s32 s10, $0x1;
	s10 =	sld [smem:$0x3F98];
	_ =	sdelay $0x3  }
0x34: {  	[smem:$0x3F98] =	sst s10  }
0x35: {  	s10 =	sld [smem:$0x3F97];
	_ =	sdelay $0x3  }
0x36: {  	p1 =	seq.s32 s10, $0x1;
	s10 =	sld [smem:$0x3F98];
	_ =	sdelay $0x3  }
0x37: {  	[smem:$0x3F98] =	sst s10  }
0x38: {  	s10 =	sld [smem:$0x3F99]  }
0x39: {  	_ = 	snop;
	(pc) =	sbr.ind lr, $3  }
0x3a: {  	_ = 	snop  }
0x3b: {  	_ = 	snop  }
0x3c: {  	p2 =	seq.s32 s10, $0x1;
	s10 =	sld [smem:$0x3F98]  }
0x3d: {  	_ =	shalt  }
0x3e: {  	_ =	shalt  }
0x3f: {  	_ =	shalt  }
0x40: {  	_ =	shalt  }
0x41: {  	_ =	shalt  }
0x42: {  	_ =	shalt  }
0x43: {  	_ =	shalt  }
0x44: {  	_ =	shalt  }
0x45: {  	_ =	shalt  }
0x46: {  	_ =	shalt  }
0x47: {  	_ =	shalt  }
0x48: {  	_ =	shalt  }
0x49: {  	_ =	shalt  }
0x4a: {  	_ =	shalt  }
0x4b: {  	_ =	shalt  }
0x4c: {  	_ =	shalt  }
0x4d: {  	_ =	shalt  }
0x4e: {  	_ =	shalt  }
0x4f: {  	_ =	shalt  }
0x50: {  	_ =	shalt  }
0x51: {  	_ =	shalt  }
0x52: {  	_ =	shalt  }
0x53: {  	_ =	shalt  }
0x54: {  	_ =	shalt  }
0x55: {  	_ =	shalt  }
0x56: {  	_ =	shalt  }
0x57: {  	_ =	shalt  }
0x58: {  	_ =	shalt  }
0x59: {  	_ =	shalt  }
0x5a: {  	_ =	shalt  }
0x5b: {  	_ =	shalt  }
0x5c: {  	_ =	shalt  }
0x5d: {  	_ =	shalt  }
0x5e: {  	_ =	shalt  }
0x5f: {  	_ =	shalt  }
0x60: {  	_ =	shalt  }
0x61: {  	_ =	shalt  }
0x62: {  	_ =	shalt  }
0x63: {  	_ =	shalt  }
0x64: {  	_ =	shalt  }
0x65: {  	_ =	shalt  }
0x66: {  	_ =	shalt  }
0x67: {  	_ =	shalt  }
0x68: {  	_ =	shalt  }
0x69: {  	_ =	shalt  }
0x6a: {  	_ =	shalt  }
0x6b: {  	_ =	shalt  }
0x6c: {  	_ =	shalt  }
0x6d: {  	_ =	shalt  }
0x6e: {  	_ =	shalt  }
0x6f: {  	_ =	shalt  }
0x70: {  	_ =	shalt  }
0x71: {  	_ =	shalt  }
0x72: {  	_ =	shalt  }
0x73: {  	_ =	shalt  }
0x74: {  	_ =	shalt  }
0x75: {  	_ =	shalt  }
0x76: {  	_ =	shalt  }
0x77: {  	_ =	shalt  }
0x78: {  	_ =	shalt  }
0x79: {  	_ =	shalt  }
0x7a: {  	_ =	shalt  }
0x7b: {  	_ =	shalt  }
0x7c: {  	_ =	shalt  }
0x7d: {  	_ =	shalt  }
0x7e: {  	_ =	shalt  }
0x7f: {  	_ =	shalt  }
0x80: {  	_ =	shalt  }
0x81: {  	_ =	shalt  }
0x82: {  	_ =	shalt  }
0x83: {  	_ =	shalt  }
0x84: {  	_ =	shalt  }
0x85: {  	_ =	shalt  }
0x86: {  	_ =	shalt  }
0x87: {  	_ =	shalt  }
.Lfunc_end0:
.L_simem_size_0:
called_computation.1_lowered:
.L_overlay_start_0:
0x88: {  	s2 =	sld [smem:$0x3FD9]  }
0x89: {  	s3 =	sld [smem:$0x3FFE];
	_ =	sdelay $0x1  }
0x8a: {  	s1 =	srdreg.scid  }
0x8b: {  	s0 =	sand.u32 $0x1, s1  }
0x8c: {  	s16 =	sshll.u32 s0, $0xA;
	s2 =	sadd.s32 s3, s2  }
0x8d: {  	s2 =	sadd.s32 s2, s16  }
0x8e: {  	[smem:$0x3FA4] =	sst s2  }
0x8f: {  	_ = 	snop  }
0x90: {  	(tm) =	ssettm $0x1  }
0x91: {  	s17 =	sld [smem:$0x3FFB];
	_ =	sdelay $0x3  }
0x92: {  	_ =	strace s17  }
0x93: {  	s2 =	sld [smem:$0x3FFC];
	_ =	sdelay $0x3  }
0x94: {  	_ =	strace s2  }
0x95: {  	s2 =	sld [smem:$0x3FFD];
	_ =	sdelay $0x3  }
0x96: {  	_ =	strace s2  }
0x97: {  	_ =	strace $0x8FFFFFFF  }
0x98: {  	s18 =	sld [smem:$0x3FDB];
	_ =	sdelay $0x1  }
0x99: {  	s19 =	simm.s32 $_scs_section_size  }
0x9a: {  	s4 =	simm.s32 $_size__tile_overlayer_lowered;
	s5 =	simm.s32 $_tile_overlayer_lowered  }
0x9b: {  	s22 =	simm.s32 $0x1BFF;
	s21 =	sshll.u32 s5, $0x1;
	s2 =	sadd.s32 s19, s18  }
0x9c: {  	s6 =	simm.s32 $0x0;
	s20 =	sshll.u32 s4, $0x1;
	s4 =	sadd.s32 s21, s2  }
0x9d: {  	[timem:s6], [sflag:s22] =	dma.local [hbm:s4], s20  }
0x9e: {  	_ =	swait.ge [sflag:s22], s20  }
0x9f: {  	s3 =	ssub.s32 $0x0, s20;
	[sflag:s22] =	ssyncset.done $0x0  }
0xa0: {  	[sflag:s22] =	ssyncadd.s32 s3;
	_ =	sdelay $0x1  }
0xa1: {  	s23 =	simm.s32 $0x1B8B  }
0xa2: {  	_ =	swait.ge [sflag:s23], $0x1  }
0xa3: {  	[sflag:s23] =	ssyncset.done $0x0  }
0xa4: {  	s25 =	simm.s32 $0x1B8E;
	s24 =	sld [smem:$0x3FFE];
	[sflag:s23] =	ssyncadd.s32 $0xFFFFFFFF  }
0xa5: {  	s26 =	simm.s32 $execute0_lowered;
	[smem:$0x3FD2] =	sst s25  }
0xa6: {  	s4 =	sshll.u32 s26, $0x1;
	_ =	strace $0x80000046;
	[dreg:$0x1] =	wrdreg $0xFFFFFFFF  }
0xa7: {  	s28 =	simm.s32 $_size_execute0_lowered;
	s2 =	sadd.s32 s2, s4;
	[dreg:$0x0] =	wrdreg $0x0  }
0xa8: {  	s4 =	sshll.u32 s28, $0x1;
	[dreg:$0x2] =	wrdreg s2  }
0xa9: {  	[dreg:$0x3] =	wrdreg s4  }
0xaa: {  	[dreg:$0x4] =	wrdreg $0xC0  }
0xab: {  	_ =	task [dreg:s6], $0x5FFFF  }
0xac: {  	[dreg:$0x1] =	wrdreg $0xFFFFFFFF  }
0xad: {  	[dreg:$0x0] =	wrdreg $0x60  }
0xae: {  	[dreg:$0x2] =	wrdreg s24  }
0xaf: {  	[dreg:$0x3] =	wrdreg $0x56800  }
0xb0: {  	[dreg:$0x4] =	wrdreg $0x9  }
0xb1: {  	_ =	task.clear_ibuf [dreg:s6], $0x5FFFF;
	_ =	strace $0x90000046  }
0xb2: {  	s29 =	simm.s32 $0x9;
	_ =	strace $0x80000048  }
0xb3: {  	_ =	swait.ge [sflag:s29], $0x1  }
0xb4: {  	[sflag:s29] =	ssyncadd.s32 $0xFFFFFFFF  }
0xb5: {  	_ =	strace $0x90000048  }
0xb6: {  	_ =	sfence  }
0xb7: {  	s30 =	sld [smem:$0x0];
	_ =	sdelay $0x2  }
0xb8: {  	s31 =	sshll.u32 s1, $0xD;
	s1 =	sshrl.u32 s1, $0x2  }
0xb9: {  	s3 =	sand.u32 $0x4000, s31;
	s1 =	sadd.s32 s1, s30  }
0xba: {  	s0 =	sor.u32 s3, s0;
	s1 =	sshll.u32 s1, $0x11  }
0xbb: {  	s0 =	sor.u32 s1, s0  }
0xbc: {  	s0 =	sadd.s32 $0x8F2B, s0  }
0xbd: {  	[sflag:s0] =	ssyncadd.remote.s32 $0x1  }
0xbe: {  	_ =	sfence.sel $0xFFFF  }
0xbf: {  	[dreg:$0x0] =	wrdreg $0xFFFFFFFF;
	(pc) =	sbr.abs _section_cstart, $3  }
0xc0: {  	[dreg:$0x1] =	wrdreg $0xFFFFFFFF  }
0xc1: {  	_ =	task.clear_ibuf [dreg:s6], $0x2FFFF;
	_ =	strace $0x9FFFFFFF  }
0xc2: {  	(tm) =	ssettm $0x7FFFFFFF  }
0xc3: {  	_ =	shalt  }
tec
execute0_lowered:
.L_overlay_start_1:
0x0: {  	(tag) =	ssettag $0x1  }
0x1: {  	s0 =	srdreg.scid;
	s7 =	rddreg [dreg:$0x0]  }
0x2: {  	s2 =	rddreg [dreg:$0x1];
	s6 =	sand.u32 $0x1, s0;
	s0 =	stileid.u32  }
0x3: {  	s3 =	simm.s32 $0x0;
	s13 =	simm.s32 $0x80;
	s8 =	smul.u32 $0x500, s0  }
0x4: {  	s14 =	simm.s32 $0x0;
	[smem:$0x7FF] =	sst s3;
	s9 =	smul.u32 $0x5000, s6  }
0x5: {  	s5 =	sadd.s32 $0x27800, s7;
	s1 =	sshll.u32 s6, $0x4;
	s11 =	smul.u32 $0xA000, s0  }
0x6: {  	s6 =	ssub.s32 $0x2, s6;
	s31 =	sshll.u32 s0, $0x6;
	s4 =	sor.u32 s0, s1  }
0x7: {  	s1 =	rddreg [dreg:$0x2];
	_ =	strace $0x80000047;
	s29 =	sshrl.u32 s6, $0x1  }
0x8: {  	s4 =	smul.u32 $0x9D0, s4;
	s8 =	sadd.s32 s8, s9;
	s30 =	sshrl.u32 s11, $0x2  }
0x9: {  	s9 =	simm.s32 $0x1;
	s11 =	sor.u32 $0x1C01, s31;
	s12 =	sadd.s32 s30, s2  }
0xa: {  	s10 =	sadd.s32 s4, s7;
	s4 =	sadd.s32 $0x27600, s7;
	s7 =	sadd.s32 s8, s7  }
0xb: {  	s8 =	ssub.s32 s6, s29;
	s12 =	sshrl.u32 s12, $0x3;
	s6 =	sadd.s32 $0x13C00, s10  }
0xc: {  	s7 =	sadd.s32 $0x27E00, s7;
	s8 =	smax.u32 s8, $0x1;
	s10 =	simm.s32 $0x4E80  }
.LBB2_1:
0xd: {  	[tilespmem:s3], [sflag:$0x1] =	stream.linear.gather [hbm4b:s6+s3], $0x4E80, $0x38;
	[tilespmem:$0x7E80] =	vst v63  }
0xe: {  	_ =	swait.ge [sflag:s9], $0x4E80  }
0xf: {  	[sflag:s9] =	ssyncset.done $0x0  }
0x10: {  	[sflag:s9] =	ssyncadd.s32 $0xFFFFB180  }
0x11: {  	[tilespmem:s10], [sflag:$0x1] =	stream.linear.gather [hbm4b:s4+s3], $0x800, $0x38;
	[tilespmem:$0x7E80] =	vst v63  }
0x12: {  	_ =	swait.ge [sflag:s9], $0x800  }
0x13: {  	[sflag:s9] =	ssyncset.done $0x0  }
0x14: {  	[sflag:s9] =	ssyncadd.s32 $0xFFFFF800  }
0x15: {  	[spmem:s12], [sflag:s11] =	dma.local [hbm:s5], $0x500  }
0x16: {  	_ =	swait.ge [sflag:s9], $0x500  }
0x17: {  	[sflag:s9] =	ssyncset.done $0x0  }
0x18: {  	[sflag:s9] =	ssyncadd.s32 $0xFFFFFB00  }
0x19: {  	s15 =	simm.s32 $0x0;
	[bflag:$0x0] =	sbarrier.arrive $0xFFFF  }
0x1a: {  	[spmem:s2] =	stream.indirect.scatter.add.f32 [tilespmem:s10], [sflag:$0x1], $0x10, s15, s13, $0xb8;
	[tilespmem:$0x7E80] =	vst v63  }
0x1b: {  	_ =	swait.ge [sflag:s9], $0x800  }
0x1c: {  	s15 =	simm.s32 $0x200;
	[sflag:s9] =	ssyncset.done $0x0  }
.LBB2_2:
0x1d: {  	s16 =	sshra.s32 s15, $0x2;
	[sflag:s9] =	ssyncadd.s32 $0xFFFFF800;
	p0 =	sne.s32 s15, $0x13800  }
0x1e: {  	[spmem:s2] =	stream.indirect.scatter.add.f32 [tilespmem:s10], [sflag:$0x1], $0x10, s16, s13, $0xb8;
	[tilespmem:$0x7E80] =	vst v63  }
.Ltmp0:
0x1f: {  	_ = 	snop;
	(pc) =	sbr.rel @p0 .LBB2_2-.Ltmp0, $4  }
0x20: {  	_ = 	snop  }
0x21: {  	s15 =	sadd.s32 $0x200, s15  }
0x22: {  	_ =	swait.ge [sflag:s9], $0x800  }
0x23: {  	[sflag:s9] =	ssyncset.done $0x0  }
0x24: {  	s14 =	sadd.s32 $0x1, s14  }
0x25: {  	[sflag:s9] =	ssyncadd.s32 $0xFFFFF800;
	p0 =	sne.s32 s14, s8  }
.Ltmp1:
0x26: {  	[bflag:$0x0] =	sbarrier.arrive $0xFFFF;
	(pc) =	sbr.rel @p0 .LBB2_1-.Ltmp1, $4  }
0x27: {  	[hbm:s7], [sflag:s11] =	dma.local [spmem:s12], $0x500  }
0x28: {  	_ =	swait.ge [sflag:s9], $0x500  }
0x29: {  	[sflag:s9] =	ssyncset.done $0x0  }
0x2a: {  	[sflag:s9] =	ssyncadd.s32 $0xFFFFFB00  }
0x2b: {  	_ =	sfence.sel $0x180000  }
0x2c: {  	[bflag:$0x0] =	sbarrier.arrive $0xFFFF  }
0x2d: {  	p0 =	sne.s32 s0, $0x0;
	_ =	strace $0x90000047  }
0x2e: {  	s0 =	sadd.s32 @!p0 $0x100000, s1;
	[bflag:$0x2] =	sbarrier.arrive $0xFFFF  }
0x2f: {  	[sflag:s0] =	ssyncadd.tile.s32 @!p0 $0x1;
	_ =	shalt  }
.Lfunc_end2:
_tile_overlayer_lowered:
.L_overlay_start_2:
0x30: {  	(tag) =	ssettag $0x2  }
0x31: {  	s0 =	rddreg [dreg:$0x0];
	s2 =	stileid.u32  }
0x32: {  	s1 =	rddreg [dreg:$0x1];
	p0 =	sne.s32 s2, $0x0  }
0x33: {  	s3 =	rddreg [dreg:$0x2];
	[bflag:$0x3] =	sbarrier.arrive $0xFFFF;
	s2 =	simm.s32 @!p0 $0x1C01  }
0x34: {  	[timem:s3], [sflag:s2] =	dma.local @!p0 [hbm:s0], s1  }
0x35: {  	s0 =	simm.s32 @!p0 $0x1  }
0x36: {  	_ =	swait.ge @!p0 [sflag:s0], s1  }
0x37: {  	s1 =	ssub.s32 @!p0 $0x0, s1;
	[sflag:s0] =	ssyncset.done @!p0 $0x0  }
0x38: {  	[sflag:s0] =	ssyncadd.s32 @!p0 s1  }
0x39: {  	[bflag:$0x3] =	sbarrier.arrive $0xFFFF  }
0x3a: {  	_ =	shalt  }

// kernel: kernel.16.cloned.1.call-start
scs
__scs_entry_jumppad:
0x0: {  	(pc) =	sbr.rel $0x88, $3  }
0x1: {  	(tag) =	ssettag $0x0;
	lr =	simm.s32 $0x1  }
0x2: {  	[smem:$0x3F7D] =	sst lr;
	_ =	strace $0xD0000000  }
0x3: {  	_ = 	snop  }
0x4: {  	_ = 	snop  }
0x5: {  	_ = 	snop  }
0x6: {  	_ = 	snop  }
0x7: {  	_ = 	snop  }
__scs_overlays_trampoline_lowered:
0x8: {  	[smem:$0x3F8C] =	sst s0  }
0x9: {  	[smem:$0x3F8D] =	sst s1  }
0xa: {  	[smem:$0x3F8E] =	sst s2  }
0xb: {  	[smem:$0x3F8F] =	sst s3  }
0xc: {  	[smem:$0x3F90] =	sst s4  }
0xd: {  	[smem:$0x3F91] =	sst s5  }
0xe: {  	[smem:$0x3F92] =	sst s6  }
0xf: {  	[smem:$0x3F93] =	sst s7  }
0x10: {  	[smem:$0x3F94] =	sst s8  }
0x11: {  	[smem:$0x3F95] =	sst s9;
	s0 =	simm.s32 @!p0 $0x0  }
0x12: {  	s1 =	sld [smem:$0x3F7B];
	s0 =	simm.s32 @p0 $0x1  }
0x13: {  	[smem:$0x3F96] =	sst s0;
	s0 =	simm.s32 @!p1 $0x0  }
0x14: {  	s2 =	sld [smem:$0x3F7A];
	s0 =	simm.s32 @p1 $0x1  }
0x15: {  	[smem:$0x3F97] =	sst s0;
	s0 =	simm.s32 @!p2 $0x0  }
0x16: {  	s3 =	sld [smem:$0x3FDB];
	s0 =	simm.s32 @p2 $0x1  }
0x17: {  	s4 =	simm.s32 $0x1BF5;
	[smem:$0x3F99] =	sst s0  }
0x18: {  	s0 =	sld [smem:$0x3F7C];
	_ =	swait.ge [sflag:s4], $0x0  }
0x19: {  	s7 =	sld [smem:$0x3F7D]  }
0x1a: {  	s8 =	sadd.s32 $0xFFFFE003, lr  }
0x1b: {  	s9 =	sadd.s32 $0xFFFFFEF7, lr;
	s5 =	simm.s32 $0xFFFFFFFF;
	p2 =	slt.u32 s8, $0xFFFFF086  }
0x1c: {  	p1 =	slt.u32 s9, $0xF7A;
	s5 =	simm.s32 @!p2 $0x0  }
0x1d: {  	s5 =	simm.s32 @p1 $0x1;
	p0 =	seq.s32 s7, s2  }
0x1e: {  	s7 =	smul.u32 @!p0 $0xF7A, s2;
	p2 =	seq.s32 @!p0 s5, $0x0  }
0x1f: {  	s9 =	smul.u32 $0xF7A, s1;
	s8 =	simm.s32 @!p0 $0x1BF5;
	p2 =	por !p2, p0  }
0x20: {  	[sflag:s8] =	ssyncset.s32 @!p0 $0xFFFFF086;
	s6 =	sadd.s32 @!p0 s3, s7;
	s7 =	simm.s32 @!p0 $0x108  }
0x21: {  	s3 =	sadd.s32 s3, s9;
	s6 =	sadd.s32 @!p0 $0x88, s6;
	s7 =	simm.s32 @p2 $0x1082  }
0x22: {  	[simem:s7], [sflag:s8] =	dma.local @!p0 [hbm:s6], $0xF7A  }
0x23: {  	s9 =	sor.u32 $0xD0000000, s2;
	s6 =	simm.s32 $0x108;
	_ =	swait.ge @!p0 [sflag:s8], $0x0  }
0x24: {  	s3 =	sadd.s32 $0x88, s3;
	s6 =	simm.s32 @!p1 $0x1082;
	[sflag:s4] =	ssyncset.s32 $0xFFFFF086  }
0x25: {  	[simem:s6], [sflag:s4] =	dma.local [hbm:s3], $0xF7A  }
0x26: {  	[smem:$0x3F7D] =	sst s1;
	(tag) =	ssettag s2;
	_ =	strace s9  }
0x27: {  	s1 =	sld [smem:$0x3F8D]  }
0x28: {  	s2 =	sld [smem:$0x3F8E]  }
0x29: {  	s4 =	sld [smem:$0x3F90]  }
0x2a: {  	p0 =	seq.s32 s5, $0x0;
	s5 =	sld [smem:$0x3F91]  }
0x2b: {  	s6 =	sld [smem:$0x3F92]  }
0x2c: {  	s7 =	sld [smem:$0x3F93]  }
0x2d: {  	s3 =	simm.s32 $0x108;
	s8 =	sld [smem:$0x3F94]  }
0x2e: {  	s3 =	simm.s32 @!p0 $0x1082;
	s9 =	sld [smem:$0x3F95]  }
0x2f: {  	lr =	sadd.s32 s0, s3;
	s0 =	sld [smem:$0x3F8C]  }
0x30: {  	s3 =	sld [smem:$0x3F8F]  }
0x31: {  	[smem:$0x3F98] =	sst s10  }
0x32: {  	s10 =	sld [smem:$0x3F96];
	_ =	sdelay $0x3  }
0x33: {  	p0 =	seq.s32 s10, $0x1;
	s10 =	sld [smem:$0x3F98];
	_ =	sdelay $0x3  }
0x34: {  	[smem:$0x3F98] =	sst s10  }
0x35: {  	s10 =	sld [smem:$0x3F97];
	_ =	sdelay $0x3  }
0x36: {  	p1 =	seq.s32 s10, $0x1;
	s10 =	sld [smem:$0x3F98];
	_ =	sdelay $0x3  }
0x37: {  	[smem:$0x3F98] =	sst s10  }
0x38: {  	s10 =	sld [smem:$0x3F99]  }
0x39: {  	_ = 	snop;
	(pc) =	sbr.ind lr, $3  }
0x3a: {  	_ = 	snop  }
0x3b: {  	_ = 	snop  }
0x3c: {  	p2 =	seq.s32 s10, $0x1;
	s10 =	sld [smem:$0x3F98]  }
0x3d: {  	_ =	shalt  }
0x3e: {  	_ =	shalt  }
0x3f: {  	_ =	shalt  }
0x40: {  	_ =	shalt  }
0x41: {  	_ =	shalt  }
0x42: {  	_ =	shalt  }
0x43: {  	_ =	shalt  }
0x44: {  	_ =	shalt  }
0x45: {  	_ =	shalt  }
0x46: {  	_ =	shalt  }
0x47: {  	_ =	shalt  }
0x48: {  	_ =	shalt  }
0x49: {  	_ =	shalt  }
0x4a: {  	_ =	shalt  }
0x4b: {  	_ =	shalt  }
0x4c: {  	_ =	shalt  }
0x4d: {  	_ =	shalt  }
0x4e: {  	_ =	shalt  }
0x4f: {  	_ =	shalt  }
0x50: {  	_ =	shalt  }
0x51: {  	_ =	shalt  }
0x52: {  	_ =	shalt  }
0x53: {  	_ =	shalt  }
0x54: {  	_ =	shalt  }
0x55: {  	_ =	shalt  }
0x56: {  	_ =	shalt  }
0x57: {  	_ =	shalt  }
0x58: {  	_ =	shalt  }
0x59: {  	_ =	shalt  }
0x5a: {  	_ =	shalt  }
0x5b: {  	_ =	shalt  }
0x5c: {  	_ =	shalt  }
0x5d: {  	_ =	shalt  }
0x5e: {  	_ =	shalt  }
0x5f: {  	_ =	shalt  }
0x60: {  	_ =	shalt  }
0x61: {  	_ =	shalt  }
0x62: {  	_ =	shalt  }
0x63: {  	_ =	shalt  }
0x64: {  	_ =	shalt  }
0x65: {  	_ =	shalt  }
0x66: {  	_ =	shalt  }
0x67: {  	_ =	shalt  }
0x68: {  	_ =	shalt  }
0x69: {  	_ =	shalt  }
0x6a: {  	_ =	shalt  }
0x6b: {  	_ =	shalt  }
0x6c: {  	_ =	shalt  }
0x6d: {  	_ =	shalt  }
0x6e: {  	_ =	shalt  }
0x6f: {  	_ =	shalt  }
0x70: {  	_ =	shalt  }
0x71: {  	_ =	shalt  }
0x72: {  	_ =	shalt  }
0x73: {  	_ =	shalt  }
0x74: {  	_ =	shalt  }
0x75: {  	_ =	shalt  }
0x76: {  	_ =	shalt  }
0x77: {  	_ =	shalt  }
0x78: {  	_ =	shalt  }
0x79: {  	_ =	shalt  }
0x7a: {  	_ =	shalt  }
0x7b: {  	_ =	shalt  }
0x7c: {  	_ =	shalt  }
0x7d: {  	_ =	shalt  }
0x7e: {  	_ =	shalt  }
0x7f: {  	_ =	shalt  }
0x80: {  	_ =	shalt  }
0x81: {  	_ =	shalt  }
0x82: {  	_ =	shalt  }
0x83: {  	_ =	shalt  }
0x84: {  	_ =	shalt  }
0x85: {  	_ =	shalt  }
0x86: {  	_ =	shalt  }
0x87: {  	_ =	shalt  }
.Lfunc_end0:
.L_simem_size_0:
called_computation.2_lowered:
.L_overlay_start_0:
0x88: {  	s2 =	sld [smem:$0x3FD9]  }
0x89: {  	s3 =	sld [smem:$0x3FFE];
	_ =	sdelay $0x1  }
0x8a: {  	s1 =	srdreg.scid  }
0x8b: {  	s0 =	sand.u32 $0x1, s1  }
0x8c: {  	s16 =	sshll.u32 s0, $0xA;
	s2 =	sadd.s32 s3, s2  }
0x8d: {  	s2 =	sadd.s32 s2, s16  }
0x8e: {  	[smem:$0x3FA4] =	sst s2  }
0x8f: {  	_ = 	snop  }
0x90: {  	(tm) =	ssettm $0x1  }
0x91: {  	s17 =	sld [smem:$0x3FFB];
	_ =	sdelay $0x3  }
0x92: {  	_ =	strace s17  }
0x93: {  	s2 =	sld [smem:$0x3FFC];
	_ =	sdelay $0x3  }
0x94: {  	_ =	strace s2  }
0x95: {  	s2 =	sld [smem:$0x3FFD];
	_ =	sdelay $0x3  }
0x96: {  	_ =	strace s2  }
0x97: {  	_ =	strace $0x8FFFFFFF  }
0x98: {  	s18 =	sld [smem:$0x3FDB];
	_ =	sdelay $0x1  }
0x99: {  	s19 =	simm.s32 $_scs_section_size  }
0x9a: {  	s4 =	simm.s32 $_size__tile_overlayer_lowered;
	s5 =	simm.s32 $_tile_overlayer_lowered  }
0x9b: {  	s22 =	simm.s32 $0x1BFF;
	s21 =	sshll.u32 s5, $0x1;
	s2 =	sadd.s32 s19, s18  }
0x9c: {  	s6 =	simm.s32 $0x0;
	s20 =	sshll.u32 s4, $0x1;
	s4 =	sadd.s32 s21, s2  }
0x9d: {  	[timem:s6], [sflag:s22] =	dma.local [hbm:s4], s20  }
0x9e: {  	_ =	swait.ge [sflag:s22], s20  }
0x9f: {  	s3 =	ssub.s32 $0x0, s20;
	[sflag:s22] =	ssyncset.done $0x0  }
0xa0: {  	[sflag:s22] =	ssyncadd.s32 s3;
	_ =	sdelay $0x1  }
0xa1: {  	s23 =	simm.s32 $0x1B8B  }
0xa2: {  	_ =	swait.ge [sflag:s23], $0x1  }
0xa3: {  	[sflag:s23] =	ssyncset.done $0x0  }
0xa4: {  	s25 =	simm.s32 $0x1B8E;
	s24 =	sld [smem:$0x3FFE];
	[sflag:s23] =	ssyncadd.s32 $0xFFFFFFFF  }
0xa5: {  	s26 =	simm.s32 $execute0_lowered;
	[smem:$0x3FD2] =	sst s25  }
0xa6: {  	s4 =	sshll.u32 s26, $0x1;
	_ =	strace $0x80000049;
	[dreg:$0x1] =	wrdreg $0xFFFFFFFF  }
0xa7: {  	s28 =	simm.s32 $_size_execute0_lowered;
	s2 =	sadd.s32 s2, s4;
	[dreg:$0x0] =	wrdreg $0x0  }
0xa8: {  	s4 =	sshll.u32 s28, $0x1;
	[dreg:$0x2] =	wrdreg s2  }
0xa9: {  	[dreg:$0x3] =	wrdreg s4  }
0xaa: {  	[dreg:$0x4] =	wrdreg $0xC0  }
0xab: {  	_ =	task [dreg:s6], $0x5FFFF  }
0xac: {  	[dreg:$0x1] =	wrdreg $0xFFFFFFFF  }
0xad: {  	[dreg:$0x0] =	wrdreg $0x60  }
0xae: {  	[dreg:$0x2] =	wrdreg s24  }
0xaf: {  	[dreg:$0x3] =	wrdreg $0x10B800  }
0xb0: {  	[dreg:$0x4] =	wrdreg $0x9  }
0xb1: {  	_ =	task.clear_ibuf [dreg:s6], $0x5FFFF;
	_ =	strace $0x90000049  }
0xb2: {  	s29 =	simm.s32 $0x9;
	_ =	strace $0x8000004B  }
0xb3: {  	_ =	swait.ge [sflag:s29], $0x1  }
0xb4: {  	[sflag:s29] =	ssyncadd.s32 $0xFFFFFFFF  }
0xb5: {  	_ =	strace $0x9000004B  }
0xb6: {  	_ =	sfence  }
0xb7: {  	s30 =	sld [smem:$0x0];
	_ =	sdelay $0x2  }
0xb8: {  	s31 =	sshll.u32 s1, $0xD;
	s1 =	sshrl.u32 s1, $0x2  }
0xb9: {  	s3 =	sand.u32 $0x4000, s31;
	s1 =	sadd.s32 s1, s30  }
0xba: {  	s0 =	sor.u32 s3, s0;
	s1 =	sshll.u32 s1, $0x11  }
0xbb: {  	s0 =	sor.u32 s1, s0  }
0xbc: {  	s0 =	sadd.s32 $0x8F2B, s0  }
0xbd: {  	[sflag:s0] =	ssyncadd.remote.s32 $0x1  }
0xbe: {  	_ =	sfence.sel $0xFFFF  }
0xbf: {  	[dreg:$0x0] =	wrdreg $0xFFFFFFFF;
	(pc) =	sbr.abs _section_cstart, $3  }
0xc0: {  	[dreg:$0x1] =	wrdreg $0xFFFFFFFF  }
0xc1: {  	_ =	task.clear_ibuf [dreg:s6], $0x2FFFF;
	_ =	strace $0x9FFFFFFF  }
0xc2: {  	(tm) =	ssettm $0x7FFFFFFF  }
0xc3: {  	_ =	shalt  }
tec
execute0_lowered:
.L_overlay_start_1:
0x0: {  	(tag) =	ssettag $0x1  }
0x1: {  	s8 =	rddreg [dreg:$0x0];
	s0 =	srdreg.scid  }
0x2: {  	s2 =	rddreg [dreg:$0x1];
	s6 =	sand.u32 $0x1, s0;
	s0 =	stileid.u32  }
0x3: {  	s1 =	rddreg [dreg:$0x2];
	s19 =	simm.s32 $0x1;
	s11 =	smul.u32 $0x9D0, s0  }
0x4: {  	s20 =	simm.s32 $0x0;
	s12 =	sadd.s32 $0x31E00, s8;
	s13 =	smul.u32 $0x280, s0  }
0x5: {  	s16 =	sadd.s32 $0x149200, s8;
	s3 =	sshll.u32 s6, $0x4;
	s15 =	smul.u32 $0x28000, s0  }
0x6: {  	s7 =	sor.u32 $0x2, s6;
	s14 =	ssub.s32 $0x2, s6;
	s18 =	smul.u32 $0x2800, s6  }
0x7: {  	s31 =	sshll.u32 s0, $0x6;
	s4 =	sor.u32 s0, s3;
	s5 =	sshll.u32 s7, $0x4  }
0x8: {  	s3 =	simm.s32 $0x0;
	s17 =	sshrl.u32 s14, $0x1;
	s24 =	smul.u32 $0x2800, s7  }
0x9: {  	s9 =	smul.u32 $0x9D0, s4;
	s23 =	sor.u32 s0, s5;
	[smem:$0x7FF] =	sst s3  }
0xa: {  	s4 =	sadd.s32 $0xF9200, s8;
	s5 =	sadd.s32 $0x13C00, s8;
	s14 =	ssub.s32 s14, s17  }
0xb: {  	s8 =	sadd.s32 s8, s11;
	s25 =	sadd.s32 s13, s18;
	s26 =	sshrl.u32 s15, $0x2  }
0xc: {  	s15 =	sor.u32 $0x1C02, s31;
	s17 =	simm.s32 $0x80;
	s18 =	simm.s32 $0xEB80  }
0xd: {  	s10 =	smul.u32 $0x9D0, s23;
	_ =	strace $0x8000004A;
	s28 =	sadd.s32 s13, s24  }
0xe: {  	s29 =	sadd.s32 s26, s2;
	s11 =	smax.u32 s14, $0x1;
	s13 =	simm.s32 $0x4E80  }
0xf: {  	s14 =	simm.s32 $0x9D00;
	s6 =	sadd.s32 s12, s9;
	s30 =	sshll.u32 s28, $0x3  }
0x10: {  	s7 =	sadd.s32 s12, s10;
	s10 =	sshll.u32 s25, $0x3;
	s12 =	simm.s32 $0x2  }
0x11: {  	s9 =	sadd.s32 s16, s10;
	s10 =	sadd.s32 s16, s30;
	s16 =	sshrl.u32 s29, $0x3  }
.LBB2_1:
0x12: {  	[tilespmem:s3], [sflag:$0x2] =	stream.linear.gather [hbm4b:s6+s3], $0x4E80, $0x38;
	[tilespmem:$0x1AB80] =	vst v63  }
0x13: {  	_ =	swait.ge [sflag:s12], $0x4E80  }
0x14: {  	[sflag:s12] =	ssyncset.done $0x0  }
0x15: {  	[sflag:s12] =	ssyncadd.s32 $0xFFFFB180  }
0x16: {  	[tilespmem:s13], [sflag:$0x2] =	stream.linear.gather [hbm4b:s7+s3], $0x4E80, $0x38;
	[tilespmem:$0x1AB80] =	vst v63  }
0x17: {  	_ =	swait.ge [sflag:s12], $0x4E80  }
0x18: {  	[sflag:s12] =	ssyncset.done $0x0  }
0x19: {  	[sflag:s12] =	ssyncadd.s32 $0xFFFFB180  }
0x1a: {  	[tilespmem:s14], [sflag:$0x2] =	stream.linear.gather [hbm4b:s8+s3], $0x4E80, $0x38;
	[tilespmem:$0x1AB80] =	vst v63  }
0x1b: {  	_ =	swait.ge [sflag:s12], $0x4E80  }
0x1c: {  	[sflag:s12] =	ssyncset.done $0x0  }
0x1d: {  	[sflag:s12] =	ssyncadd.s32 $0xFFFFB180  }
0x1e: {  	[spmem:s16], [sflag:s15] =	dma.local [hbm:s5], $0x1400  }
0x1f: {  	_ =	swait.ge [sflag:s12], $0x1400  }
0x20: {  	[sflag:s12] =	ssyncset.done $0x0  }
0x21: {  	[sflag:s12] =	ssyncadd.s32 $0xFFFFEC00  }
0x22: {  	s21 =	simm.s32 $0x0;
	[bflag:$0x0] =	sbarrier.arrive $0xFFFF  }
0x23: {  	[tilespmem:s18], [sflag:$0x1] =	stream.indirect.gather [hbm4b:s4+s17], $0x40, s21, s17, $0xb8;
	[tilespmem:$0x1AB80] =	vst v63  }
0x24: {  	_ =	swait.ge [sflag:s19], $0x2000  }
0x25: {  	[sflag:s19] =	ssyncset.done $0x0  }
0x26: {  	s31 =	simm.s32 $0x9D00;
	[sflag:s19] =	ssyncadd.s32 $0xFFFFE000  }
0x27: {  	[spmem:s2] =	stream.indirect.scatter.add.f32 [tilespmem:s18], [sflag:$0x2], $0x40, s31, s17, $0xb8;
	[tilespmem:$0x1AB80] =	vst v63  }
0x28: {  	_ =	swait.ge [sflag:s12], $0x2000  }
0x29: {  	s22 =	simm.s32 $0x400;
	s21 =	simm.s32 $0x200;
	[sflag:s12] =	ssyncset.done $0x0  }
.LBB2_2:
0x2a: {  	s23 =	sshra.s32 s21, $0x2  }
0x2b: {  	[sflag:s12] =	ssyncadd.s32 $0xFFFFE000;
	s21 =	smov.u32 s22;
	s24 =	sadd.s32 $0x200, s22  }
0x2c: {  	[tilespmem:s18], [sflag:$0x1] =	stream.indirect.gather [hbm4b:s4+s17], $0x40, s23, s17, $0xb8;
	[tilespmem:$0x1AB80] =	vst v63  }
0x2d: {  	p0 =	sne.s32 s22, $0x13800;
	_ =	swait.ge [sflag:s19], $0x2000  }
.Ltmp0:
0x2e: {  	[sflag:s19] =	ssyncset.done $0x0;
	(pc) =	sbr.rel @p0 .LBB2_2-.Ltmp0, $4  }
0x2f: {  	s22 =	sadd.s32 $0x9D00, s23;
	[sflag:s19] =	ssyncadd.s32 $0xFFFFE000  }
0x30: {  	[spmem:s2] =	stream.indirect.scatter.add.f32 [tilespmem:s18], [sflag:$0x2], $0x40, s22, s17, $0xb8;
	[tilespmem:$0x1AB80] =	vst v63  }
0x31: {  	_ =	swait.ge [sflag:s12], $0x2000  }
0x32: {  	s22 =	smov.u32 s24;
	[sflag:s12] =	ssyncset.done $0x0  }
0x33: {  	s21 =	sshra.s32 s21, $0x2;
	[sflag:s12] =	ssyncadd.s32 $0xFFFFE000  }
0x34: {  	[tilespmem:s18], [sflag:$0x1] =	stream.indirect.gather [hbm4b:s4+s17], $0x40, s21, s17, $0xb8;
	[tilespmem:$0x1AB80] =	vst v63  }
0x35: {  	_ =	swait.ge [sflag:s19], $0x2000  }
0x36: {  	[sflag:s19] =	ssyncset.done $0x0  }
0x37: {  	s21 =	sadd.s32 $0x9D00, s21;
	[sflag:s19] =	ssyncadd.s32 $0xFFFFE000  }
0x38: {  	[spmem:s2] =	stream.indirect.scatter.add.f32 [tilespmem:s18], [sflag:$0x2], $0x40, s21, s17, $0xb8;
	[tilespmem:$0x1AB80] =	vst v63  }
0x39: {  	_ =	swait.ge [sflag:s12], $0x2000  }
0x3a: {  	[sflag:s12] =	ssyncset.done $0x0  }
0x3b: {  	[sflag:s12] =	ssyncadd.s32 $0xFFFFE000  }
0x3c: {  	[bflag:$0x0] =	sbarrier.arrive $0xFFFF  }
0x3d: {  	[hbm:s9], [sflag:s15] =	dma.local [spmem:s16], $0x1400  }
0x3e: {  	_ =	swait.ge [sflag:s12], $0x1400  }
0x3f: {  	[sflag:s12] =	ssyncset.done $0x0  }
0x40: {  	[sflag:s12] =	ssyncadd.s32 $0xFFFFEC00  }
0x41: {  	[spmem:s16], [sflag:s15] =	dma.local [hbm:s5], $0x1400  }
0x42: {  	_ =	swait.ge [sflag:s12], $0x1400  }
0x43: {  	[sflag:s12] =	ssyncset.done $0x0  }
0x44: {  	[sflag:s12] =	ssyncadd.s32 $0xFFFFEC00  }
0x45: {  	s30 =	simm.s32 $0x4E80;
	[bflag:$0x0] =	sbarrier.arrive $0xFFFF  }
0x46: {  	[tilespmem:s18], [sflag:$0x1] =	stream.indirect.gather [hbm4b:s4+s17], $0x40, s30, s17, $0xb8;
	[tilespmem:$0x1AB80] =	vst v63  }
0x47: {  	_ =	swait.ge [sflag:s19], $0x2000  }
0x48: {  	[sflag:s19] =	ssyncset.done $0x0  }
0x49: {  	s31 =	simm.s32 $0x9D00;
	[sflag:s19] =	ssyncadd.s32 $0xFFFFE000  }
0x4a: {  	[spmem:s2] =	stream.indirect.scatter.add.f32 [tilespmem:s18], [sflag:$0x2], $0x40, s31, s17, $0xb8;
	[tilespmem:$0x1AB80] =	vst v63  }
0x4b: {  	_ =	swait.ge [sflag:s12], $0x2000  }
0x4c: {  	s22 =	simm.s32 $0x400;
	s21 =	simm.s32 $0x80;
	[sflag:s12] =	ssyncset.done $0x0  }
.LBB2_4:
0x4d: {  	s23 =	sadd.s32 $0x4E80, s21  }
0x4e: {  	[sflag:s12] =	ssyncadd.s32 $0xFFFFE000;
	s24 =	smov.u32 s22;
	s25 =	sadd.s32 $0x200, s22  }
0x4f: {  	[tilespmem:s18], [sflag:$0x1] =	stream.indirect.gather [hbm4b:s4+s17], $0x40, s23, s17, $0xb8;
	[tilespmem:$0x1AB80] =	vst v63  }
0x50: {  	p0 =	sne.s32 s22, $0x13800;
	_ =	swait.ge [sflag:s19], $0x2000  }
.Ltmp1:
0x51: {  	[sflag:s19] =	ssyncset.done $0x0;
	(pc) =	sbr.rel @p0 .LBB2_4-.Ltmp1, $4  }
0x52: {  	s21 =	sadd.s32 $0x9D00, s21;
	[sflag:s19] =	ssyncadd.s32 $0xFFFFE000  }
0x53: {  	[spmem:s2] =	stream.indirect.scatter.add.f32 [tilespmem:s18], [sflag:$0x2], $0x40, s21, s17, $0xb8;
	[tilespmem:$0x1AB80] =	vst v63  }
0x54: {  	_ =	swait.ge [sflag:s12], $0x2000  }
0x55: {  	s22 =	smov.u32 s25;
	s21 =	sshra.s32 s24, $0x2;
	[sflag:s12] =	ssyncset.done $0x0  }
0x56: {  	s22 =	sadd.s32 $0x4E80, s21;
	[sflag:s12] =	ssyncadd.s32 $0xFFFFE000  }
0x57: {  	[tilespmem:s18], [sflag:$0x1] =	stream.indirect.gather [hbm4b:s4+s17], $0x40, s22, s17, $0xb8;
	[tilespmem:$0x1AB80] =	vst v63  }
0x58: {  	_ =	swait.ge [sflag:s19], $0x2000  }
0x59: {  	[sflag:s19] =	ssyncset.done $0x0  }
0x5a: {  	s31 =	sadd.s32 $0x9D00, s21;
	[sflag:s19] =	ssyncadd.s32 $0xFFFFE000  }
0x5b: {  	[spmem:s2] =	stream.indirect.scatter.add.f32 [tilespmem:s18], [sflag:$0x2], $0x40, s31, s17, $0xb8;
	[tilespmem:$0x1AB80] =	vst v63  }
0x5c: {  	_ =	swait.ge [sflag:s12], $0x2000  }
0x5d: {  	s20 =	sadd.s32 $0x1, s20;
	[sflag:s12] =	ssyncset.done $0x0  }
0x5e: {  	p0 =	sne.s32 s20, s11;
	[sflag:s12] =	ssyncadd.s32 $0xFFFFE000  }
.Ltmp2:
0x5f: {  	[bflag:$0x0] =	sbarrier.arrive $0xFFFF;
	(pc) =	sbr.rel @p0 .LBB2_1-.Ltmp2, $4  }
0x60: {  	[hbm:s10], [sflag:s15] =	dma.local [spmem:s16], $0x1400  }
0x61: {  	_ =	swait.ge [sflag:s12], $0x1400  }
0x62: {  	[sflag:s12] =	ssyncset.done $0x0  }
0x63: {  	[sflag:s12] =	ssyncadd.s32 $0xFFFFEC00  }
0x64: {  	_ =	sfence.sel $0x180000  }
0x65: {  	[bflag:$0x0] =	sbarrier.arrive $0xFFFF  }
0x66: {  	p0 =	sne.s32 s0, $0x0;
	_ =	strace $0x9000004A  }
0x67: {  	s0 =	sadd.s32 @!p0 $0x100000, s1;
	[bflag:$0x2] =	sbarrier.arrive $0xFFFF  }
0x68: {  	[sflag:s0] =	ssyncadd.tile.s32 @!p0 $0x1;
	_ =	shalt  }
.Lfunc_end2:
_tile_overlayer_lowered:
.L_overlay_start_2:
0x69: {  	(tag) =	ssettag $0x2  }
0x6a: {  	s0 =	rddreg [dreg:$0x0];
	s2 =	stileid.u32  }
0x6b: {  	s1 =	rddreg [dreg:$0x1];
	p0 =	sne.s32 s2, $0x0  }
0x6c: {  	s3 =	rddreg [dreg:$0x2];
	[bflag:$0x3] =	sbarrier.arrive $0xFFFF;
	s2 =	simm.s32 @!p0 $0x1C02  }
0x6d: {  	[timem:s3], [sflag:s2] =	dma.local @!p0 [hbm:s0], s1  }
0x6e: {  	s0 =	simm.s32 @!p0 $0x2  }
0x6f: {  	_ =	swait.ge @!p0 [sflag:s0], s1  }
0x70: {  	s1 =	ssub.s32 @!p0 $0x0, s1;
	[sflag:s0] =	ssyncset.done @!p0 $0x0  }
0x71: {  	[sflag:s0] =	ssyncadd.s32 @!p0 s1  }
0x72: {  	[bflag:$0x3] =	sbarrier.arrive $0xFFFF  }
0x73: {  	_ =	shalt  }

// kernel: kernel.19.cloned.1.call-start
scs
__scs_entry_jumppad:
0x0: {  	(pc) =	sbr.rel $0x88, $3  }
0x1: {  	(tag) =	ssettag $0x0;
	lr =	simm.s32 $0x1  }
0x2: {  	[smem:$0x3F7D] =	sst lr;
	_ =	strace $0xD0000000  }
0x3: {  	_ = 	snop  }
0x4: {  	_ = 	snop  }
0x5: {  	_ = 	snop  }
0x6: {  	_ = 	snop  }
0x7: {  	_ = 	snop  }
__scs_overlays_trampoline_lowered:
0x8: {  	[smem:$0x3F8C] =	sst s0  }
0x9: {  	[smem:$0x3F8D] =	sst s1  }
0xa: {  	[smem:$0x3F8E] =	sst s2  }
0xb: {  	[smem:$0x3F8F] =	sst s3  }
0xc: {  	[smem:$0x3F90] =	sst s4  }
0xd: {  	[smem:$0x3F91] =	sst s5  }
0xe: {  	[smem:$0x3F92] =	sst s6  }
0xf: {  	[smem:$0x3F93] =	sst s7  }
0x10: {  	[smem:$0x3F94] =	sst s8  }
0x11: {  	[smem:$0x3F95] =	sst s9;
	s0 =	simm.s32 @!p0 $0x0  }
0x12: {  	s1 =	sld [smem:$0x3F7B];
	s0 =	simm.s32 @p0 $0x1  }
0x13: {  	[smem:$0x3F96] =	sst s0;
	s0 =	simm.s32 @!p1 $0x0  }
0x14: {  	s2 =	sld [smem:$0x3F7A];
	s0 =	simm.s32 @p1 $0x1  }
0x15: {  	[smem:$0x3F97] =	sst s0;
	s0 =	simm.s32 @!p2 $0x0  }
0x16: {  	s3 =	sld [smem:$0x3FDB];
	s0 =	simm.s32 @p2 $0x1  }
0x17: {  	s4 =	simm.s32 $0x1BF5;
	[smem:$0x3F99] =	sst s0  }
0x18: {  	s0 =	sld [smem:$0x3F7C];
	_ =	swait.ge [sflag:s4], $0x0  }
0x19: {  	s7 =	sld [smem:$0x3F7D]  }
0x1a: {  	s8 =	sadd.s32 $0xFFFFE003, lr  }
0x1b: {  	s9 =	sadd.s32 $0xFFFFFEF7, lr;
	s5 =	simm.s32 $0xFFFFFFFF;
	p2 =	slt.u32 s8, $0xFFFFF086  }
0x1c: {  	p1 =	slt.u32 s9, $0xF7A;
	s5 =	simm.s32 @!p2 $0x0  }
0x1d: {  	s5 =	simm.s32 @p1 $0x1;
	p0 =	seq.s32 s7, s2  }
0x1e: {  	s7 =	smul.u32 @!p0 $0xF7A, s2;
	p2 =	seq.s32 @!p0 s5, $0x0  }
0x1f: {  	s9 =	smul.u32 $0xF7A, s1;
	s8 =	simm.s32 @!p0 $0x1BF5;
	p2 =	por !p2, p0  }
0x20: {  	[sflag:s8] =	ssyncset.s32 @!p0 $0xFFFFF086;
	s6 =	sadd.s32 @!p0 s3, s7;
	s7 =	simm.s32 @!p0 $0x108  }
0x21: {  	s3 =	sadd.s32 s3, s9;
	s6 =	sadd.s32 @!p0 $0x88, s6;
	s7 =	simm.s32 @p2 $0x1082  }
0x22: {  	[simem:s7], [sflag:s8] =	dma.local @!p0 [hbm:s6], $0xF7A  }
0x23: {  	s9 =	sor.u32 $0xD0000000, s2;
	s6 =	simm.s32 $0x108;
	_ =	swait.ge @!p0 [sflag:s8], $0x0  }
0x24: {  	s3 =	sadd.s32 $0x88, s3;
	s6 =	simm.s32 @!p1 $0x1082;
	[sflag:s4] =	ssyncset.s32 $0xFFFFF086  }
0x25: {  	[simem:s6], [sflag:s4] =	dma.local [hbm:s3], $0xF7A  }
0x26: {  	[smem:$0x3F7D] =	sst s1;
	(tag) =	ssettag s2;
	_ =	strace s9  }
0x27: {  	s1 =	sld [smem:$0x3F8D]  }
0x28: {  	s2 =	sld [smem:$0x3F8E]  }
0x29: {  	s4 =	sld [smem:$0x3F90]  }
0x2a: {  	p0 =	seq.s32 s5, $0x0;
	s5 =	sld [smem:$0x3F91]  }
0x2b: {  	s6 =	sld [smem:$0x3F92]  }
0x2c: {  	s7 =	sld [smem:$0x3F93]  }
0x2d: {  	s3 =	simm.s32 $0x108;
	s8 =	sld [smem:$0x3F94]  }
0x2e: {  	s3 =	simm.s32 @!p0 $0x1082;
	s9 =	sld [smem:$0x3F95]  }
0x2f: {  	lr =	sadd.s32 s0, s3;
	s0 =	sld [smem:$0x3F8C]  }
0x30: {  	s3 =	sld [smem:$0x3F8F]  }
0x31: {  	[smem:$0x3F98] =	sst s10  }
0x32: {  	s10 =	sld [smem:$0x3F96];
	_ =	sdelay $0x3  }
0x33: {  	p0 =	seq.s32 s10, $0x1;
	s10 =	sld [smem:$0x3F98];
	_ =	sdelay $0x3  }
0x34: {  	[smem:$0x3F98] =	sst s10  }
0x35: {  	s10 =	sld [smem:$0x3F97];
	_ =	sdelay $0x3  }
0x36: {  	p1 =	seq.s32 s10, $0x1;
	s10 =	sld [smem:$0x3F98];
	_ =	sdelay $0x3  }
0x37: {  	[smem:$0x3F98] =	sst s10  }
0x38: {  	s10 =	sld [smem:$0x3F99]  }
0x39: {  	_ = 	snop;
	(pc) =	sbr.ind lr, $3  }
0x3a: {  	_ = 	snop  }
0x3b: {  	_ = 	snop  }
0x3c: {  	p2 =	seq.s32 s10, $0x1;
	s10 =	sld [smem:$0x3F98]  }
0x3d: {  	_ =	shalt  }
0x3e: {  	_ =	shalt  }
0x3f: {  	_ =	shalt  }
0x40: {  	_ =	shalt  }
0x41: {  	_ =	shalt  }
0x42: {  	_ =	shalt  }
0x43: {  	_ =	shalt  }
0x44: {  	_ =	shalt  }
0x45: {  	_ =	shalt  }
0x46: {  	_ =	shalt  }
0x47: {  	_ =	shalt  }
0x48: {  	_ =	shalt  }
0x49: {  	_ =	shalt  }
0x4a: {  	_ =	shalt  }
0x4b: {  	_ =	shalt  }
0x4c: {  	_ =	shalt  }
0x4d: {  	_ =	shalt  }
0x4e: {  	_ =	shalt  }
0x4f: {  	_ =	shalt  }
0x50: {  	_ =	shalt  }
0x51: {  	_ =	shalt  }
0x52: {  	_ =	shalt  }
0x53: {  	_ =	shalt  }
0x54: {  	_ =	shalt  }
0x55: {  	_ =	shalt  }
0x56: {  	_ =	shalt  }
0x57: {  	_ =	shalt  }
0x58: {  	_ =	shalt  }
0x59: {  	_ =	shalt  }
0x5a: {  	_ =	shalt  }
0x5b: {  	_ =	shalt  }
0x5c: {  	_ =	shalt  }
0x5d: {  	_ =	shalt  }
0x5e: {  	_ =	shalt  }
0x5f: {  	_ =	shalt  }
0x60: {  	_ =	shalt  }
0x61: {  	_ =	shalt  }
0x62: {  	_ =	shalt  }
0x63: {  	_ =	shalt  }
0x64: {  	_ =	shalt  }
0x65: {  	_ =	shalt  }
0x66: {  	_ =	shalt  }
0x67: {  	_ =	shalt  }
0x68: {  	_ =	shalt  }
0x69: {  	_ =	shalt  }
0x6a: {  	_ =	shalt  }
0x6b: {  	_ =	shalt  }
0x6c: {  	_ =	shalt  }
0x6d: {  	_ =	shalt  }
0x6e: {  	_ =	shalt  }
0x6f: {  	_ =	shalt  }
0x70: {  	_ =	shalt  }
0x71: {  	_ =	shalt  }
0x72: {  	_ =	shalt  }
0x73: {  	_ =	shalt  }
0x74: {  	_ =	shalt  }
0x75: {  	_ =	shalt  }
0x76: {  	_ =	shalt  }
0x77: {  	_ =	shalt  }
0x78: {  	_ =	shalt  }
0x79: {  	_ =	shalt  }
0x7a: {  	_ =	shalt  }
0x7b: {  	_ =	shalt  }
0x7c: {  	_ =	shalt  }
0x7d: {  	_ =	shalt  }
0x7e: {  	_ =	shalt  }
0x7f: {  	_ =	shalt  }
0x80: {  	_ =	shalt  }
0x81: {  	_ =	shalt  }
0x82: {  	_ =	shalt  }
0x83: {  	_ =	shalt  }
0x84: {  	_ =	shalt  }
0x85: {  	_ =	shalt  }
0x86: {  	_ =	shalt  }
0x87: {  	_ =	shalt  }
.Lfunc_end0:
.L_simem_size_0:
called_computation.3_lowered:
.L_overlay_start_0:
0x88: {  	s2 =	sld [smem:$0x3FD9]  }
0x89: {  	s3 =	sld [smem:$0x3FFE];
	_ =	sdelay $0x1  }
0x8a: {  	s1 =	srdreg.scid  }
0x8b: {  	s0 =	sand.u32 $0x1, s1  }
0x8c: {  	s17 =	sshll.u32 s0, $0xA;
	s2 =	sadd.s32 s3, s2  }
0x8d: {  	s2 =	sadd.s32 s2, s17  }
0x8e: {  	[smem:$0x3FA4] =	sst s2  }
0x8f: {  	_ = 	snop  }
0x90: {  	(tm) =	ssettm $0x1  }
0x91: {  	s18 =	sld [smem:$0x3FFB];
	_ =	sdelay $0x3  }
0x92: {  	_ =	strace s18  }
0x93: {  	s2 =	sld [smem:$0x3FFC];
	_ =	sdelay $0x3  }
0x94: {  	_ =	strace s2  }
0x95: {  	s2 =	sld [smem:$0x3FFD];
	_ =	sdelay $0x3  }
0x96: {  	_ =	strace s2  }
0x97: {  	_ =	strace $0x8FFFFFFF  }
0x98: {  	s19 =	sld [smem:$0x3FDB];
	_ =	sdelay $0x1  }
0x99: {  	s20 =	simm.s32 $_scs_section_size  }
0x9a: {  	s4 =	simm.s32 $_size__tile_overlayer_lowered;
	s5 =	simm.s32 $_tile_overlayer_lowered  }
0x9b: {  	s6 =	simm.s32 $0x1BFF;
	s21 =	sshll.u32 s5, $0x1;
	s3 =	sadd.s32 s20, s19  }
0x9c: {  	s22 =	simm.s32 $0x0;
	s4 =	sshll.u32 s4, $0x1;
	s5 =	sadd.s32 s21, s3  }
0x9d: {  	[timem:s22], [sflag:s6] =	dma.local [hbm:s5], s4  }
0x9e: {  	_ =	swait.ge [sflag:s6], s4  }
0x9f: {  	s4 =	ssub.s32 $0x0, s4;
	[sflag:s6] =	ssyncset.done $0x0  }
0xa0: {  	[sflag:s6] =	ssyncadd.s32 s4;
	_ =	sdelay $0x1  }
0xa1: {  	s23 =	simm.s32 $0x1B8B  }
0xa2: {  	_ =	swait.ge [sflag:s23], $0x1  }
0xa3: {  	[sflag:s23] =	ssyncset.done $0x0  }
0xa4: {  	[sflag:s23] =	ssyncadd.s32 $0xFFFFFFFF  }
0xa5: {  	s4 =	sld [smem:$0x0]  }
0xa6: {  	s5 =	sand.u32 $0xFFFFFFFE, s1  }
0xa7: {  	p0 =	sne.s32 s1, s5  }
0xa8: {  	s5 =	sshll.u32 @p0 s5, $0xE  }
0xa9: {  	s5 =	sadd.s32 @p0 $0x11B8D, s5;
	s6 =	sshll.u32 @p0 s4, $0x11  }
0xaa: {  	s5 =	sor.u32 @p0 s6, s5  }
0xab: {  	[sflag:s5] =	ssyncadd.remote.s32 @p0 $0x1;
	_ =	sdelay $0x1  }
0xac: {  	s5 =	simm.s32 @p0 $0x1B8D  }
0xad: {  	_ =	swait.eq @p0 [sflag:s5], $0x1  }
0xae: {  	[sflag:s5] =	ssyncadd.s32 @p0 $0xFFFFFFFF  }
0xaf: {  	s6 =	sshll.u32 @!p0 s1, $0xE  }
0xb0: {  	s6 =	sor.u32 @!p0 $0x4000, s6;
	s5 =	simm.s32 @!p0 $0x1B8D  }
0xb1: {  	s4 =	sshll.u32 @!p0 s4, $0x11;
	s6 =	sadd.s32 @!p0 $0x11B8D, s6;
	_ =	swait.eq @!p0 [sflag:s5], $0x1  }
0xb2: {  	s4 =	sor.u32 @!p0 s4, s6;
	[sflag:s5] =	ssyncadd.s32 @!p0 $0xFFFFFFFF  }
0xb3: {  	s25 =	simm.s32 $0x1B8E;
	s24 =	sld [smem:$0x3FFE];
	[sflag:s4] =	ssyncadd.remote.s32 @!p0 $0x1  }
0xb4: {  	s26 =	simm.s32 $execute0_lowered;
	[smem:$0x3FD2] =	sst s25  }
0xb5: {  	s5 =	sshll.u32 s26, $0x1;
	_ =	strace $0x8000004F;
	[dreg:$0x1] =	wrdreg $0xFFFFFFFF  }
0xb6: {  	s28 =	simm.s32 $_size_execute0_lowered;
	s3 =	sadd.s32 s3, s5;
	[dreg:$0x0] =	wrdreg $0x0  }
0xb7: {  	s5 =	sshll.u32 s28, $0x1;
	[dreg:$0x2] =	wrdreg s3  }
0xb8: {  	[dreg:$0x3] =	wrdreg s5  }
0xb9: {  	[dreg:$0x4] =	wrdreg $0xC0  }
0xba: {  	_ =	task [dreg:s22], $0x5FFFF  }
0xbb: {  	[dreg:$0x1] =	wrdreg $0xFFFFFFFF  }
0xbc: {  	[dreg:$0x0] =	wrdreg $0x60  }
0xbd: {  	[dreg:$0x2] =	wrdreg s24  }
0xbe: {  	[dreg:$0x3] =	wrdreg $0x10B800  }
0xbf: {  	[dreg:$0x4] =	wrdreg $0x9  }
0xc0: {  	_ =	task.clear_ibuf [dreg:s22], $0x5FFFF;
	_ =	strace $0x9000004F  }
0xc1: {  	s29 =	simm.s32 $0x9;
	_ =	strace $0x80000051  }
0xc2: {  	_ =	swait.ge [sflag:s29], $0x1  }
0xc3: {  	[sflag:s29] =	ssyncadd.s32 $0xFFFFFFFF  }
0xc4: {  	_ =	strace $0x90000051  }
0xc5: {  	_ =	sfence  }
0xc6: {  	s30 =	sld [smem:$0x0];
	_ =	sdelay $0x2  }
0xc7: {  	s31 =	sshll.u32 s1, $0xD;
	s1 =	sshrl.u32 s1, $0x2  }
0xc8: {  	s4 =	sand.u32 $0x4000, s31;
	s1 =	sadd.s32 s1, s30  }
0xc9: {  	s0 =	sor.u32 s4, s0;
	s1 =	sshll.u32 s1, $0x11  }
0xca: {  	s0 =	sor.u32 s1, s0  }
0xcb: {  	s0 =	sadd.s32 $0x8F2B, s0  }
0xcc: {  	[sflag:s0] =	ssyncadd.remote.s32 $0x1  }
0xcd: {  	_ =	sfence.sel $0xFFFF  }
0xce: {  	[dreg:$0x0] =	wrdreg $0xFFFFFFFF;
	(pc) =	sbr.abs _section_cstart, $3  }
0xcf: {  	[dreg:$0x1] =	wrdreg $0xFFFFFFFF  }
0xd0: {  	_ =	task.clear_ibuf [dreg:s22], $0x2FFFF;
	_ =	strace $0x9FFFFFFF  }
0xd1: {  	(tm) =	ssettm $0x7FFFFFFF  }
tec
execute0_lowered:
.L_overlay_start_1:
0x0: {  	(tag) =	ssettag $0x1  }
0x1: {  	s8 =	rddreg [dreg:$0x0];
	s0 =	srdreg.scid  }
0x2: {  	s2 =	rddreg [dreg:$0x1];
	s6 =	sand.u32 $0x1, s0;
	s0 =	stileid.u32  }
0x3: {  	s1 =	rddreg [dreg:$0x2];
	s19 =	simm.s32 $0x1;
	s11 =	smul.u32 $0x9D0, s0  }
0x4: {  	s20 =	simm.s32 $0x0;
	s12 =	sadd.s32 $0x31E00, s8;
	s13 =	smul.u32 $0x280, s0  }
0x5: {  	s16 =	sadd.s32 $0xA9200, s8;
	s3 =	sshll.u32 s6, $0x4;
	s15 =	smul.u32 $0x28000, s0  }
0x6: {  	s7 =	sor.u32 $0x2, s6;
	s14 =	ssub.s32 $0x2, s6;
	s18 =	smul.u32 $0x2800, s6  }
0x7: {  	s31 =	sshll.u32 s0, $0x6;
	s4 =	sor.u32 s0, s3;
	s5 =	sshll.u32 s7, $0x4  }
0x8: {  	s3 =	simm.s32 $0x0;
	s17 =	sshrl.u32 s14, $0x1;
	s24 =	smul.u32 $0x2800, s7  }
0x9: {  	s9 =	smul.u32 $0x9D0, s4;
	s23 =	sor.u32 s0, s5;
	[smem:$0x7FF] =	sst s3  }
0xa: {  	s4 =	sadd.s32 $0x59200, s8;
	s5 =	sadd.s32 $0x13C00, s8;
	s14 =	ssub.s32 s14, s17  }
0xb: {  	s8 =	sadd.s32 s8, s11;
	s25 =	sadd.s32 s13, s18;
	s26 =	sshrl.u32 s15, $0x2  }
0xc: {  	s15 =	sor.u32 $0x1C02, s31;
	s17 =	simm.s32 $0x80;
	s18 =	simm.s32 $0xEB80  }
0xd: {  	s10 =	smul.u32 $0x9D0, s23;
	_ =	strace $0x80000050;
	s28 =	sadd.s32 s13, s24  }
0xe: {  	s29 =	sadd.s32 s26, s2;
	s11 =	smax.u32 s14, $0x1;
	s13 =	simm.s32 $0x4E80  }
0xf: {  	s14 =	simm.s32 $0x9D00;
	s6 =	sadd.s32 s12, s9;
	s30 =	sshll.u32 s28, $0x3  }
0x10: {  	s7 =	sadd.s32 s12, s10;
	s10 =	sshll.u32 s25, $0x3;
	s12 =	simm.s32 $0x2  }
0x11: {  	s9 =	sadd.s32 s16, s10;
	s10 =	sadd.s32 s16, s30;
	s16 =	sshrl.u32 s29, $0x3  }
.LBB2_1:
0x12: {  	[tilespmem:s3], [sflag:$0x2] =	stream.linear.gather [hbm4b:s6+s3], $0x4E80, $0x38;
	[tilespmem:$0x1AB80] =	vst v63  }
0x13: {  	_ =	swait.ge [sflag:s12], $0x4E80  }
0x14: {  	[sflag:s12] =	ssyncset.done $0x0  }
0x15: {  	[sflag:s12] =	ssyncadd.s32 $0xFFFFB180  }
0x16: {  	[tilespmem:s13], [sflag:$0x2] =	stream.linear.gather [hbm4b:s7+s3], $0x4E80, $0x38;
	[tilespmem:$0x1AB80] =	vst v63  }
0x17: {  	_ =	swait.ge [sflag:s12], $0x4E80  }
0x18: {  	[sflag:s12] =	ssyncset.done $0x0  }
0x19: {  	[sflag:s12] =	ssyncadd.s32 $0xFFFFB180  }
0x1a: {  	[tilespmem:s14], [sflag:$0x2] =	stream.linear.gather [hbm4b:s8+s3], $0x4E80, $0x38;
	[tilespmem:$0x1AB80] =	vst v63  }
0x1b: {  	_ =	swait.ge [sflag:s12], $0x4E80  }
0x1c: {  	[sflag:s12] =	ssyncset.done $0x0  }
0x1d: {  	[sflag:s12] =	ssyncadd.s32 $0xFFFFB180  }
0x1e: {  	[spmem:s16], [sflag:s15] =	dma.local [hbm:s5], $0x1400  }
0x1f: {  	_ =	swait.ge [sflag:s12], $0x1400  }
0x20: {  	[sflag:s12] =	ssyncset.done $0x0  }
0x21: {  	[sflag:s12] =	ssyncadd.s32 $0xFFFFEC00  }
0x22: {  	s21 =	simm.s32 $0x0;
	[bflag:$0x0] =	sbarrier.arrive $0xFFFF  }
0x23: {  	[tilespmem:s18], [sflag:$0x1] =	stream.indirect.gather [hbm4b:s4+s17], $0x40, s21, s17, $0xb8;
	[tilespmem:$0x1AB80] =	vst v63  }
0x24: {  	_ =	swait.ge [sflag:s19], $0x2000  }
0x25: {  	[sflag:s19] =	ssyncset.done $0x0  }
0x26: {  	s31 =	simm.s32 $0x9D00;
	[sflag:s19] =	ssyncadd.s32 $0xFFFFE000  }
0x27: {  	[spmem:s2] =	stream.indirect.scatter.add.f32 [tilespmem:s18], [sflag:$0x2], $0x40, s31, s17, $0xb8;
	[tilespmem:$0x1AB80] =	vst v63  }
0x28: {  	_ =	swait.ge [sflag:s12], $0x2000  }
0x29: {  	s22 =	simm.s32 $0x400;
	s21 =	simm.s32 $0x200;
	[sflag:s12] =	ssyncset.done $0x0  }
.LBB2_2:
0x2a: {  	s23 =	sshra.s32 s21, $0x2  }
0x2b: {  	[sflag:s12] =	ssyncadd.s32 $0xFFFFE000;
	s21 =	smov.u32 s22;
	s24 =	sadd.s32 $0x200, s22  }
0x2c: {  	[tilespmem:s18], [sflag:$0x1] =	stream.indirect.gather [hbm4b:s4+s17], $0x40, s23, s17, $0xb8;
	[tilespmem:$0x1AB80] =	vst v63  }
0x2d: {  	p0 =	sne.s32 s22, $0x13800;
	_ =	swait.ge [sflag:s19], $0x2000  }
.Ltmp0:
0x2e: {  	[sflag:s19] =	ssyncset.done $0x0;
	(pc) =	sbr.rel @p0 .LBB2_2-.Ltmp0, $4  }
0x2f: {  	s22 =	sadd.s32 $0x9D00, s23;
	[sflag:s19] =	ssyncadd.s32 $0xFFFFE000  }
0x30: {  	[spmem:s2] =	stream.indirect.scatter.add.f32 [tilespmem:s18], [sflag:$0x2], $0x40, s22, s17, $0xb8;
	[tilespmem:$0x1AB80] =	vst v63  }
0x31: {  	_ =	swait.ge [sflag:s12], $0x2000  }
0x32: {  	s22 =	smov.u32 s24;
	[sflag:s12] =	ssyncset.done $0x0  }
0x33: {  	s21 =	sshra.s32 s21, $0x2;
	[sflag:s12] =	ssyncadd.s32 $0xFFFFE000  }
0x34: {  	[tilespmem:s18], [sflag:$0x1] =	stream.indirect.gather [hbm4b:s4+s17], $0x40, s21, s17, $0xb8;
	[tilespmem:$0x1AB80] =	vst v63  }
0x35: {  	_ =	swait.ge [sflag:s19], $0x2000  }
0x36: {  	[sflag:s19] =	ssyncset.done $0x0  }
0x37: {  	s21 =	sadd.s32 $0x9D00, s21;
	[sflag:s19] =	ssyncadd.s32 $0xFFFFE000  }
0x38: {  	[spmem:s2] =	stream.indirect.scatter.add.f32 [tilespmem:s18], [sflag:$0x2], $0x40, s21, s17, $0xb8;
	[tilespmem:$0x1AB80] =	vst v63  }
0x39: {  	_ =	swait.ge [sflag:s12], $0x2000  }
0x3a: {  	[sflag:s12] =	ssyncset.done $0x0  }
0x3b: {  	[sflag:s12] =	ssyncadd.s32 $0xFFFFE000  }
0x3c: {  	[bflag:$0x0] =	sbarrier.arrive $0xFFFF  }
0x3d: {  	[hbm:s9], [sflag:s15] =	dma.local [spmem:s16], $0x1400  }
0x3e: {  	_ =	swait.ge [sflag:s12], $0x1400  }
0x3f: {  	[sflag:s12] =	ssyncset.done $0x0  }
0x40: {  	[sflag:s12] =	ssyncadd.s32 $0xFFFFEC00  }
0x41: {  	[spmem:s16], [sflag:s15] =	dma.local [hbm:s5], $0x1400  }
0x42: {  	_ =	swait.ge [sflag:s12], $0x1400  }
0x43: {  	[sflag:s12] =	ssyncset.done $0x0  }
0x44: {  	[sflag:s12] =	ssyncadd.s32 $0xFFFFEC00  }
0x45: {  	s30 =	simm.s32 $0x4E80;
	[bflag:$0x0] =	sbarrier.arrive $0xFFFF  }
0x46: {  	[tilespmem:s18], [sflag:$0x1] =	stream.indirect.gather [hbm4b:s4+s17], $0x40, s30, s17, $0xb8;
	[tilespmem:$0x1AB80] =	vst v63  }
0x47: {  	_ =	swait.ge [sflag:s19], $0x2000  }
0x48: {  	[sflag:s19] =	ssyncset.done $0x0  }
0x49: {  	s31 =	simm.s32 $0x9D00;
	[sflag:s19] =	ssyncadd.s32 $0xFFFFE000  }
0x4a: {  	[spmem:s2] =	stream.indirect.scatter.add.f32 [tilespmem:s18], [sflag:$0x2], $0x40, s31, s17, $0xb8;
	[tilespmem:$0x1AB80] =	vst v63  }
0x4b: {  	_ =	swait.ge [sflag:s12], $0x2000  }
0x4c: {  	s22 =	simm.s32 $0x400;
	s21 =	simm.s32 $0x80;
	[sflag:s12] =	ssyncset.done $0x0  }
.LBB2_4:
0x4d: {  	s23 =	sadd.s32 $0x4E80, s21  }
0x4e: {  	[sflag:s12] =	ssyncadd.s32 $0xFFFFE000;
	s24 =	smov.u32 s22;
	s25 =	sadd.s32 $0x200, s22  }
0x4f: {  	[tilespmem:s18], [sflag:$0x1] =	stream.indirect.gather [hbm4b:s4+s17], $0x40, s23, s17, $0xb8;
	[tilespmem:$0x1AB80] =	vst v63  }
0x50: {  	p0 =	sne.s32 s22, $0x13800;
	_ =	swait.ge [sflag:s19], $0x2000  }
.Ltmp1:
0x51: {  	[sflag:s19] =	ssyncset.done $0x0;
	(pc) =	sbr.rel @p0 .LBB2_4-.Ltmp1, $4  }
0x52: {  	s21 =	sadd.s32 $0x9D00, s21;
	[sflag:s19] =	ssyncadd.s32 $0xFFFFE000  }
0x53: {  	[spmem:s2] =	stream.indirect.scatter.add.f32 [tilespmem:s18], [sflag:$0x2], $0x40, s21, s17, $0xb8;
	[tilespmem:$0x1AB80] =	vst v63  }
0x54: {  	_ =	swait.ge [sflag:s12], $0x2000  }
0x55: {  	s22 =	smov.u32 s25;
	s21 =	sshra.s32 s24, $0x2;
	[sflag:s12] =	ssyncset.done $0x0  }
0x56: {  	s22 =	sadd.s32 $0x4E80, s21;
	[sflag:s12] =	ssyncadd.s32 $0xFFFFE000  }
0x57: {  	[tilespmem:s18], [sflag:$0x1] =	stream.indirect.gather [hbm4b:s4+s17], $0x40, s22, s17, $0xb8;
	[tilespmem:$0x1AB80] =	vst v63  }
0x58: {  	_ =	swait.ge [sflag:s19], $0x2000  }
0x59: {  	[sflag:s19] =	ssyncset.done $0x0  }
0x5a: {  	s31 =	sadd.s32 $0x9D00, s21;
	[sflag:s19] =	ssyncadd.s32 $0xFFFFE000  }
0x5b: {  	[spmem:s2] =	stream.indirect.scatter.add.f32 [tilespmem:s18], [sflag:$0x2], $0x40, s31, s17, $0xb8;
	[tilespmem:$0x1AB80] =	vst v63  }
0x5c: {  	_ =	swait.ge [sflag:s12], $0x2000  }
0x5d: {  	s20 =	sadd.s32 $0x1, s20;
	[sflag:s12] =	ssyncset.done $0x0  }
0x5e: {  	p0 =	sne.s32 s20, s11;
	[sflag:s12] =	ssyncadd.s32 $0xFFFFE000  }
.Ltmp2:
0x5f: {  	[bflag:$0x0] =	sbarrier.arrive $0xFFFF;
	(pc) =	sbr.rel @p0 .LBB2_1-.Ltmp2, $4  }
0x60: {  	[hbm:s10], [sflag:s15] =	dma.local [spmem:s16], $0x1400  }
0x61: {  	_ =	swait.ge [sflag:s12], $0x1400  }
0x62: {  	[sflag:s12] =	ssyncset.done $0x0  }
0x63: {  	[sflag:s12] =	ssyncadd.s32 $0xFFFFEC00  }
0x64: {  	_ =	sfence.sel $0x180000  }
0x65: {  	[bflag:$0x0] =	sbarrier.arrive $0xFFFF  }
0x66: {  	p0 =	sne.s32 s0, $0x0;
	_ =	strace $0x90000050  }
0x67: {  	s0 =	sadd.s32 @!p0 $0x100000, s1;
	[bflag:$0x2] =	sbarrier.arrive $0xFFFF  }
0x68: {  	[sflag:s0] =	ssyncadd.tile.s32 @!p0 $0x1;
	_ =	shalt  }
.Lfunc_end2:
_tile_overlayer_lowered:
.L_overlay_start_2:
0x69: {  	(tag) =	ssettag $0x2  }
0x6a: {  	s0 =	rddreg [dreg:$0x0];
	s2 =	stileid.u32  }
0x6b: {  	s1 =	rddreg [dreg:$0x1];
	p0 =	sne.s32 s2, $0x0  }
0x6c: {  	s3 =	rddreg [dreg:$0x2];
	[bflag:$0x3] =	sbarrier.arrive $0xFFFF;
	s2 =	simm.s32 @!p0 $0x1C02  }
0x6d: {  	[timem:s3], [sflag:s2] =	dma.local @!p0 [hbm:s0], s1  }
0x6e: {  	s0 =	simm.s32 @!p0 $0x2  }
0x6f: {  	_ =	swait.ge @!p0 [sflag:s0], s1  }
0x70: {  	s1 =	ssub.s32 @!p0 $0x0, s1;
	[sflag:s0] =	ssyncset.done @!p0 $0x0  }
0x71: {  	[sflag:s0] =	ssyncadd.s32 @!p0 s1  }
0x72: {  	[bflag:$0x3] =	sbarrier.arrive $0xFFFF  }
0x73: {  	_ =	shalt  }

// kernel: kernel.22.cloned.1.call-start
scs
__scs_entry_jumppad:
0x0: {  	(pc) =	sbr.rel $0x88, $3  }
0x1: {  	(tag) =	ssettag $0x0;
	lr =	simm.s32 $0x1  }
0x2: {  	[smem:$0x3F7D] =	sst lr;
	_ =	strace $0xD0000000  }
0x3: {  	_ = 	snop  }
0x4: {  	_ = 	snop  }
0x5: {  	_ = 	snop  }
0x6: {  	_ = 	snop  }
0x7: {  	_ = 	snop  }
__scs_overlays_trampoline_lowered:
0x8: {  	[smem:$0x3F8C] =	sst s0  }
0x9: {  	[smem:$0x3F8D] =	sst s1  }
0xa: {  	[smem:$0x3F8E] =	sst s2  }
0xb: {  	[smem:$0x3F8F] =	sst s3  }
0xc: {  	[smem:$0x3F90] =	sst s4  }
0xd: {  	[smem:$0x3F91] =	sst s5  }
0xe: {  	[smem:$0x3F92] =	sst s6  }
0xf: {  	[smem:$0x3F93] =	sst s7  }
0x10: {  	[smem:$0x3F94] =	sst s8  }
0x11: {  	[smem:$0x3F95] =	sst s9;
	s0 =	simm.s32 @!p0 $0x0  }
0x12: {  	s1 =	sld [smem:$0x3F7B];
	s0 =	simm.s32 @p0 $0x1  }
0x13: {  	[smem:$0x3F96] =	sst s0;
	s0 =	simm.s32 @!p1 $0x0  }
0x14: {  	s2 =	sld [smem:$0x3F7A];
	s0 =	simm.s32 @p1 $0x1  }
0x15: {  	[smem:$0x3F97] =	sst s0;
	s0 =	simm.s32 @!p2 $0x0  }
0x16: {  	s3 =	sld [smem:$0x3FDB];
	s0 =	simm.s32 @p2 $0x1  }
0x17: {  	s4 =	simm.s32 $0x1BF5;
	[smem:$0x3F99] =	sst s0  }
0x18: {  	s0 =	sld [smem:$0x3F7C];
	_ =	swait.ge [sflag:s4], $0x0  }
0x19: {  	s7 =	sld [smem:$0x3F7D]  }
0x1a: {  	s8 =	sadd.s32 $0xFFFFE003, lr  }
0x1b: {  	s9 =	sadd.s32 $0xFFFFFEF7, lr;
	s5 =	simm.s32 $0xFFFFFFFF;
	p2 =	slt.u32 s8, $0xFFFFF086  }
0x1c: {  	p1 =	slt.u32 s9, $0xF7A;
	s5 =	simm.s32 @!p2 $0x0  }
0x1d: {  	s5 =	simm.s32 @p1 $0x1;
	p0 =	seq.s32 s7, s2  }
0x1e: {  	s7 =	smul.u32 @!p0 $0xF7A, s2;
	p2 =	seq.s32 @!p0 s5, $0x0  }
0x1f: {  	s9 =	smul.u32 $0xF7A, s1;
	s8 =	simm.s32 @!p0 $0x1BF5;
	p2 =	por !p2, p0  }
0x20: {  	[sflag:s8] =	ssyncset.s32 @!p0 $0xFFFFF086;
	s6 =	sadd.s32 @!p0 s3, s7;
	s7 =	simm.s32 @!p0 $0x108  }
0x21: {  	s3 =	sadd.s32 s3, s9;
	s6 =	sadd.s32 @!p0 $0x88, s6;
	s7 =	simm.s32 @p2 $0x1082  }
0x22: {  	[simem:s7], [sflag:s8] =	dma.local @!p0 [hbm:s6], $0xF7A  }
0x23: {  	s9 =	sor.u32 $0xD0000000, s2;
	s6 =	simm.s32 $0x108;
	_ =	swait.ge @!p0 [sflag:s8], $0x0  }
0x24: {  	s3 =	sadd.s32 $0x88, s3;
	s6 =	simm.s32 @!p1 $0x1082;
	[sflag:s4] =	ssyncset.s32 $0xFFFFF086  }
0x25: {  	[simem:s6], [sflag:s4] =	dma.local [hbm:s3], $0xF7A  }
0x26: {  	[smem:$0x3F7D] =	sst s1;
	(tag) =	ssettag s2;
	_ =	strace s9  }
0x27: {  	s1 =	sld [smem:$0x3F8D]  }
0x28: {  	s2 =	sld [smem:$0x3F8E]  }
0x29: {  	s4 =	sld [smem:$0x3F90]  }
0x2a: {  	p0 =	seq.s32 s5, $0x0;
	s5 =	sld [smem:$0x3F91]  }
0x2b: {  	s6 =	sld [smem:$0x3F92]  }
0x2c: {  	s7 =	sld [smem:$0x3F93]  }
0x2d: {  	s3 =	simm.s32 $0x108;
	s8 =	sld [smem:$0x3F94]  }
0x2e: {  	s3 =	simm.s32 @!p0 $0x1082;
	s9 =	sld [smem:$0x3F95]  }
0x2f: {  	lr =	sadd.s32 s0, s3;
	s0 =	sld [smem:$0x3F8C]  }
0x30: {  	s3 =	sld [smem:$0x3F8F]  }
0x31: {  	[smem:$0x3F98] =	sst s10  }
0x32: {  	s10 =	sld [smem:$0x3F96];
	_ =	sdelay $0x3  }
0x33: {  	p0 =	seq.s32 s10, $0x1;
	s10 =	sld [smem:$0x3F98];
	_ =	sdelay $0x3  }
0x34: {  	[smem:$0x3F98] =	sst s10  }
0x35: {  	s10 =	sld [smem:$0x3F97];
	_ =	sdelay $0x3  }
0x36: {  	p1 =	seq.s32 s10, $0x1;
	s10 =	sld [smem:$0x3F98];
	_ =	sdelay $0x3  }
0x37: {  	[smem:$0x3F98] =	sst s10  }
0x38: {  	s10 =	sld [smem:$0x3F99]  }
0x39: {  	_ = 	snop;
	(pc) =	sbr.ind lr, $3  }
0x3a: {  	_ = 	snop  }
0x3b: {  	_ = 	snop  }
0x3c: {  	p2 =	seq.s32 s10, $0x1;
	s10 =	sld [smem:$0x3F98]  }
0x3d: {  	_ =	shalt  }
0x3e: {  	_ =	shalt  }
0x3f: {  	_ =	shalt  }
0x40: {  	_ =	shalt  }
0x41: {  	_ =	shalt  }
0x42: {  	_ =	shalt  }
0x43: {  	_ =	shalt  }
0x44: {  	_ =	shalt  }
0x45: {  	_ =	shalt  }
0x46: {  	_ =	shalt  }
0x47: {  	_ =	shalt  }
0x48: {  	_ =	shalt  }
0x49: {  	_ =	shalt  }
0x4a: {  	_ =	shalt  }
0x4b: {  	_ =	shalt  }
0x4c: {  	_ =	shalt  }
0x4d: {  	_ =	shalt  }
0x4e: {  	_ =	shalt  }
0x4f: {  	_ =	shalt  }
0x50: {  	_ =	shalt  }
0x51: {  	_ =	shalt  }
0x52: {  	_ =	shalt  }
0x53: {  	_ =	shalt  }
0x54: {  	_ =	shalt  }
0x55: {  	_ =	shalt  }
0x56: {  	_ =	shalt  }
0x57: {  	_ =	shalt  }
0x58: {  	_ =	shalt  }
0x59: {  	_ =	shalt  }
0x5a: {  	_ =	shalt  }
0x5b: {  	_ =	shalt  }
0x5c: {  	_ =	shalt  }
0x5d: {  	_ =	shalt  }
0x5e: {  	_ =	shalt  }
0x5f: {  	_ =	shalt  }
0x60: {  	_ =	shalt  }
0x61: {  	_ =	shalt  }
0x62: {  	_ =	shalt  }
0x63: {  	_ =	shalt  }
0x64: {  	_ =	shalt  }
0x65: {  	_ =	shalt  }
0x66: {  	_ =	shalt  }
0x67: {  	_ =	shalt  }
0x68: {  	_ =	shalt  }
0x69: {  	_ =	shalt  }
0x6a: {  	_ =	shalt  }
0x6b: {  	_ =	shalt  }
0x6c: {  	_ =	shalt  }
0x6d: {  	_ =	shalt  }
0x6e: {  	_ =	shalt  }
0x6f: {  	_ =	shalt  }
0x70: {  	_ =	shalt  }
0x71: {  	_ =	shalt  }
0x72: {  	_ =	shalt  }
0x73: {  	_ =	shalt  }
0x74: {  	_ =	shalt  }
0x75: {  	_ =	shalt  }
0x76: {  	_ =	shalt  }
0x77: {  	_ =	shalt  }
0x78: {  	_ =	shalt  }
0x79: {  	_ =	shalt  }
0x7a: {  	_ =	shalt  }
0x7b: {  	_ =	shalt  }
0x7c: {  	_ =	shalt  }
0x7d: {  	_ =	shalt  }
0x7e: {  	_ =	shalt  }
0x7f: {  	_ =	shalt  }
0x80: {  	_ =	shalt  }
0x81: {  	_ =	shalt  }
0x82: {  	_ =	shalt  }
0x83: {  	_ =	shalt  }
0x84: {  	_ =	shalt  }
0x85: {  	_ =	shalt  }
0x86: {  	_ =	shalt  }
0x87: {  	_ =	shalt  }
.Lfunc_end0:
.L_simem_size_0:
called_computation.4_lowered:
.L_overlay_start_0:
0x88: {  	s2 =	sld [smem:$0x3FD9]  }
0x89: {  	s3 =	sld [smem:$0x3FFE];
	_ =	sdelay $0x1  }
0x8a: {  	s1 =	srdreg.scid  }
0x8b: {  	s0 =	sand.u32 $0x1, s1  }
0x8c: {  	s17 =	sshll.u32 s0, $0xA;
	s2 =	sadd.s32 s3, s2  }
0x8d: {  	s2 =	sadd.s32 s2, s17  }
0x8e: {  	[smem:$0x3FA4] =	sst s2  }
0x8f: {  	_ = 	snop  }
0x90: {  	(tm) =	ssettm $0x1  }
0x91: {  	s18 =	sld [smem:$0x3FFB];
	_ =	sdelay $0x3  }
0x92: {  	_ =	strace s18  }
0x93: {  	s2 =	sld [smem:$0x3FFC];
	_ =	sdelay $0x3  }
0x94: {  	_ =	strace s2  }
0x95: {  	s2 =	sld [smem:$0x3FFD];
	_ =	sdelay $0x3  }
0x96: {  	_ =	strace s2  }
0x97: {  	_ =	strace $0x8FFFFFFF  }
0x98: {  	s19 =	sld [smem:$0x3FDB];
	_ =	sdelay $0x1  }
0x99: {  	s20 =	simm.s32 $_scs_section_size  }
0x9a: {  	s4 =	simm.s32 $_size__tile_overlayer_lowered;
	s5 =	simm.s32 $_tile_overlayer_lowered  }
0x9b: {  	s6 =	simm.s32 $0x1BFF;
	s21 =	sshll.u32 s5, $0x1;
	s3 =	sadd.s32 s20, s19  }
0x9c: {  	s22 =	simm.s32 $0x0;
	s4 =	sshll.u32 s4, $0x1;
	s5 =	sadd.s32 s21, s3  }
0x9d: {  	[timem:s22], [sflag:s6] =	dma.local [hbm:s5], s4  }
0x9e: {  	_ =	swait.ge [sflag:s6], s4  }
0x9f: {  	s4 =	ssub.s32 $0x0, s4;
	[sflag:s6] =	ssyncset.done $0x0  }
0xa0: {  	[sflag:s6] =	ssyncadd.s32 s4;
	_ =	sdelay $0x1  }
0xa1: {  	s23 =	simm.s32 $0x1B8B  }
0xa2: {  	_ =	swait.ge [sflag:s23], $0x1  }
0xa3: {  	[sflag:s23] =	ssyncset.done $0x0  }
0xa4: {  	[sflag:s23] =	ssyncadd.s32 $0xFFFFFFFF  }
0xa5: {  	s4 =	sld [smem:$0x0]  }
0xa6: {  	s5 =	sand.u32 $0xFFFFFFFE, s1  }
0xa7: {  	p0 =	sne.s32 s1, s5  }
0xa8: {  	s5 =	sshll.u32 @p0 s5, $0xE  }
0xa9: {  	s5 =	sadd.s32 @p0 $0x11B8D, s5;
	s6 =	sshll.u32 @p0 s4, $0x11  }
0xaa: {  	s5 =	sor.u32 @p0 s6, s5  }
0xab: {  	[sflag:s5] =	ssyncadd.remote.s32 @p0 $0x1;
	_ =	sdelay $0x1  }
0xac: {  	s5 =	simm.s32 @p0 $0x1B8D  }
0xad: {  	_ =	swait.eq @p0 [sflag:s5], $0x1  }
0xae: {  	[sflag:s5] =	ssyncadd.s32 @p0 $0xFFFFFFFF  }
0xaf: {  	s6 =	sshll.u32 @!p0 s1, $0xE  }
0xb0: {  	s6 =	sor.u32 @!p0 $0x4000, s6;
	s5 =	simm.s32 @!p0 $0x1B8D  }
0xb1: {  	s4 =	sshll.u32 @!p0 s4, $0x11;
	s6 =	sadd.s32 @!p0 $0x11B8D, s6;
	_ =	swait.eq @!p0 [sflag:s5], $0x1  }
0xb2: {  	s4 =	sor.u32 @!p0 s4, s6;
	[sflag:s5] =	ssyncadd.s32 @!p0 $0xFFFFFFFF  }
0xb3: {  	s25 =	simm.s32 $0x1B8E;
	s24 =	sld [smem:$0x3FFE];
	[sflag:s4] =	ssyncadd.remote.s32 @!p0 $0x1  }
0xb4: {  	s26 =	simm.s32 $execute0_lowered;
	[smem:$0x3FD2] =	sst s25  }
0xb5: {  	s5 =	sshll.u32 s26, $0x1;
	_ =	strace $0x8000004C;
	[dreg:$0x1] =	wrdreg $0xFFFFFFFF  }
0xb6: {  	s28 =	simm.s32 $_size_execute0_lowered;
	s3 =	sadd.s32 s3, s5;
	[dreg:$0x0] =	wrdreg $0x0  }
0xb7: {  	s5 =	sshll.u32 s28, $0x1;
	[dreg:$0x2] =	wrdreg s3  }
0xb8: {  	[dreg:$0x3] =	wrdreg s5  }
0xb9: {  	[dreg:$0x4] =	wrdreg $0xC0  }
0xba: {  	_ =	task [dreg:s22], $0x5FFFF  }
0xbb: {  	[dreg:$0x1] =	wrdreg $0xFFFFFFFF  }
0xbc: {  	[dreg:$0x0] =	wrdreg $0x60  }
0xbd: {  	[dreg:$0x2] =	wrdreg s24  }
0xbe: {  	[dreg:$0x3] =	wrdreg $0x10B800  }
0xbf: {  	[dreg:$0x4] =	wrdreg $0xA  }
0xc0: {  	_ =	task.clear_ibuf [dreg:s22], $0x5FFFF;
	_ =	strace $0x9000004C  }
0xc1: {  	s29 =	simm.s32 $0xA;
	_ =	strace $0x8000004E  }
0xc2: {  	_ =	swait.ge [sflag:s29], $0x1  }
0xc3: {  	[sflag:s29] =	ssyncadd.s32 $0xFFFFFFFF  }
0xc4: {  	_ =	strace $0x9000004E  }
0xc5: {  	_ =	sfence  }
0xc6: {  	s30 =	sld [smem:$0x0];
	_ =	sdelay $0x2  }
0xc7: {  	s31 =	sshll.u32 s1, $0xD;
	s1 =	sshrl.u32 s1, $0x2  }
0xc8: {  	s4 =	sand.u32 $0x4000, s31;
	s1 =	sadd.s32 s1, s30  }
0xc9: {  	s0 =	sor.u32 s4, s0;
	s1 =	sshll.u32 s1, $0x11  }
0xca: {  	s0 =	sor.u32 s1, s0  }
0xcb: {  	s0 =	sadd.s32 $0x8F2B, s0  }
0xcc: {  	[sflag:s0] =	ssyncadd.remote.s32 $0x1  }
0xcd: {  	_ =	sfence.sel $0xFFFF  }
0xce: {  	[dreg:$0x0] =	wrdreg $0xFFFFFFFF;
	(pc) =	sbr.abs _section_cstart, $3  }
0xcf: {  	[dreg:$0x1] =	wrdreg $0xFFFFFFFF  }
0xd0: {  	_ =	task.clear_ibuf [dreg:s22], $0x2FFFF;
	_ =	strace $0x9FFFFFFF  }
0xd1: {  	(tm) =	ssettm $0x7FFFFFFF  }
tec
execute0_lowered:
.L_overlay_start_1:
0x0: {  	(tag) =	ssettag $0x1  }
0x1: {  	s6 =	rddreg [dreg:$0x0]  }
0x2: {  	s1 =	rddreg [dreg:$0x1]  }
0x3: {  	s0 =	rddreg [dreg:$0x2]  }
0x4: {  	s3 =	simm.s32 $0x0;
	s2 =	srdreg.scid;
	s18 =	simm.s32 $0xEB80  }
0x5: {  	s19 =	simm.s32 $0x1;
	s7 =	sand.u32 $0x1, s2;
	s2 =	stileid.u32  }
0x6: {  	s20 =	simm.s32 $0x0;
	s11 =	sadd.s32 $0x199200, s6;
	s5 =	smul.u32 $0x9D0, s2  }
0x7: {  	[smem:$0x7FF] =	sst s3;
	s16 =	sadd.s32 $0x2D8600, s6;
	s13 =	smul.u32 $0x280, s2  }
0x8: {  	s4 =	sshll.u32 s7, $0x4;
	s8 =	sor.u32 $0x2, s7;
	s15 =	smul.u32 $0x28000, s2  }
0x9: {  	_ =	strace $0x8000004D;
	s14 =	ssub.s32 $0x2, s7;
	s17 =	smul.u32 $0x2800, s7  }
0xa: {  	s31 =	sshll.u32 s2, $0x6;
	s4 =	sor.u32 s2, s4;
	s26 =	smul.u32 $0x2800, s8  }
0xb: {  	s9 =	sshll.u32 s8, $0x4;
	s25 =	sshrl.u32 s14, $0x1;
	s10 =	smul.u32 $0x9D0, s4  }
0xc: {  	s9 =	sor.u32 s2, s9;
	s4 =	sadd.s32 $0x288600, s6;
	s12 =	sadd.s32 s5, s6  }
0xd: {  	s5 =	sadd.s32 $0x13C00, s6;
	s14 =	ssub.s32 s14, s25;
	s28 =	sadd.s32 s13, s17  }
0xe: {  	s29 =	sshrl.u32 s15, $0x2;
	s15 =	sor.u32 $0x1C02, s31;
	s17 =	simm.s32 $0x80  }
0xf: {  	s9 =	smul.u32 $0x9D0, s9;
	s8 =	sadd.s32 $0x9E00, s12;
	s30 =	sadd.s32 s29, s1  }
0x10: {  	s12 =	simm.s32 $0x2;
	s6 =	sadd.s32 s11, s10;
	s10 =	sadd.s32 s13, s26  }
0x11: {  	s13 =	simm.s32 $0x4E80;
	s7 =	sadd.s32 s11, s9;
	s9 =	sshll.u32 s28, $0x3  }
0x12: {  	s10 =	sshll.u32 s10, $0x3;
	s11 =	smax.u32 s14, $0x1;
	s14 =	simm.s32 $0x9D00  }
0x13: {  	s9 =	sadd.s32 s16, s9;
	s10 =	sadd.s32 s16, s10;
	s16 =	sshrl.u32 s30, $0x3  }
.LBB2_1:
0x14: {  	[tilespmem:s3], [sflag:$0x2] =	stream.linear.gather [hbm4b:s6+s3], $0x4E80, $0x38;
	[tilespmem:$0x1AB80] =	vst v63  }
0x15: {  	_ =	swait.ge [sflag:s12], $0x4E80  }
0x16: {  	[sflag:s12] =	ssyncset.done $0x0  }
0x17: {  	[sflag:s12] =	ssyncadd.s32 $0xFFFFB180  }
0x18: {  	[tilespmem:s13], [sflag:$0x2] =	stream.linear.gather [hbm4b:s7+s3], $0x4E80, $0x38;
	[tilespmem:$0x1AB80] =	vst v63  }
0x19: {  	_ =	swait.ge [sflag:s12], $0x4E80  }
0x1a: {  	[sflag:s12] =	ssyncset.done $0x0  }
0x1b: {  	[sflag:s12] =	ssyncadd.s32 $0xFFFFB180  }
0x1c: {  	[tilespmem:s14], [sflag:$0x2] =	stream.linear.gather [hbm4b:s8+s3], $0x4E80, $0x38;
	[tilespmem:$0x1AB80] =	vst v63  }
0x1d: {  	_ =	swait.ge [sflag:s12], $0x4E80  }
0x1e: {  	[sflag:s12] =	ssyncset.done $0x0  }
0x1f: {  	[sflag:s12] =	ssyncadd.s32 $0xFFFFB180  }
0x20: {  	[spmem:s16], [sflag:s15] =	dma.local [hbm:s5], $0x1400  }
0x21: {  	_ =	swait.ge [sflag:s12], $0x1400  }
0x22: {  	[sflag:s12] =	ssyncset.done $0x0  }
0x23: {  	[sflag:s12] =	ssyncadd.s32 $0xFFFFEC00  }
0x24: {  	s21 =	simm.s32 $0x0;
	[bflag:$0x0] =	sbarrier.arrive $0xFFFF  }
0x25: {  	[tilespmem:s18], [sflag:$0x1] =	stream.indirect.gather [hbm4b:s4+s17], $0x40, s21, s17, $0xb8;
	[tilespmem:$0x1AB80] =	vst v63  }
0x26: {  	_ =	swait.ge [sflag:s19], $0x2000  }
0x27: {  	[sflag:s19] =	ssyncset.done $0x0  }
0x28: {  	s31 =	simm.s32 $0x9D00;
	[sflag:s19] =	ssyncadd.s32 $0xFFFFE000  }
0x29: {  	[spmem:s1] =	stream.indirect.scatter.add.f32 [tilespmem:s18], [sflag:$0x2], $0x40, s31, s17, $0xb8;
	[tilespmem:$0x1AB80] =	vst v63  }
0x2a: {  	_ =	swait.ge [sflag:s12], $0x2000  }
0x2b: {  	s22 =	simm.s32 $0x400;
	s21 =	simm.s32 $0x200;
	[sflag:s12] =	ssyncset.done $0x0  }
.LBB2_2:
0x2c: {  	s23 =	sshra.s32 s21, $0x2  }
0x2d: {  	[sflag:s12] =	ssyncadd.s32 $0xFFFFE000;
	s21 =	smov.u32 s22;
	s24 =	sadd.s32 $0x200, s22  }
0x2e: {  	[tilespmem:s18], [sflag:$0x1] =	stream.indirect.gather [hbm4b:s4+s17], $0x40, s23, s17, $0xb8;
	[tilespmem:$0x1AB80] =	vst v63  }
0x2f: {  	p0 =	sne.s32 s22, $0x13800;
	_ =	swait.ge [sflag:s19], $0x2000  }
.Ltmp0:
0x30: {  	[sflag:s19] =	ssyncset.done $0x0;
	(pc) =	sbr.rel @p0 .LBB2_2-.Ltmp0, $4  }
0x31: {  	s22 =	sadd.s32 $0x9D00, s23;
	[sflag:s19] =	ssyncadd.s32 $0xFFFFE000  }
0x32: {  	[spmem:s1] =	stream.indirect.scatter.add.f32 [tilespmem:s18], [sflag:$0x2], $0x40, s22, s17, $0xb8;
	[tilespmem:$0x1AB80] =	vst v63  }
0x33: {  	_ =	swait.ge [sflag:s12], $0x2000  }
0x34: {  	s22 =	smov.u32 s24;
	[sflag:s12] =	ssyncset.done $0x0  }
0x35: {  	s21 =	sshra.s32 s21, $0x2;
	[sflag:s12] =	ssyncadd.s32 $0xFFFFE000  }
0x36: {  	[tilespmem:s18], [sflag:$0x1] =	stream.indirect.gather [hbm4b:s4+s17], $0x40, s21, s17, $0xb8;
	[tilespmem:$0x1AB80] =	vst v63  }
0x37: {  	_ =	swait.ge [sflag:s19], $0x2000  }
0x38: {  	[sflag:s19] =	ssyncset.done $0x0  }
0x39: {  	s21 =	sadd.s32 $0x9D00, s21;
	[sflag:s19] =	ssyncadd.s32 $0xFFFFE000  }
0x3a: {  	[spmem:s1] =	stream.indirect.scatter.add.f32 [tilespmem:s18], [sflag:$0x2], $0x40, s21, s17, $0xb8;
	[tilespmem:$0x1AB80] =	vst v63  }
0x3b: {  	_ =	swait.ge [sflag:s12], $0x2000  }
0x3c: {  	[sflag:s12] =	ssyncset.done $0x0  }
0x3d: {  	[sflag:s12] =	ssyncadd.s32 $0xFFFFE000  }
0x3e: {  	[bflag:$0x0] =	sbarrier.arrive $0xFFFF  }
0x3f: {  	[hbm:s9], [sflag:s15] =	dma.local [spmem:s16], $0x1400  }
0x40: {  	_ =	swait.ge [sflag:s12], $0x1400  }
0x41: {  	[sflag:s12] =	ssyncset.done $0x0  }
0x42: {  	[sflag:s12] =	ssyncadd.s32 $0xFFFFEC00  }
0x43: {  	[spmem:s16], [sflag:s15] =	dma.local [hbm:s5], $0x1400  }
0x44: {  	_ =	swait.ge [sflag:s12], $0x1400  }
0x45: {  	[sflag:s12] =	ssyncset.done $0x0  }
0x46: {  	[sflag:s12] =	ssyncadd.s32 $0xFFFFEC00  }
0x47: {  	s30 =	simm.s32 $0x4E80;
	[bflag:$0x0] =	sbarrier.arrive $0xFFFF  }
0x48: {  	[tilespmem:s18], [sflag:$0x1] =	stream.indirect.gather [hbm4b:s4+s17], $0x40, s30, s17, $0xb8;
	[tilespmem:$0x1AB80] =	vst v63  }
0x49: {  	_ =	swait.ge [sflag:s19], $0x2000  }
0x4a: {  	[sflag:s19] =	ssyncset.done $0x0  }
0x4b: {  	s31 =	simm.s32 $0x9D00;
	[sflag:s19] =	ssyncadd.s32 $0xFFFFE000  }
0x4c: {  	[spmem:s1] =	stream.indirect.scatter.add.f32 [tilespmem:s18], [sflag:$0x2], $0x40, s31, s17, $0xb8;
	[tilespmem:$0x1AB80] =	vst v63  }
0x4d: {  	_ =	swait.ge [sflag:s12], $0x2000  }
0x4e: {  	s22 =	simm.s32 $0x400;
	s21 =	simm.s32 $0x80;
	[sflag:s12] =	ssyncset.done $0x0  }
.LBB2_4:
0x4f: {  	s23 =	sadd.s32 $0x4E80, s21  }
0x50: {  	[sflag:s12] =	ssyncadd.s32 $0xFFFFE000;
	s24 =	smov.u32 s22;
	s25 =	sadd.s32 $0x200, s22  }
0x51: {  	[tilespmem:s18], [sflag:$0x1] =	stream.indirect.gather [hbm4b:s4+s17], $0x40, s23, s17, $0xb8;
	[tilespmem:$0x1AB80] =	vst v63  }
0x52: {  	p0 =	sne.s32 s22, $0x13800;
	_ =	swait.ge [sflag:s19], $0x2000  }
.Ltmp1:
0x53: {  	[sflag:s19] =	ssyncset.done $0x0;
	(pc) =	sbr.rel @p0 .LBB2_4-.Ltmp1, $4  }
0x54: {  	s21 =	sadd.s32 $0x9D00, s21;
	[sflag:s19] =	ssyncadd.s32 $0xFFFFE000  }
0x55: {  	[spmem:s1] =	stream.indirect.scatter.add.f32 [tilespmem:s18], [sflag:$0x2], $0x40, s21, s17, $0xb8;
	[tilespmem:$0x1AB80] =	vst v63  }
0x56: {  	_ =	swait.ge [sflag:s12], $0x2000  }
0x57: {  	s22 =	smov.u32 s25;
	s21 =	sshra.s32 s24, $0x2;
	[sflag:s12] =	ssyncset.done $0x0  }
0x58: {  	s22 =	sadd.s32 $0x4E80, s21;
	[sflag:s12] =	ssyncadd.s32 $0xFFFFE000  }
0x59: {  	[tilespmem:s18], [sflag:$0x1] =	stream.indirect.gather [hbm4b:s4+s17], $0x40, s22, s17, $0xb8;
	[tilespmem:$0x1AB80] =	vst v63  }
0x5a: {  	_ =	swait.ge [sflag:s19], $0x2000  }
0x5b: {  	[sflag:s19] =	ssyncset.done $0x0  }
0x5c: {  	s31 =	sadd.s32 $0x9D00, s21;
	[sflag:s19] =	ssyncadd.s32 $0xFFFFE000  }
0x5d: {  	[spmem:s1] =	stream.indirect.scatter.add.f32 [tilespmem:s18], [sflag:$0x2], $0x40, s31, s17, $0xb8;
	[tilespmem:$0x1AB80] =	vst v63  }
0x5e: {  	_ =	swait.ge [sflag:s12], $0x2000  }
0x5f: {  	s20 =	sadd.s32 $0x1, s20;
	[sflag:s12] =	ssyncset.done $0x0  }
0x60: {  	p0 =	sne.s32 s20, s11;
	[sflag:s12] =	ssyncadd.s32 $0xFFFFE000  }
.Ltmp2:
0x61: {  	[bflag:$0x0] =	sbarrier.arrive $0xFFFF;
	(pc) =	sbr.rel @p0 .LBB2_1-.Ltmp2, $4  }
0x62: {  	[hbm:s10], [sflag:s15] =	dma.local [spmem:s16], $0x1400  }
0x63: {  	_ =	swait.ge [sflag:s12], $0x1400  }
0x64: {  	[sflag:s12] =	ssyncset.done $0x0  }
0x65: {  	[sflag:s12] =	ssyncadd.s32 $0xFFFFEC00  }
0x66: {  	_ =	sfence.sel $0x180000  }
0x67: {  	[bflag:$0x0] =	sbarrier.arrive $0xFFFF  }
0x68: {  	p0 =	sne.s32 s2, $0x0;
	_ =	strace $0x9000004D  }
0x69: {  	s0 =	sadd.s32 @!p0 $0x100000, s0;
	[bflag:$0x2] =	sbarrier.arrive $0xFFFF  }
0x6a: {  	[sflag:s0] =	ssyncadd.tile.s32 @!p0 $0x1;
	_ =	shalt  }
.Lfunc_end2:
_tile_overlayer_lowered:
.L_overlay_start_2:
0x6b: {  	(tag) =	ssettag $0x2  }
0x6c: {  	s0 =	rddreg [dreg:$0x0];
	s2 =	stileid.u32  }
0x6d: {  	s1 =	rddreg [dreg:$0x1];
	p0 =	sne.s32 s2, $0x0  }
0x6e: {  	s3 =	rddreg [dreg:$0x2];
	[bflag:$0x3] =	sbarrier.arrive $0xFFFF;
	s2 =	simm.s32 @!p0 $0x1C02  }
0x6f: {  	[timem:s3], [sflag:s2] =	dma.local @!p0 [hbm:s0], s1  }
0x70: {  	s0 =	simm.s32 @!p0 $0x2  }
0x71: {  	_ =	swait.ge @!p0 [sflag:s0], s1  }
0x72: {  	s1 =	ssub.s32 @!p0 $0x0, s1;
	[sflag:s0] =	ssyncset.done @!p0 $0x0  }
0x73: {  	[sflag:s0] =	ssyncadd.s32 @!p0 s1  }
0x74: {  	[bflag:$0x3] =	sbarrier.arrive $0xFFFF  }
0x75: {  	_ =	shalt  }

// kernel: kernel.25.cloned.1.call-start
scs
__scs_entry_jumppad:
0x0: {  	(pc) =	sbr.rel $0x88, $3  }
0x1: {  	(tag) =	ssettag $0x0;
	lr =	simm.s32 $0x1  }
0x2: {  	[smem:$0x3F7D] =	sst lr;
	_ =	strace $0xD0000000  }
0x3: {  	_ = 	snop  }
0x4: {  	_ = 	snop  }
0x5: {  	_ = 	snop  }
0x6: {  	_ = 	snop  }
0x7: {  	_ = 	snop  }
__scs_overlays_trampoline_lowered:
0x8: {  	[smem:$0x3F8C] =	sst s0  }
0x9: {  	[smem:$0x3F8D] =	sst s1  }
0xa: {  	[smem:$0x3F8E] =	sst s2  }
0xb: {  	[smem:$0x3F8F] =	sst s3  }
0xc: {  	[smem:$0x3F90] =	sst s4  }
0xd: {  	[smem:$0x3F91] =	sst s5  }
0xe: {  	[smem:$0x3F92] =	sst s6  }
0xf: {  	[smem:$0x3F93] =	sst s7  }
0x10: {  	[smem:$0x3F94] =	sst s8  }
0x11: {  	[smem:$0x3F95] =	sst s9;
	s0 =	simm.s32 @!p0 $0x0  }
0x12: {  	s1 =	sld [smem:$0x3F7B];
	s0 =	simm.s32 @p0 $0x1  }
0x13: {  	[smem:$0x3F96] =	sst s0;
	s0 =	simm.s32 @!p1 $0x0  }
0x14: {  	s2 =	sld [smem:$0x3F7A];
	s0 =	simm.s32 @p1 $0x1  }
0x15: {  	[smem:$0x3F97] =	sst s0;
	s0 =	simm.s32 @!p2 $0x0  }
0x16: {  	s3 =	sld [smem:$0x3FDB];
	s0 =	simm.s32 @p2 $0x1  }
0x17: {  	s4 =	simm.s32 $0x1BF5;
	[smem:$0x3F99] =	sst s0  }
0x18: {  	s0 =	sld [smem:$0x3F7C];
	_ =	swait.ge [sflag:s4], $0x0  }
0x19: {  	s7 =	sld [smem:$0x3F7D]  }
0x1a: {  	s8 =	sadd.s32 $0xFFFFE003, lr  }
0x1b: {  	s9 =	sadd.s32 $0xFFFFFEF7, lr;
	s5 =	simm.s32 $0xFFFFFFFF;
	p2 =	slt.u32 s8, $0xFFFFF086  }
0x1c: {  	p1 =	slt.u32 s9, $0xF7A;
	s5 =	simm.s32 @!p2 $0x0  }
0x1d: {  	s5 =	simm.s32 @p1 $0x1;
	p0 =	seq.s32 s7, s2  }
0x1e: {  	s7 =	smul.u32 @!p0 $0xF7A, s2;
	p2 =	seq.s32 @!p0 s5, $0x0  }
0x1f: {  	s9 =	smul.u32 $0xF7A, s1;
	s8 =	simm.s32 @!p0 $0x1BF5;
	p2 =	por !p2, p0  }
0x20: {  	[sflag:s8] =	ssyncset.s32 @!p0 $0xFFFFF086;
	s6 =	sadd.s32 @!p0 s3, s7;
	s7 =	simm.s32 @!p0 $0x108  }
0x21: {  	s3 =	sadd.s32 s3, s9;
	s6 =	sadd.s32 @!p0 $0x88, s6;
	s7 =	simm.s32 @p2 $0x1082  }
0x22: {  	[simem:s7], [sflag:s8] =	dma.local @!p0 [hbm:s6], $0xF7A  }
0x23: {  	s9 =	sor.u32 $0xD0000000, s2;
	s6 =	simm.s32 $0x108;
	_ =	swait.ge @!p0 [sflag:s8], $0x0  }
0x24: {  	s3 =	sadd.s32 $0x88, s3;
	s6 =	simm.s32 @!p1 $0x1082;
	[sflag:s4] =	ssyncset.s32 $0xFFFFF086  }
0x25: {  	[simem:s6], [sflag:s4] =	dma.local [hbm:s3], $0xF7A  }
0x26: {  	[smem:$0x3F7D] =	sst s1;
	(tag) =	ssettag s2;
	_ =	strace s9  }
0x27: {  	s1 =	sld [smem:$0x3F8D]  }
0x28: {  	s2 =	sld [smem:$0x3F8E]  }
0x29: {  	s4 =	sld [smem:$0x3F90]  }
0x2a: {  	p0 =	seq.s32 s5, $0x0;
	s5 =	sld [smem:$0x3F91]  }
0x2b: {  	s6 =	sld [smem:$0x3F92]  }
0x2c: {  	s7 =	sld [smem:$0x3F93]  }
0x2d: {  	s3 =	simm.s32 $0x108;
	s8 =	sld [smem:$0x3F94]  }
0x2e: {  	s3 =	simm.s32 @!p0 $0x1082;
	s9 =	sld [smem:$0x3F95]  }
0x2f: {  	lr =	sadd.s32 s0, s3;
	s0 =	sld [smem:$0x3F8C]  }
0x30: {  	s3 =	sld [smem:$0x3F8F]  }
0x31: {  	[smem:$0x3F98] =	sst s10  }
0x32: {  	s10 =	sld [smem:$0x3F96];
	_ =	sdelay $0x3  }
0x33: {  	p0 =	seq.s32 s10, $0x1;
	s10 =	sld [smem:$0x3F98];
	_ =	sdelay $0x3  }
0x34: {  	[smem:$0x3F98] =	sst s10  }
0x35: {  	s10 =	sld [smem:$0x3F97];
	_ =	sdelay $0x3  }
0x36: {  	p1 =	seq.s32 s10, $0x1;
	s10 =	sld [smem:$0x3F98];
	_ =	sdelay $0x3  }
0x37: {  	[smem:$0x3F98] =	sst s10  }
0x38: {  	s10 =	sld [smem:$0x3F99]  }
0x39: {  	_ = 	snop;
	(pc) =	sbr.ind lr, $3  }
0x3a: {  	_ = 	snop  }
0x3b: {  	_ = 	snop  }
0x3c: {  	p2 =	seq.s32 s10, $0x1;
	s10 =	sld [smem:$0x3F98]  }
0x3d: {  	_ =	shalt  }
0x3e: {  	_ =	shalt  }
0x3f: {  	_ =	shalt  }
0x40: {  	_ =	shalt  }
0x41: {  	_ =	shalt  }
0x42: {  	_ =	shalt  }
0x43: {  	_ =	shalt  }
0x44: {  	_ =	shalt  }
0x45: {  	_ =	shalt  }
0x46: {  	_ =	shalt  }
0x47: {  	_ =	shalt  }
0x48: {  	_ =	shalt  }
0x49: {  	_ =	shalt  }
0x4a: {  	_ =	shalt  }
0x4b: {  	_ =	shalt  }
0x4c: {  	_ =	shalt  }
0x4d: {  	_ =	shalt  }
0x4e: {  	_ =	shalt  }
0x4f: {  	_ =	shalt  }
0x50: {  	_ =	shalt  }
0x51: {  	_ =	shalt  }
0x52: {  	_ =	shalt  }
0x53: {  	_ =	shalt  }
0x54: {  	_ =	shalt  }
0x55: {  	_ =	shalt  }
0x56: {  	_ =	shalt  }
0x57: {  	_ =	shalt  }
0x58: {  	_ =	shalt  }
0x59: {  	_ =	shalt  }
0x5a: {  	_ =	shalt  }
0x5b: {  	_ =	shalt  }
0x5c: {  	_ =	shalt  }
0x5d: {  	_ =	shalt  }
0x5e: {  	_ =	shalt  }
0x5f: {  	_ =	shalt  }
0x60: {  	_ =	shalt  }
0x61: {  	_ =	shalt  }
0x62: {  	_ =	shalt  }
0x63: {  	_ =	shalt  }
0x64: {  	_ =	shalt  }
0x65: {  	_ =	shalt  }
0x66: {  	_ =	shalt  }
0x67: {  	_ =	shalt  }
0x68: {  	_ =	shalt  }
0x69: {  	_ =	shalt  }
0x6a: {  	_ =	shalt  }
0x6b: {  	_ =	shalt  }
0x6c: {  	_ =	shalt  }
0x6d: {  	_ =	shalt  }
0x6e: {  	_ =	shalt  }
0x6f: {  	_ =	shalt  }
0x70: {  	_ =	shalt  }
0x71: {  	_ =	shalt  }
0x72: {  	_ =	shalt  }
0x73: {  	_ =	shalt  }
0x74: {  	_ =	shalt  }
0x75: {  	_ =	shalt  }
0x76: {  	_ =	shalt  }
0x77: {  	_ =	shalt  }
0x78: {  	_ =	shalt  }
0x79: {  	_ =	shalt  }
0x7a: {  	_ =	shalt  }
0x7b: {  	_ =	shalt  }
0x7c: {  	_ =	shalt  }
0x7d: {  	_ =	shalt  }
0x7e: {  	_ =	shalt  }
0x7f: {  	_ =	shalt  }
0x80: {  	_ =	shalt  }
0x81: {  	_ =	shalt  }
0x82: {  	_ =	shalt  }
0x83: {  	_ =	shalt  }
0x84: {  	_ =	shalt  }
0x85: {  	_ =	shalt  }
0x86: {  	_ =	shalt  }
0x87: {  	_ =	shalt  }
.Lfunc_end0:
.L_simem_size_0:
called_computation.5_lowered:
.L_overlay_start_0:
0x88: {  	s2 =	sld [smem:$0x3FD9]  }
0x89: {  	s3 =	sld [smem:$0x3FFE];
	_ =	sdelay $0x1  }
0x8a: {  	s1 =	srdreg.scid  }
0x8b: {  	s0 =	sand.u32 $0x1, s1  }
0x8c: {  	s17 =	sshll.u32 s0, $0xA;
	s2 =	sadd.s32 s3, s2  }
0x8d: {  	s2 =	sadd.s32 s2, s17  }
0x8e: {  	[smem:$0x3FA4] =	sst s2  }
0x8f: {  	_ = 	snop  }
0x90: {  	(tm) =	ssettm $0x1  }
0x91: {  	s18 =	sld [smem:$0x3FFB];
	_ =	sdelay $0x3  }
0x92: {  	_ =	strace s18  }
0x93: {  	s2 =	sld [smem:$0x3FFC];
	_ =	sdelay $0x3  }
0x94: {  	_ =	strace s2  }
0x95: {  	s2 =	sld [smem:$0x3FFD];
	_ =	sdelay $0x3  }
0x96: {  	_ =	strace s2  }
0x97: {  	_ =	strace $0x8FFFFFFF  }
0x98: {  	s19 =	sld [smem:$0x3FDB];
	_ =	sdelay $0x1  }
0x99: {  	s20 =	simm.s32 $_scs_section_size  }
0x9a: {  	s4 =	simm.s32 $_size__tile_overlayer_lowered;
	s5 =	simm.s32 $_tile_overlayer_lowered  }
0x9b: {  	s6 =	simm.s32 $0x1BFF;
	s21 =	sshll.u32 s5, $0x1;
	s3 =	sadd.s32 s20, s19  }
0x9c: {  	s22 =	simm.s32 $0x0;
	s4 =	sshll.u32 s4, $0x1;
	s5 =	sadd.s32 s21, s3  }
0x9d: {  	[timem:s22], [sflag:s6] =	dma.local [hbm:s5], s4  }
0x9e: {  	_ =	swait.ge [sflag:s6], s4  }
0x9f: {  	s4 =	ssub.s32 $0x0, s4;
	[sflag:s6] =	ssyncset.done $0x0  }
0xa0: {  	[sflag:s6] =	ssyncadd.s32 s4;
	_ =	sdelay $0x1  }
0xa1: {  	s23 =	simm.s32 $0x1B8B  }
0xa2: {  	_ =	swait.ge [sflag:s23], $0x1  }
0xa3: {  	[sflag:s23] =	ssyncset.done $0x0  }
0xa4: {  	[sflag:s23] =	ssyncadd.s32 $0xFFFFFFFF  }
0xa5: {  	s4 =	sld [smem:$0x0]  }
0xa6: {  	s5 =	sand.u32 $0xFFFFFFFE, s1  }
0xa7: {  	p0 =	sne.s32 s1, s5  }
0xa8: {  	s5 =	sshll.u32 @p0 s5, $0xE  }
0xa9: {  	s5 =	sadd.s32 @p0 $0x11B8D, s5;
	s6 =	sshll.u32 @p0 s4, $0x11  }
0xaa: {  	s5 =	sor.u32 @p0 s6, s5  }
0xab: {  	[sflag:s5] =	ssyncadd.remote.s32 @p0 $0x1;
	_ =	sdelay $0x1  }
0xac: {  	s5 =	simm.s32 @p0 $0x1B8D  }
0xad: {  	_ =	swait.eq @p0 [sflag:s5], $0x1  }
0xae: {  	[sflag:s5] =	ssyncadd.s32 @p0 $0xFFFFFFFF  }
0xaf: {  	s6 =	sshll.u32 @!p0 s1, $0xE  }
0xb0: {  	s6 =	sor.u32 @!p0 $0x4000, s6;
	s5 =	simm.s32 @!p0 $0x1B8D  }
0xb1: {  	s4 =	sshll.u32 @!p0 s4, $0x11;
	s6 =	sadd.s32 @!p0 $0x11B8D, s6;
	_ =	swait.eq @!p0 [sflag:s5], $0x1  }
0xb2: {  	s4 =	sor.u32 @!p0 s4, s6;
	[sflag:s5] =	ssyncadd.s32 @!p0 $0xFFFFFFFF  }
0xb3: {  	s25 =	simm.s32 $0x1B8E;
	s24 =	sld [smem:$0x3FFE];
	[sflag:s4] =	ssyncadd.remote.s32 @!p0 $0x1  }
0xb4: {  	s26 =	simm.s32 $execute0_lowered;
	[smem:$0x3FD2] =	sst s25  }
0xb5: {  	s5 =	sshll.u32 s26, $0x1;
	_ =	strace $0x80000052;
	[dreg:$0x1] =	wrdreg $0xFFFFFFFF  }
0xb6: {  	s28 =	simm.s32 $_size_execute0_lowered;
	s3 =	sadd.s32 s3, s5;
	[dreg:$0x0] =	wrdreg $0x0  }
0xb7: {  	s5 =	sshll.u32 s28, $0x1;
	[dreg:$0x2] =	wrdreg s3  }
0xb8: {  	[dreg:$0x3] =	wrdreg s5  }
0xb9: {  	[dreg:$0x4] =	wrdreg $0xC0  }
0xba: {  	_ =	task [dreg:s22], $0x5FFFF  }
0xbb: {  	[dreg:$0x1] =	wrdreg $0xFFFFFFFF  }
0xbc: {  	[dreg:$0x0] =	wrdreg $0x60  }
0xbd: {  	[dreg:$0x2] =	wrdreg s24  }
0xbe: {  	[dreg:$0x3] =	wrdreg $0x10B800  }
0xbf: {  	[dreg:$0x4] =	wrdreg $0xA  }
0xc0: {  	_ =	task.clear_ibuf [dreg:s22], $0x5FFFF;
	_ =	strace $0x90000052  }
0xc1: {  	s29 =	simm.s32 $0xA;
	_ =	strace $0x80000054  }
0xc2: {  	_ =	swait.ge [sflag:s29], $0x1  }
0xc3: {  	[sflag:s29] =	ssyncadd.s32 $0xFFFFFFFF  }
0xc4: {  	_ =	strace $0x90000054  }
0xc5: {  	_ =	sfence  }
0xc6: {  	s30 =	sld [smem:$0x0];
	_ =	sdelay $0x2  }
0xc7: {  	s31 =	sshll.u32 s1, $0xD;
	s1 =	sshrl.u32 s1, $0x2  }
0xc8: {  	s4 =	sand.u32 $0x4000, s31;
	s1 =	sadd.s32 s1, s30  }
0xc9: {  	s0 =	sor.u32 s4, s0;
	s1 =	sshll.u32 s1, $0x11  }
0xca: {  	s0 =	sor.u32 s1, s0  }
0xcb: {  	s0 =	sadd.s32 $0x8F2B, s0  }
0xcc: {  	[sflag:s0] =	ssyncadd.remote.s32 $0x1  }
0xcd: {  	_ =	sfence.sel $0xFFFF  }
0xce: {  	[dreg:$0x0] =	wrdreg $0xFFFFFFFF;
	(pc) =	sbr.abs _section_cstart, $3  }
0xcf: {  	[dreg:$0x1] =	wrdreg $0xFFFFFFFF  }
0xd0: {  	_ =	task.clear_ibuf [dreg:s22], $0x2FFFF;
	_ =	strace $0x9FFFFFFF  }
0xd1: {  	(tm) =	ssettm $0x7FFFFFFF  }
tec
execute0_lowered:
.L_overlay_start_1:
0x0: {  	(tag) =	ssettag $0x1  }
0x1: {  	s6 =	rddreg [dreg:$0x0]  }
0x2: {  	s1 =	rddreg [dreg:$0x1]  }
0x3: {  	s0 =	rddreg [dreg:$0x2]  }
0x4: {  	s3 =	simm.s32 $0x0;
	s2 =	srdreg.scid;
	s18 =	simm.s32 $0xEB80  }
0x5: {  	s19 =	simm.s32 $0x1;
	s7 =	sand.u32 $0x1, s2;
	s2 =	stileid.u32  }
0x6: {  	s20 =	simm.s32 $0x0;
	s11 =	sadd.s32 $0x199200, s6;
	s5 =	smul.u32 $0x9D0, s2  }
0x7: {  	[smem:$0x7FF] =	sst s3;
	s16 =	sadd.s32 $0x238600, s6;
	s13 =	smul.u32 $0x280, s2  }
0x8: {  	s4 =	sshll.u32 s7, $0x4;
	s8 =	sor.u32 $0x2, s7;
	s15 =	smul.u32 $0x28000, s2  }
0x9: {  	_ =	strace $0x80000053;
	s14 =	ssub.s32 $0x2, s7;
	s17 =	smul.u32 $0x2800, s7  }
0xa: {  	s31 =	sshll.u32 s2, $0x6;
	s4 =	sor.u32 s2, s4;
	s26 =	smul.u32 $0x2800, s8  }
0xb: {  	s9 =	sshll.u32 s8, $0x4;
	s25 =	sshrl.u32 s14, $0x1;
	s10 =	smul.u32 $0x9D0, s4  }
0xc: {  	s9 =	sor.u32 s2, s9;
	s4 =	sadd.s32 $0x1E8600, s6;
	s12 =	sadd.s32 s5, s6  }
0xd: {  	s5 =	sadd.s32 $0x13C00, s6;
	s14 =	ssub.s32 s14, s25;
	s28 =	sadd.s32 s13, s17  }
0xe: {  	s29 =	sshrl.u32 s15, $0x2;
	s15 =	sor.u32 $0x1C02, s31;
	s17 =	simm.s32 $0x80  }
0xf: {  	s9 =	smul.u32 $0x9D0, s9;
	s8 =	sadd.s32 $0x9E00, s12;
	s30 =	sadd.s32 s29, s1  }
0x10: {  	s12 =	simm.s32 $0x2;
	s6 =	sadd.s32 s11, s10;
	s10 =	sadd.s32 s13, s26  }
0x11: {  	s13 =	simm.s32 $0x4E80;
	s7 =	sadd.s32 s11, s9;
	s9 =	sshll.u32 s28, $0x3  }
0x12: {  	s10 =	sshll.u32 s10, $0x3;
	s11 =	smax.u32 s14, $0x1;
	s14 =	simm.s32 $0x9D00  }
0x13: {  	s9 =	sadd.s32 s16, s9;
	s10 =	sadd.s32 s16, s10;
	s16 =	sshrl.u32 s30, $0x3  }
.LBB2_1:
0x14: {  	[tilespmem:s3], [sflag:$0x2] =	stream.linear.gather [hbm4b:s6+s3], $0x4E80, $0x38;
	[tilespmem:$0x1AB80] =	vst v63  }
0x15: {  	_ =	swait.ge [sflag:s12], $0x4E80  }
0x16: {  	[sflag:s12] =	ssyncset.done $0x0  }
0x17: {  	[sflag:s12] =	ssyncadd.s32 $0xFFFFB180  }
0x18: {  	[tilespmem:s13], [sflag:$0x2] =	stream.linear.gather [hbm4b:s7+s3], $0x4E80, $0x38;
	[tilespmem:$0x1AB80] =	vst v63  }
0x19: {  	_ =	swait.ge [sflag:s12], $0x4E80  }
0x1a: {  	[sflag:s12] =	ssyncset.done $0x0  }
0x1b: {  	[sflag:s12] =	ssyncadd.s32 $0xFFFFB180  }
0x1c: {  	[tilespmem:s14], [sflag:$0x2] =	stream.linear.gather [hbm4b:s8+s3], $0x4E80, $0x38;
	[tilespmem:$0x1AB80] =	vst v63  }
0x1d: {  	_ =	swait.ge [sflag:s12], $0x4E80  }
0x1e: {  	[sflag:s12] =	ssyncset.done $0x0  }
0x1f: {  	[sflag:s12] =	ssyncadd.s32 $0xFFFFB180  }
0x20: {  	[spmem:s16], [sflag:s15] =	dma.local [hbm:s5], $0x1400  }
0x21: {  	_ =	swait.ge [sflag:s12], $0x1400  }
0x22: {  	[sflag:s12] =	ssyncset.done $0x0  }
0x23: {  	[sflag:s12] =	ssyncadd.s32 $0xFFFFEC00  }
0x24: {  	s21 =	simm.s32 $0x0;
	[bflag:$0x0] =	sbarrier.arrive $0xFFFF  }
0x25: {  	[tilespmem:s18], [sflag:$0x1] =	stream.indirect.gather [hbm4b:s4+s17], $0x40, s21, s17, $0xb8;
	[tilespmem:$0x1AB80] =	vst v63  }
0x26: {  	_ =	swait.ge [sflag:s19], $0x2000  }
0x27: {  	[sflag:s19] =	ssyncset.done $0x0  }
0x28: {  	s31 =	simm.s32 $0x9D00;
	[sflag:s19] =	ssyncadd.s32 $0xFFFFE000  }
0x29: {  	[spmem:s1] =	stream.indirect.scatter.add.f32 [tilespmem:s18], [sflag:$0x2], $0x40, s31, s17, $0xb8;
	[tilespmem:$0x1AB80] =	vst v63  }
0x2a: {  	_ =	swait.ge [sflag:s12], $0x2000  }
0x2b: {  	s22 =	simm.s32 $0x400;
	s21 =	simm.s32 $0x200;
	[sflag:s12] =	ssyncset.done $0x0  }
.LBB2_2:
0x2c: {  	s23 =	sshra.s32 s21, $0x2  }
0x2d: {  	[sflag:s12] =	ssyncadd.s32 $0xFFFFE000;
	s21 =	smov.u32 s22;
	s24 =	sadd.s32 $0x200, s22  }
0x2e: {  	[tilespmem:s18], [sflag:$0x1] =	stream.indirect.gather [hbm4b:s4+s17], $0x40, s23, s17, $0xb8;
	[tilespmem:$0x1AB80] =	vst v63  }
0x2f: {  	p0 =	sne.s32 s22, $0x13800;
	_ =	swait.ge [sflag:s19], $0x2000  }
.Ltmp0:
0x30: {  	[sflag:s19] =	ssyncset.done $0x0;
	(pc) =	sbr.rel @p0 .LBB2_2-.Ltmp0, $4  }
0x31: {  	s22 =	sadd.s32 $0x9D00, s23;
	[sflag:s19] =	ssyncadd.s32 $0xFFFFE000  }
0x32: {  	[spmem:s1] =	stream.indirect.scatter.add.f32 [tilespmem:s18], [sflag:$0x2], $0x40, s22, s17, $0xb8;
	[tilespmem:$0x1AB80] =	vst v63  }
0x33: {  	_ =	swait.ge [sflag:s12], $0x2000  }
0x34: {  	s22 =	smov.u32 s24;
	[sflag:s12] =	ssyncset.done $0x0  }
0x35: {  	s21 =	sshra.s32 s21, $0x2;
	[sflag:s12] =	ssyncadd.s32 $0xFFFFE000  }
0x36: {  	[tilespmem:s18], [sflag:$0x1] =	stream.indirect.gather [hbm4b:s4+s17], $0x40, s21, s17, $0xb8;
	[tilespmem:$0x1AB80] =	vst v63  }
0x37: {  	_ =	swait.ge [sflag:s19], $0x2000  }
0x38: {  	[sflag:s19] =	ssyncset.done $0x0  }
0x39: {  	s21 =	sadd.s32 $0x9D00, s21;
	[sflag:s19] =	ssyncadd.s32 $0xFFFFE000  }
0x3a: {  	[spmem:s1] =	stream.indirect.scatter.add.f32 [tilespmem:s18], [sflag:$0x2], $0x40, s21, s17, $0xb8;
	[tilespmem:$0x1AB80] =	vst v63  }
0x3b: {  	_ =	swait.ge [sflag:s12], $0x2000  }
0x3c: {  	[sflag:s12] =	ssyncset.done $0x0  }
0x3d: {  	[sflag:s12] =	ssyncadd.s32 $0xFFFFE000  }
0x3e: {  	[bflag:$0x0] =	sbarrier.arrive $0xFFFF  }
0x3f: {  	[hbm:s9], [sflag:s15] =	dma.local [spmem:s16], $0x1400  }
0x40: {  	_ =	swait.ge [sflag:s12], $0x1400  }
0x41: {  	[sflag:s12] =	ssyncset.done $0x0  }
0x42: {  	[sflag:s12] =	ssyncadd.s32 $0xFFFFEC00  }
0x43: {  	[spmem:s16], [sflag:s15] =	dma.local [hbm:s5], $0x1400  }
0x44: {  	_ =	swait.ge [sflag:s12], $0x1400  }
0x45: {  	[sflag:s12] =	ssyncset.done $0x0  }
0x46: {  	[sflag:s12] =	ssyncadd.s32 $0xFFFFEC00  }
0x47: {  	s30 =	simm.s32 $0x4E80;
	[bflag:$0x0] =	sbarrier.arrive $0xFFFF  }
0x48: {  	[tilespmem:s18], [sflag:$0x1] =	stream.indirect.gather [hbm4b:s4+s17], $0x40, s30, s17, $0xb8;
	[tilespmem:$0x1AB80] =	vst v63  }
0x49: {  	_ =	swait.ge [sflag:s19], $0x2000  }
0x4a: {  	[sflag:s19] =	ssyncset.done $0x0  }
0x4b: {  	s31 =	simm.s32 $0x9D00;
	[sflag:s19] =	ssyncadd.s32 $0xFFFFE000  }
0x4c: {  	[spmem:s1] =	stream.indirect.scatter.add.f32 [tilespmem:s18], [sflag:$0x2], $0x40, s31, s17, $0xb8;
	[tilespmem:$0x1AB80] =	vst v63  }
0x4d: {  	_ =	swait.ge [sflag:s12], $0x2000  }
0x4e: {  	s22 =	simm.s32 $0x400;
	s21 =	simm.s32 $0x80;
	[sflag:s12] =	ssyncset.done $0x0  }
.LBB2_4:
0x4f: {  	s23 =	sadd.s32 $0x4E80, s21  }
0x50: {  	[sflag:s12] =	ssyncadd.s32 $0xFFFFE000;
	s24 =	smov.u32 s22;
	s25 =	sadd.s32 $0x200, s22  }
0x51: {  	[tilespmem:s18], [sflag:$0x1] =	stream.indirect.gather [hbm4b:s4+s17], $0x40, s23, s17, $0xb8;
	[tilespmem:$0x1AB80] =	vst v63  }
0x52: {  	p0 =	sne.s32 s22, $0x13800;
	_ =	swait.ge [sflag:s19], $0x2000  }
.Ltmp1:
0x53: {  	[sflag:s19] =	ssyncset.done $0x0;
	(pc) =	sbr.rel @p0 .LBB2_4-.Ltmp1, $4  }
0x54: {  	s21 =	sadd.s32 $0x9D00, s21;
	[sflag:s19] =	ssyncadd.s32 $0xFFFFE000  }
0x55: {  	[spmem:s1] =	stream.indirect.scatter.add.f32 [tilespmem:s18], [sflag:$0x2], $0x40, s21, s17, $0xb8;
	[tilespmem:$0x1AB80] =	vst v63  }
0x56: {  	_ =	swait.ge [sflag:s12], $0x2000  }
0x57: {  	s22 =	smov.u32 s25;
	s21 =	sshra.s32 s24, $0x2;
	[sflag:s12] =	ssyncset.done $0x0  }
0x58: {  	s22 =	sadd.s32 $0x4E80, s21;
	[sflag:s12] =	ssyncadd.s32 $0xFFFFE000  }
0x59: {  	[tilespmem:s18], [sflag:$0x1] =	stream.indirect.gather [hbm4b:s4+s17], $0x40, s22, s17, $0xb8;
	[tilespmem:$0x1AB80] =	vst v63  }
0x5a: {  	_ =	swait.ge [sflag:s19], $0x2000  }
0x5b: {  	[sflag:s19] =	ssyncset.done $0x0  }
0x5c: {  	s31 =	sadd.s32 $0x9D00, s21;
	[sflag:s19] =	ssyncadd.s32 $0xFFFFE000  }
0x5d: {  	[spmem:s1] =	stream.indirect.scatter.add.f32 [tilespmem:s18], [sflag:$0x2], $0x40, s31, s17, $0xb8;
	[tilespmem:$0x1AB80] =	vst v63  }
0x5e: {  	_ =	swait.ge [sflag:s12], $0x2000  }
0x5f: {  	s20 =	sadd.s32 $0x1, s20;
	[sflag:s12] =	ssyncset.done $0x0  }
0x60: {  	p0 =	sne.s32 s20, s11;
	[sflag:s12] =	ssyncadd.s32 $0xFFFFE000  }
.Ltmp2:
0x61: {  	[bflag:$0x0] =	sbarrier.arrive $0xFFFF;
	(pc) =	sbr.rel @p0 .LBB2_1-.Ltmp2, $4  }
0x62: {  	[hbm:s10], [sflag:s15] =	dma.local [spmem:s16], $0x1400  }
0x63: {  	_ =	swait.ge [sflag:s12], $0x1400  }
0x64: {  	[sflag:s12] =	ssyncset.done $0x0  }
0x65: {  	[sflag:s12] =	ssyncadd.s32 $0xFFFFEC00  }
0x66: {  	_ =	sfence.sel $0x180000  }
0x67: {  	[bflag:$0x0] =	sbarrier.arrive $0xFFFF  }
0x68: {  	p0 =	sne.s32 s2, $0x0;
	_ =	strace $0x90000053  }
0x69: {  	s0 =	sadd.s32 @!p0 $0x100000, s0;
	[bflag:$0x2] =	sbarrier.arrive $0xFFFF  }
0x6a: {  	[sflag:s0] =	ssyncadd.tile.s32 @!p0 $0x1;
	_ =	shalt  }
.Lfunc_end2:
_tile_overlayer_lowered:
.L_overlay_start_2:
0x6b: {  	(tag) =	ssettag $0x2  }
0x6c: {  	s0 =	rddreg [dreg:$0x0];
	s2 =	stileid.u32  }
0x6d: {  	s1 =	rddreg [dreg:$0x1];
	p0 =	sne.s32 s2, $0x0  }
0x6e: {  	s3 =	rddreg [dreg:$0x2];
	[bflag:$0x3] =	sbarrier.arrive $0xFFFF;
	s2 =	simm.s32 @!p0 $0x1C02  }
0x6f: {  	[timem:s3], [sflag:s2] =	dma.local @!p0 [hbm:s0], s1  }
0x70: {  	s0 =	simm.s32 @!p0 $0x2  }
0x71: {  	_ =	swait.ge @!p0 [sflag:s0], s1  }
0x72: {  	s1 =	ssub.s32 @!p0 $0x0, s1;
	[sflag:s0] =	ssyncset.done @!p0 $0x0  }
0x73: {  	[sflag:s0] =	ssyncadd.s32 @!p0 s1  }
0x74: {  	[bflag:$0x3] =	sbarrier.arrive $0xFFFF  }
0x75: {  	_ =	shalt  }

</sc_bundles>
